<compile_context>
chip_gen: v7x
topology: tpu7x:2x2x1
jax: 0.10.2.dev20260603
libtpu: 0.0.44.dev20260713+nightly
codegen_flags: <defaults>
</compile_context>

<pallas_src>
import functools

import jax
import jax.numpy as jnp
from jax import lax
from jax.experimental import pallas as pl
from jax.experimental.pallas import tpu as pltpu
from jax.experimental.pallas import tpu_sc as plsc

N = 10000
NP = 10240
D = 128
E = 320000
NC, NS = 2, 16
NW = NC * NS
CH = 128
K = 80
EPAD = NW * K * CH
ZR = NP // NS
BS = 1280
GRID = NP // BS


def _sc_mesh():
    return plsc.VectorSubcoreMesh(
        core_axis_name="c", subcore_axis_name="s",
        num_cores=NC, num_subcores=NS)


@functools.lru_cache(maxsize=None)
def _build_sc_deg():
    @functools.partial(
        pl.kernel,
        out_type=jax.ShapeDtypeStruct((NC, NP), jnp.float32),
        mesh=_sc_mesh(),
        scratch_types=[
            pltpu.VMEM((K, CH), jnp.int32),
            pltpu.VMEM((CH,), jnp.float32),
            pltpu.VMEM((ZR,), jnp.float32),
            pltpu.VMEM_SHARED((NP,), jnp.float32),
        ],
    )
    def deg_kernel(col_hbm, zeros1_hbm, ones_hbm, out_hbm,
                   colv, onesv, bounce, deg_sh):
        c = lax.axis_index("c")
        s = lax.axis_index("s")
        wid = s * NC + c
        pltpu.sync_copy(zeros1_hbm, deg_sh.at[pl.ds(s * ZR, ZR)])
        pltpu.sync_copy(ones_hbm, onesv)
        pltpu.sync_copy(col_hbm.at[wid], colv)
        plsc.subcore_barrier()

        def body(j, carry):
            pltpu.sync_copy(onesv, deg_sh.at[colv.at[j]], add=True)
            return carry

        lax.fori_loop(0, K, body, 0, unroll=False)
        plsc.subcore_barrier()
        pltpu.sync_copy(deg_sh.at[pl.ds(s * ZR, ZR)], bounce)
        pltpu.sync_copy(bounce, out_hbm.at[c, pl.ds(s * ZR, ZR)])

    return deg_kernel


def _sc_deg(colp, zeros1, ones):
    return _build_sc_deg()(colp, zeros1, ones)


@functools.lru_cache(maxsize=None)
def _build_sc_agg():
    @functools.partial(
        pl.kernel,
        out_type=jax.ShapeDtypeStruct((NC, NP, D), jnp.float32),
        mesh=_sc_mesh(),
        scratch_types=[
            pltpu.VMEM((K // 2, CH), jnp.int32),
            pltpu.VMEM((K // 2, CH), jnp.int32),
            pltpu.VMEM((CH, D), jnp.float32),
            pltpu.VMEM((CH, D), jnp.float32),
            pltpu.VMEM_SHARED((NP, D), jnp.float32),
            pltpu.SemaphoreType.DMA,
            pltpu.SemaphoreType.DMA,
            pltpu.SemaphoreType.DMA,
            pltpu.SemaphoreType.DMA,
        ],
    )
    def agg_kernel(hs_hbm, row_hbm, col_hbm, zeros2_hbm, out_hbm,
                   rowv, colv, g0, g1, agg_sh, sem0, sem1, ssem0, ssem1):
        c = lax.axis_index("c")
        s = lax.axis_index("s")
        wid = s * NC + c
        K2 = K // 2
        pltpu.sync_copy(zeros2_hbm, agg_sh.at[pl.ds(s * ZR, ZR), :])
        plsc.subcore_barrier()

        def body(g, carry):
            j0 = 2 * g
            j1 = j0 + 1
            pltpu.make_async_copy(hs_hbm.at[rowv.at[j0]], g0, sem0).wait()
            pltpu.async_copy(g0, agg_sh.at[colv.at[j0]], ssem0, add=True)
            pltpu.make_async_copy(hs_hbm.at[rowv.at[j1]], g1, sem1).wait()
            pltpu.async_copy(g1, agg_sh.at[colv.at[j1]], ssem1, add=True)
            jn0 = jnp.minimum(j0 + 2, K2 - 1)
            jn1 = jnp.minimum(j1 + 2, K2 - 1)
            pltpu.make_async_copy(g0, agg_sh.at[colv.at[j0]], ssem0).wait()
            pltpu.async_copy(hs_hbm.at[rowv.at[jn0]], g0, sem0)
            pltpu.make_async_copy(g1, agg_sh.at[colv.at[j1]], ssem1).wait()
            pltpu.async_copy(hs_hbm.at[rowv.at[jn1]], g1, sem1)
            return carry

        for h in range(2):
            pltpu.sync_copy(row_hbm.at[wid, pl.ds(h * K2, K2)], rowv)
            pltpu.sync_copy(col_hbm.at[wid, pl.ds(h * K2, K2)], colv)
            pltpu.async_copy(hs_hbm.at[rowv.at[0]], g0, sem0)
            pltpu.async_copy(hs_hbm.at[rowv.at[1]], g1, sem1)
            lax.fori_loop(0, K2 // 2, body, 0, unroll=False)
            pltpu.make_async_copy(hs_hbm.at[rowv.at[K2 - 1]], g0, sem0).wait()
            pltpu.make_async_copy(hs_hbm.at[rowv.at[K2 - 1]], g1, sem1).wait()
        plsc.subcore_barrier()
        for k in range(ZR // CH):
            r = s * ZR + k * CH
            pltpu.sync_copy(agg_sh.at[pl.ds(r, CH), :], g0)
            pltpu.sync_copy(g0, out_hbm.at[c, pl.ds(r, CH), :])

    return agg_kernel


def _sc_agg(hs, rowp, colp, zeros2):
    return _build_sc_agg()(hs, rowp, colp, zeros2)



def _pre_body(x_ref, w_ref, dp_ref, dinv_ref, hs_ref):
    dsum = dp_ref[:, 0:1] + dp_ref[:, 1:2] + 1.0
    dinv = lax.rsqrt(dsum)
    h = jax.lax.dot_general(
        x_ref[...], w_ref[...], (((1,), (0,)), ((), ())),
        preferred_element_type=jnp.float32, precision=lax.Precision.HIGHEST)
    dinv_ref[...] = dinv
    hs_ref[...] = h * dinv


def _tc_pre(x_p, W, dp_t):
    return pl.pallas_call(
        _pre_body,
        grid=(GRID,),
        in_specs=[
            pl.BlockSpec((BS, D), lambda i: (i, 0)),
            pl.BlockSpec((D, D), lambda i: (0, 0)),
            pl.BlockSpec((BS, 2), lambda i: (i, 0)),
        ],
        out_specs=[
            pl.BlockSpec((BS, 1), lambda i: (i, 0)),
            pl.BlockSpec((BS, D), lambda i: (i, 0)),
        ],
        out_shape=[
            jax.ShapeDtypeStruct((NP, 1), jnp.float32),
            jax.ShapeDtypeStruct((NP, D), jnp.float32),
        ],
    )(x_p, W, dp_t)


def _stats_body(p_ref, hs_ref, dinv_ref, b_ref, t_ref, st_ref):
    i = pl.program_id(0)
    t = (p_ref[0] + p_ref[1] + hs_ref[...]) * dinv_ref[...] + b_ref[...]
    t_ref[...] = t
    rid = i * BS + lax.broadcasted_iota(jnp.int32, (BS, 1), 0)
    tm = jnp.where(rid < N, t, 0.0)

    @pl.when(i == 0)
    def _():
        st_ref[...] = jnp.zeros_like(st_ref)

    st_ref[0:1, :] += jnp.sum(tm, axis=0, keepdims=True)
    st_ref[1:2, :] += jnp.sum(tm * tm, axis=0, keepdims=True)


def _tc_stats(p, hs, dinv, b):
    return pl.pallas_call(
        _stats_body,
        grid=(GRID,),
        in_specs=[
            pl.BlockSpec((NC, BS, D), lambda i: (0, i, 0)),
            pl.BlockSpec((BS, D), lambda i: (i, 0)),
            pl.BlockSpec((BS, 1), lambda i: (i, 0)),
            pl.BlockSpec((1, D), lambda i: (0, 0)),
        ],
        out_specs=[
            pl.BlockSpec((BS, D), lambda i: (i, 0)),
            pl.BlockSpec((8, D), lambda i: (0, 0)),
        ],
        out_shape=[
            jax.ShapeDtypeStruct((NP, D), jnp.float32),
            jax.ShapeDtypeStruct((8, D), jnp.float32),
        ],
    )(p, hs, dinv, b)


def _mid_body(t_ref, st_ref, g_ref, bt_ref, w_ref, dinv_ref, hs2_ref):
    mu = st_ref[0:1, :] * (1.0 / N)
    var = st_ref[1:2, :] * (1.0 / N) - mu * mu
    y = (t_ref[...] - mu) * lax.rsqrt(var + 1e-5) * g_ref[...] + bt_ref[...]
    r = jnp.maximum(y, 0.0)
    h = jax.lax.dot_general(
        r, w_ref[...], (((1,), (0,)), ((), ())),
        preferred_element_type=jnp.float32, precision=lax.Precision.HIGHEST)
    hs2_ref[...] = h * dinv_ref[...]


def _tc_mid(t, st, g, bt, W, dinv):
    return pl.pallas_call(
        _mid_body,
        grid=(GRID,),
        in_specs=[
            pl.BlockSpec((BS, D), lambda i: (i, 0)),
            pl.BlockSpec((8, D), lambda i: (0, 0)),
            pl.BlockSpec((1, D), lambda i: (0, 0)),
            pl.BlockSpec((1, D), lambda i: (0, 0)),
            pl.BlockSpec((D, D), lambda i: (0, 0)),
            pl.BlockSpec((BS, 1), lambda i: (i, 0)),
        ],
        out_specs=pl.BlockSpec((BS, D), lambda i: (i, 0)),
        out_shape=jax.ShapeDtypeStruct((NP, D), jnp.float32),
    )(t, st, g, bt, W, dinv)


def _post_body(u_ref, st_ref, g_ref, bt_ref, x_ref, o_ref):
    mu = st_ref[0:1, :] * (1.0 / N)
    var = st_ref[1:2, :] * (1.0 / N) - mu * mu
    y = (u_ref[...] - mu) * lax.rsqrt(var + 1e-5) * g_ref[...] + bt_ref[...]
    o_ref[...] = jnp.maximum(y + x_ref[...], 0.0)


def _tc_post(u, st, g, bt, x_p):
    return pl.pallas_call(
        _post_body,
        grid=(GRID,),
        in_specs=[
            pl.BlockSpec((BS, D), lambda i: (i, 0)),
            pl.BlockSpec((8, D), lambda i: (0, 0)),
            pl.BlockSpec((1, D), lambda i: (0, 0)),
            pl.BlockSpec((1, D), lambda i: (0, 0)),
            pl.BlockSpec((BS, D), lambda i: (i, 0)),
        ],
        out_specs=pl.BlockSpec((BS, D), lambda i: (i, 0)),
        out_shape=jax.ShapeDtypeStruct((NP, D), jnp.float32),
    )(u, st, g, bt, x_p)



def kernel(x, edge_index, W1, b1, g1, bt1, W2, b2, g2, bt2):
    row = edge_index[0]
    col = edge_index[1]
    padw = (EPAD - E) // NW
    padrow = jnp.zeros((NW, padw), jnp.int32)
    padcol = jnp.broadcast_to(
        N + jnp.arange(padw, dtype=jnp.int32), (NW, padw))
    rowp = jnp.concatenate(
        [row.reshape(NW, E // NW), padrow], axis=1).reshape(NW, K, CH)
    colp = jnp.concatenate(
        [col.reshape(NW, E // NW), padcol], axis=1).reshape(NW, K, CH)
    x_p = jnp.pad(x, ((0, NP - N), (0, 0)))
    zeros1 = jnp.zeros((ZR,), jnp.float32)
    zeros2 = jnp.zeros((ZR, D), jnp.float32)
    ones = jnp.ones((CH,), jnp.float32)
    b1r, g1r, bt1r = b1.reshape(1, D), g1.reshape(1, D), bt1.reshape(1, D)
    b2r, g2r, bt2r = b2.reshape(1, D), g2.reshape(1, D), bt2.reshape(1, D)

    dp = _sc_deg(colp, zeros1, ones)
    dinv, hs1 = _tc_pre(x_p, W1, dp.T)

    p1 = _sc_agg(hs1, rowp, colp, zeros2)
    t, st1 = _tc_stats(p1, hs1, dinv, b1r)
    hs2 = _tc_mid(t, st1, g1r, bt1r, W2, dinv)

    p2 = _sc_agg(hs2, rowp, colp, zeros2)
    u, st2 = _tc_stats(p2, hs2, dinv, b2r)
    outp = _tc_post(u, st2, g2r, bt2r, x_p)
    return outp[:N]

# --- scband reference (transcript-rebuilt; emitter-appended) ---
"""Pipeline reference for scband-gcnresidual-block-75505525064552 (READ-ONLY COPY).

The authoritative reference and input builder live on the scoring server;
editing this copy changes nothing except your own understanding.
"""

import jax, jax.numpy as jnp
import numpy as np

N = 10000
E = 320000
D = 128


def setup_inputs(seed: int = 0) -> dict:
    key = jax.random.key(seed)
    ks = jax.random.split(key, 4)
    x = jax.random.normal(ks[0], (N, D), dtype=jnp.float32)
    edge_index = jax.random.randint(ks[1], (2, E), 0, N, dtype=jnp.int32)
    W1 = jax.random.normal(ks[2], (D, D), dtype=jnp.float32) * (1.0 / np.sqrt(D))
    b1 = jnp.zeros((D,), dtype=jnp.float32)
    g1 = jnp.ones((D,), dtype=jnp.float32)
    bt1 = jnp.zeros((D,), dtype=jnp.float32)
    W2 = jax.random.normal(ks[3], (D, D), dtype=jnp.float32) * (1.0 / np.sqrt(D))
    b2 = jnp.zeros((D,), dtype=jnp.float32)
    g2 = jnp.ones((D,), dtype=jnp.float32)
    bt2 = jnp.zeros((D,), dtype=jnp.float32)
    return {"x": x, "edge_index": edge_index, "W1": W1, "b1": b1, "g1": g1, "bt1": bt1,
            "W2": W2, "b2": b2, "g2": g2, "bt2": bt2}


def _gcn_conv(x, edge_index, W, b):
    # PyG GCNConv with add_self_loops=True, normalize=True, edge_weight=None
    num_nodes = x.shape[0]
    row = edge_index[0]
    col = edge_index[1]
    loop = jnp.arange(num_nodes, dtype=row.dtype)
    row = jnp.concatenate([row, loop])
    col = jnp.concatenate([col, loop])
    ew = jnp.ones((row.shape[0],), dtype=x.dtype)
    deg = jnp.zeros((num_nodes,), dtype=x.dtype).at[col].add(ew)
    dinv = jnp.where(deg > 0, deg ** -0.5, 0.0)
    norm = dinv[row] * ew * dinv[col]
    h = x @ W
    msg = h[row] * norm[:, None]
    out = jnp.zeros((num_nodes, W.shape[1]), dtype=x.dtype).at[col].add(msg)
    return out + b


def _batchnorm(x, g, b, eps=1e-5):
    # BatchNorm1d in training mode: batch statistics
    mu = jnp.mean(x, axis=0)
    var = jnp.var(x, axis=0)
    return (x - mu) / jnp.sqrt(var + eps) * g + b


def reference(x, edge_index, W1, b1, g1, bt1, W2, b2, g2, bt2):
    identity = x
    out = _gcn_conv(x, edge_index, W1, b1)
    out = _batchnorm(out, g1, bt1)
    out = jax.nn.relu(out)
    out = _gcn_conv(out, edge_index, W2, b2)
    out = _batchnorm(out, g2, bt2)
    out = out + identity  # residual active since in_dim == hidden_dim
    out = jax.nn.relu(out)
    return out

if __name__ == "__main__":
    import jax
    _d = setup_inputs()
    print(jax.jit(kernel)(*tuple(_d.values())))

</pallas_src>

<mosaic_0001>
#map = affine_map<(d0, d1) -> (0, 0)>
#map1 = affine_map<(d0, d1) -> (0, 0, 0)>
module attributes {stable_mosaic.version = 14 : i64} {
  func.func @agg_kernel(%arg0: i32, %arg1: i32, %arg2: memref<10240x128xf32, #tpu.memory_space<hbm>>, %arg3: memref<32x80x128xi32, #tpu.memory_space<hbm>>, %arg4: memref<32x80x128xi32, #tpu.memory_space<hbm>>, %arg5: memref<640x128xf32, #tpu.memory_space<hbm>>, %arg6: memref<2x10240x128xf32, #tpu.memory_space<hbm>>, %arg7: memref<40x128xi32, #tpu.memory_space<vmem>>, %arg8: memref<40x128xi32, #tpu.memory_space<vmem>>, %arg9: memref<128x128xf32, #tpu.memory_space<vmem>>, %arg10: memref<128x128xf32, #tpu.memory_space<vmem>>, %arg11: memref<10240x128xf32, #tpu.memory_space<vmem_shared>>, %arg12: memref<!tpu.dma_semaphore, #tpu.memory_space<semaphore_mem>>, %arg13: memref<!tpu.dma_semaphore, #tpu.memory_space<semaphore_mem>>, %arg14: memref<!tpu.dma_semaphore, #tpu.memory_space<semaphore_mem>>, %arg15: memref<!tpu.dma_semaphore, #tpu.memory_space<semaphore_mem>>) attributes {dimension_semantics = [#tpu.dimension_semantics<core_parallel>, #tpu.dimension_semantics<subcore_parallel>], iteration_bounds = array<i64: 2, 16>, scalar_prefetch = 0 : i64, scratch_operands = 9 : i64, tpu.core_type = #tpu.core_type<sc_vector_subcore>, window_params = [{transform_indices = #map}, {transform_indices = #map1}, {transform_indices = #map1}, {transform_indices = #map}, {transform_indices = #map1}]} {
    %mul3A = arith.constant 2 : i32
    %mul3A_0 = arith.muli %arg1, %mul3A : i32
    %add3A = arith.addi %mul3A_0, %arg0 : i32
    %mul3A_1 = arith.constant 640 : i32
    %mul3A_2 = arith.muli %arg1, %mul3A_1 : i32
    "tpu.region"() ({
      %run_scoped3A = tpu.sem_alloc : memref<!tpu.dma_semaphore, #tpu.memory_space<semaphore_mem>>
      %dma_start3A_89 = arith.constant 0 : i32
      %dma_start3A_90 = tpu.memref_slice %arg11[%mul3A_2, %dma_start3A_89] : memref<10240x128xf32, #tpu.memory_space<vmem_shared>> -> memref<640x128xf32, #tpu.memory_space<vmem_shared>>
      tpu.enqueue_dma source(%arg5 : memref<640x128xf32, #tpu.memory_space<hbm>>) target(%dma_start3A_90 : memref<640x128xf32, #tpu.memory_space<vmem_shared>>) target_semaphore(%run_scoped3A : memref<!tpu.dma_semaphore, #tpu.memory_space<semaphore_mem>>)
      %dma_wait3A_91 = arith.constant 0 : i32
      %dma_wait3A_92 = tpu.memref_slice %arg11[%mul3A_2, %dma_wait3A_91] : memref<10240x128xf32, #tpu.memory_space<vmem_shared>> -> memref<640x128xf32, #tpu.memory_space<vmem_shared>>
      tpu.wait_dma2 semaphore(%run_scoped3A : memref<!tpu.dma_semaphore, #tpu.memory_space<semaphore_mem>>) src(%arg5 : memref<640x128xf32, #tpu.memory_space<hbm>>) dst(%dma_wait3A_92 : memref<640x128xf32, #tpu.memory_space<vmem_shared>>)
      tpu.yield
    }) : () -> ()
    %barrier3A = arith.constant 0 : index
    tpu.barrier barrier_id(%barrier3A)
    "tpu.region"() ({
      %run_scoped3A = tpu.sem_alloc : memref<!tpu.dma_semaphore, #tpu.memory_space<semaphore_mem>>
      %dma_start3A_89 = arith.constant 0 : i32
      %dma_start3A_90 = arith.constant 0 : i32
      %dma_start3A_91 = tpu.memref_slice %arg3[%add3A, %dma_start3A_89, %dma_start3A_90] : memref<32x80x128xi32, #tpu.memory_space<hbm>> -> memref<1x40x128xi32, #tpu.memory_space<hbm>>
      %dma_start3A_92 = tpu.memref_squeeze %dma_start3A_91 : memref<1x40x128xi32, #tpu.memory_space<hbm>> -> memref<40x128xi32, #tpu.memory_space<hbm>>
      %dma_start3A_93 = arith.constant 0 : i32
      %dma_start3A_94 = arith.constant 0 : i32
      %dma_start3A_95 = tpu.memref_slice %arg3[%add3A, %dma_start3A_93, %dma_start3A_94] : memref<32x80x128xi32, #tpu.memory_space<hbm>> -> memref<1x40x128xi32, #tpu.memory_space<hbm>>
      %dma_start3A_96 = tpu.memref_squeeze %dma_start3A_95 : memref<1x40x128xi32, #tpu.memory_space<hbm>> -> memref<40x128xi32, #tpu.memory_space<hbm>>
      tpu.enqueue_dma source(%dma_start3A_96 : memref<40x128xi32, #tpu.memory_space<hbm>>) target(%arg7 : memref<40x128xi32, #tpu.memory_space<vmem>>) target_semaphore(%run_scoped3A : memref<!tpu.dma_semaphore, #tpu.memory_space<semaphore_mem>>)
      %dma_wait3A_97 = arith.constant 0 : i32
      %dma_wait3A_98 = arith.constant 0 : i32
      %dma_wait3A_99 = tpu.memref_slice %arg3[%add3A, %dma_wait3A_97, %dma_wait3A_98] : memref<32x80x128xi32, #tpu.memory_space<hbm>> -> memref<1x40x128xi32, #tpu.memory_space<hbm>>
      %dma_wait3A_100 = tpu.memref_squeeze %dma_wait3A_99 : memref<1x40x128xi32, #tpu.memory_space<hbm>> -> memref<40x128xi32, #tpu.memory_space<hbm>>
      %dma_wait3A_101 = arith.constant 0 : i32
      %dma_wait3A_102 = arith.constant 0 : i32
      %dma_wait3A_103 = tpu.memref_slice %arg3[%add3A, %dma_wait3A_101, %dma_wait3A_102] : memref<32x80x128xi32, #tpu.memory_space<hbm>> -> memref<1x40x128xi32, #tpu.memory_space<hbm>>
      %dma_wait3A_104 = tpu.memref_squeeze %dma_wait3A_103 : memref<1x40x128xi32, #tpu.memory_space<hbm>> -> memref<40x128xi32, #tpu.memory_space<hbm>>
      tpu.wait_dma2 semaphore(%run_scoped3A : memref<!tpu.dma_semaphore, #tpu.memory_space<semaphore_mem>>) src(%dma_wait3A_104 : memref<40x128xi32, #tpu.memory_space<hbm>>) dst(%arg7 : memref<40x128xi32, #tpu.memory_space<vmem>>)
      tpu.yield
    }) : () -> ()
    "tpu.region"() ({
      %run_scoped3A = tpu.sem_alloc : memref<!tpu.dma_semaphore, #tpu.memory_space<semaphore_mem>>
      %dma_start3A_89 = arith.constant 0 : i32
      %dma_start3A_90 = arith.constant 0 : i32
      %dma_start3A_91 = tpu.memref_slice %arg4[%add3A, %dma_start3A_89, %dma_start3A_90] : memref<32x80x128xi32, #tpu.memory_space<hbm>> -> memref<1x40x128xi32, #tpu.memory_space<hbm>>
      %dma_start3A_92 = tpu.memref_squeeze %dma_start3A_91 : memref<1x40x128xi32, #tpu.memory_space<hbm>> -> memref<40x128xi32, #tpu.memory_space<hbm>>
      %dma_start3A_93 = arith.constant 0 : i32
      %dma_start3A_94 = arith.constant 0 : i32
      %dma_start3A_95 = tpu.memref_slice %arg4[%add3A, %dma_start3A_93, %dma_start3A_94] : memref<32x80x128xi32, #tpu.memory_space<hbm>> -> memref<1x40x128xi32, #tpu.memory_space<hbm>>
      %dma_start3A_96 = tpu.memref_squeeze %dma_start3A_95 : memref<1x40x128xi32, #tpu.memory_space<hbm>> -> memref<40x128xi32, #tpu.memory_space<hbm>>
      tpu.enqueue_dma source(%dma_start3A_96 : memref<40x128xi32, #tpu.memory_space<hbm>>) target(%arg8 : memref<40x128xi32, #tpu.memory_space<vmem>>) target_semaphore(%run_scoped3A : memref<!tpu.dma_semaphore, #tpu.memory_space<semaphore_mem>>)
      %dma_wait3A_97 = arith.constant 0 : i32
      %dma_wait3A_98 = arith.constant 0 : i32
      %dma_wait3A_99 = tpu.memref_slice %arg4[%add3A, %dma_wait3A_97, %dma_wait3A_98] : memref<32x80x128xi32, #tpu.memory_space<hbm>> -> memref<1x40x128xi32, #tpu.memory_space<hbm>>
      %dma_wait3A_100 = tpu.memref_squeeze %dma_wait3A_99 : memref<1x40x128xi32, #tpu.memory_space<hbm>> -> memref<40x128xi32, #tpu.memory_space<hbm>>
      %dma_wait3A_101 = arith.constant 0 : i32
      %dma_wait3A_102 = arith.constant 0 : i32
      %dma_wait3A_103 = tpu.memref_slice %arg4[%add3A, %dma_wait3A_101, %dma_wait3A_102] : memref<32x80x128xi32, #tpu.memory_space<hbm>> -> memref<1x40x128xi32, #tpu.memory_space<hbm>>
      %dma_wait3A_104 = tpu.memref_squeeze %dma_wait3A_103 : memref<1x40x128xi32, #tpu.memory_space<hbm>> -> memref<40x128xi32, #tpu.memory_space<hbm>>
      tpu.wait_dma2 semaphore(%run_scoped3A : memref<!tpu.dma_semaphore, #tpu.memory_space<semaphore_mem>>) src(%dma_wait3A_104 : memref<40x128xi32, #tpu.memory_space<hbm>>) dst(%arg8 : memref<40x128xi32, #tpu.memory_space<vmem>>)
      tpu.yield
    }) : () -> ()
    %dma_start3A = arith.constant 0 : i32
    %dma_start3A_3 = arith.constant 0 : i32
    %dma_start3A_4 = tpu.memref_slice %arg7[%dma_start3A, %dma_start3A_3] : memref<40x128xi32, #tpu.memory_space<vmem>> -> memref<1x128xi32, #tpu.memory_space<vmem>>
    %dma_start3A_5 = tpu.memref_squeeze %dma_start3A_4 : memref<1x128xi32, #tpu.memory_space<vmem>> -> memref<128xi32, #tpu.memory_space<vmem>>
    %dma_start3A_6 = arith.constant 0 : i32
    %dma_start3A_7 = arith.constant 0 : i32
    %dma_start3A_8 = tpu.memref_slice %arg2[%dma_start3A_6, %dma_start3A_7] : memref<10240x128xf32, #tpu.memory_space<hbm>> -> memref<10240x128xf32, #tpu.memory_space<hbm>>
    tpu.enqueue_indirect_dma source(%dma_start3A_8 : memref<10240x128xf32, #tpu.memory_space<hbm>>) target(%arg9 : memref<128x128xf32, #tpu.memory_space<vmem>>) offsets(%dma_start3A_5 : memref<128xi32, #tpu.memory_space<vmem>>) semaphore(%arg12 : memref<!tpu.dma_semaphore, #tpu.memory_space<semaphore_mem>>)
    %dma_start3A_9 = arith.constant 1 : i32
    %dma_start3A_10 = arith.constant 0 : i32
    %dma_start3A_11 = tpu.memref_slice %arg7[%dma_start3A_9, %dma_start3A_10] : memref<40x128xi32, #tpu.memory_space<vmem>> -> memref<1x128xi32, #tpu.memory_space<vmem>>
    %dma_start3A_12 = tpu.memref_squeeze %dma_start3A_11 : memref<1x128xi32, #tpu.memory_space<vmem>> -> memref<128xi32, #tpu.memory_space<vmem>>
    %dma_start3A_13 = arith.constant 0 : i32
    %dma_start3A_14 = arith.constant 0 : i32
    %dma_start3A_15 = tpu.memref_slice %arg2[%dma_start3A_13, %dma_start3A_14] : memref<10240x128xf32, #tpu.memory_space<hbm>> -> memref<10240x128xf32, #tpu.memory_space<hbm>>
    tpu.enqueue_indirect_dma source(%dma_start3A_15 : memref<10240x128xf32, #tpu.memory_space<hbm>>) target(%arg10 : memref<128x128xf32, #tpu.memory_space<vmem>>) offsets(%dma_start3A_12 : memref<128xi32, #tpu.memory_space<vmem>>) semaphore(%arg13 : memref<!tpu.dma_semaphore, #tpu.memory_space<semaphore_mem>>)
    %scan3A = arith.constant 0 : i32
    %scan3A_16 = arith.constant 0 : i32
    %scan3A_17 = arith.constant 20 : i32
    %scan3A_18 = arith.addi %scan3A_16, %scan3A_17 : i32
    %scan3A_19 = arith.constant 1 : i32
    scf.for %scan3A_89 = %scan3A_16 to %scan3A_18 step %scan3A_19  : i32 {
      %mul3A_90 = arith.constant 2 : i32
      %mul3A_91 = arith.muli %mul3A_90, %scan3A_89 : i32
      %add3A_92 = arith.constant 1 : i32
      %add3A_93 = arith.addi %mul3A_91, %add3A_92 : i32
      %dma_wait3A_94 = arith.constant 0 : i32
      %dma_wait3A_95 = tpu.memref_slice %arg7[%mul3A_91, %dma_wait3A_94] : memref<40x128xi32, #tpu.memory_space<vmem>> -> memref<1x128xi32, #tpu.memory_space<vmem>>
      %dma_wait3A_96 = tpu.memref_squeeze %dma_wait3A_95 : memref<1x128xi32, #tpu.memory_space<vmem>> -> memref<128xi32, #tpu.memory_space<vmem>>
      %dma_wait3A_97 = arith.constant 0 : i32
      %dma_wait3A_98 = arith.constant 0 : i32
      %dma_wait3A_99 = tpu.memref_slice %arg2[%dma_wait3A_97, %dma_wait3A_98] : memref<10240x128xf32, #tpu.memory_space<hbm>> -> memref<10240x128xf32, #tpu.memory_space<hbm>>
      tpu.wait_indirect_dma semaphore(%arg12 : memref<!tpu.dma_semaphore, #tpu.memory_space<semaphore_mem>>) src(%dma_wait3A_99 : memref<10240x128xf32, #tpu.memory_space<hbm>>) dst(%arg9 : memref<128x128xf32, #tpu.memory_space<vmem>>)
      %dma_start3A_100 = arith.constant 0 : i32
      %dma_start3A_101 = tpu.memref_slice %arg8[%mul3A_91, %dma_start3A_100] : memref<40x128xi32, #tpu.memory_space<vmem>> -> memref<1x128xi32, #tpu.memory_space<vmem>>
      %dma_start3A_102 = tpu.memref_squeeze %dma_start3A_101 : memref<1x128xi32, #tpu.memory_space<vmem>> -> memref<128xi32, #tpu.memory_space<vmem>>
      %dma_start3A_103 = arith.constant 0 : i32
      %dma_start3A_104 = arith.constant 0 : i32
      %dma_start3A_105 = tpu.memref_slice %arg11[%dma_start3A_103, %dma_start3A_104] : memref<10240x128xf32, #tpu.memory_space<vmem_shared>> -> memref<10240x128xf32, #tpu.memory_space<vmem_shared>>
      tpu.enqueue_indirect_dma source(%arg9 : memref<128x128xf32, #tpu.memory_space<vmem>>) target(%dma_start3A_105 : memref<10240x128xf32, #tpu.memory_space<vmem_shared>>) offsets(%dma_start3A_102 : memref<128xi32, #tpu.memory_space<vmem>>) semaphore(%arg14 : memref<!tpu.dma_semaphore, #tpu.memory_space<semaphore_mem>>) {add = true}
      %dma_wait3A_106 = arith.constant 0 : i32
      %dma_wait3A_107 = tpu.memref_slice %arg7[%add3A_93, %dma_wait3A_106] : memref<40x128xi32, #tpu.memory_space<vmem>> -> memref<1x128xi32, #tpu.memory_space<vmem>>
      %dma_wait3A_108 = tpu.memref_squeeze %dma_wait3A_107 : memref<1x128xi32, #tpu.memory_space<vmem>> -> memref<128xi32, #tpu.memory_space<vmem>>
      %dma_wait3A_109 = arith.constant 0 : i32
      %dma_wait3A_110 = arith.constant 0 : i32
      %dma_wait3A_111 = tpu.memref_slice %arg2[%dma_wait3A_109, %dma_wait3A_110] : memref<10240x128xf32, #tpu.memory_space<hbm>> -> memref<10240x128xf32, #tpu.memory_space<hbm>>
      tpu.wait_indirect_dma semaphore(%arg13 : memref<!tpu.dma_semaphore, #tpu.memory_space<semaphore_mem>>) src(%dma_wait3A_111 : memref<10240x128xf32, #tpu.memory_space<hbm>>) dst(%arg10 : memref<128x128xf32, #tpu.memory_space<vmem>>)
      %dma_start3A_112 = arith.constant 0 : i32
      %dma_start3A_113 = tpu.memref_slice %arg8[%add3A_93, %dma_start3A_112] : memref<40x128xi32, #tpu.memory_space<vmem>> -> memref<1x128xi32, #tpu.memory_space<vmem>>
      %dma_start3A_114 = tpu.memref_squeeze %dma_start3A_113 : memref<1x128xi32, #tpu.memory_space<vmem>> -> memref<128xi32, #tpu.memory_space<vmem>>
      %dma_start3A_115 = arith.constant 0 : i32
      %dma_start3A_116 = arith.constant 0 : i32
      %dma_start3A_117 = tpu.memref_slice %arg11[%dma_start3A_115, %dma_start3A_116] : memref<10240x128xf32, #tpu.memory_space<vmem_shared>> -> memref<10240x128xf32, #tpu.memory_space<vmem_shared>>
      tpu.enqueue_indirect_dma source(%arg10 : memref<128x128xf32, #tpu.memory_space<vmem>>) target(%dma_start3A_117 : memref<10240x128xf32, #tpu.memory_space<vmem_shared>>) offsets(%dma_start3A_114 : memref<128xi32, #tpu.memory_space<vmem>>) semaphore(%arg15 : memref<!tpu.dma_semaphore, #tpu.memory_space<semaphore_mem>>) {add = true}
      %add3A_118 = arith.constant 2 : i32
      %add3A_119 = arith.addi %mul3A_91, %add3A_118 : i32
      %min3A = arith.constant 39 : i32
      %min3A_120 = arith.minsi %add3A_119, %min3A : i32
      %add3A_121 = arith.constant 2 : i32
      %add3A_122 = arith.addi %add3A_93, %add3A_121 : i32
      %min3A_123 = arith.constant 39 : i32
      %min3A_124 = arith.minsi %add3A_122, %min3A_123 : i32
      %dma_wait3A_125 = arith.constant 0 : i32
      %dma_wait3A_126 = tpu.memref_slice %arg8[%mul3A_91, %dma_wait3A_125] : memref<40x128xi32, #tpu.memory_space<vmem>> -> memref<1x128xi32, #tpu.memory_space<vmem>>
      %dma_wait3A_127 = tpu.memref_squeeze %dma_wait3A_126 : memref<1x128xi32, #tpu.memory_space<vmem>> -> memref<128xi32, #tpu.memory_space<vmem>>
      %dma_wait3A_128 = arith.constant 0 : i32
      %dma_wait3A_129 = arith.constant 0 : i32
      %dma_wait3A_130 = tpu.memref_slice %arg11[%dma_wait3A_128, %dma_wait3A_129] : memref<10240x128xf32, #tpu.memory_space<vmem_shared>> -> memref<10240x128xf32, #tpu.memory_space<vmem_shared>>
      tpu.wait_indirect_dma semaphore(%arg14 : memref<!tpu.dma_semaphore, #tpu.memory_space<semaphore_mem>>) src(%arg9 : memref<128x128xf32, #tpu.memory_space<vmem>>) dst(%dma_wait3A_130 : memref<10240x128xf32, #tpu.memory_space<vmem_shared>>)
      %dma_start3A_131 = arith.constant 0 : i32
      %dma_start3A_132 = tpu.memref_slice %arg7[%min3A_120, %dma_start3A_131] : memref<40x128xi32, #tpu.memory_space<vmem>> -> memref<1x128xi32, #tpu.memory_space<vmem>>
      %dma_start3A_133 = tpu.memref_squeeze %dma_start3A_132 : memref<1x128xi32, #tpu.memory_space<vmem>> -> memref<128xi32, #tpu.memory_space<vmem>>
      %dma_start3A_134 = arith.constant 0 : i32
      %dma_start3A_135 = arith.constant 0 : i32
      %dma_start3A_136 = tpu.memref_slice %arg2[%dma_start3A_134, %dma_start3A_135] : memref<10240x128xf32, #tpu.memory_space<hbm>> -> memref<10240x128xf32, #tpu.memory_space<hbm>>
      tpu.enqueue_indirect_dma source(%dma_start3A_136 : memref<10240x128xf32, #tpu.memory_space<hbm>>) target(%arg9 : memref<128x128xf32, #tpu.memory_space<vmem>>) offsets(%dma_start3A_133 : memref<128xi32, #tpu.memory_space<vmem>>) semaphore(%arg12 : memref<!tpu.dma_semaphore, #tpu.memory_space<semaphore_mem>>)
      %dma_wait3A_137 = arith.constant 0 : i32
      %dma_wait3A_138 = tpu.memref_slice %arg8[%add3A_93, %dma_wait3A_137] : memref<40x128xi32, #tpu.memory_space<vmem>> -> memref<1x128xi32, #tpu.memory_space<vmem>>
      %dma_wait3A_139 = tpu.memref_squeeze %dma_wait3A_138 : memref<1x128xi32, #tpu.memory_space<vmem>> -> memref<128xi32, #tpu.memory_space<vmem>>
      %dma_wait3A_140 = arith.constant 0 : i32
      %dma_wait3A_141 = arith.constant 0 : i32
      %dma_wait3A_142 = tpu.memref_slice %arg11[%dma_wait3A_140, %dma_wait3A_141] : memref<10240x128xf32, #tpu.memory_space<vmem_shared>> -> memref<10240x128xf32, #tpu.memory_space<vmem_shared>>
      tpu.wait_indirect_dma semaphore(%arg15 : memref<!tpu.dma_semaphore, #tpu.memory_space<semaphore_mem>>) src(%arg10 : memref<128x128xf32, #tpu.memory_space<vmem>>) dst(%dma_wait3A_142 : memref<10240x128xf32, #tpu.memory_space<vmem_shared>>)
      %dma_start3A_143 = arith.constant 0 : i32
      %dma_start3A_144 = tpu.memref_slice %arg7[%min3A_124, %dma_start3A_143] : memref<40x128xi32, #tpu.memory_space<vmem>> -> memref<1x128xi32, #tpu.memory_space<vmem>>
      %dma_start3A_145 = tpu.memref_squeeze %dma_start3A_144 : memref<1x128xi32, #tpu.memory_space<vmem>> -> memref<128xi32, #tpu.memory_space<vmem>>
      %dma_start3A_146 = arith.constant 0 : i32
      %dma_start3A_147 = arith.constant 0 : i32
      %dma_start3A_148 = tpu.memref_slice %arg2[%dma_start3A_146, %dma_start3A_147] : memref<10240x128xf32, #tpu.memory_space<hbm>> -> memref<10240x128xf32, #tpu.memory_space<hbm>>
      tpu.enqueue_indirect_dma source(%dma_start3A_148 : memref<10240x128xf32, #tpu.memory_space<hbm>>) target(%arg10 : memref<128x128xf32, #tpu.memory_space<vmem>>) offsets(%dma_start3A_145 : memref<128xi32, #tpu.memory_space<vmem>>) semaphore(%arg13 : memref<!tpu.dma_semaphore, #tpu.memory_space<semaphore_mem>>)
    }
    %scan3A_20 = arith.constant 20 : i32
    %dma_wait3A = arith.constant 39 : i32
    %dma_wait3A_21 = arith.constant 0 : i32
    %dma_wait3A_22 = tpu.memref_slice %arg7[%dma_wait3A, %dma_wait3A_21] : memref<40x128xi32, #tpu.memory_space<vmem>> -> memref<1x128xi32, #tpu.memory_space<vmem>>
    %dma_wait3A_23 = tpu.memref_squeeze %dma_wait3A_22 : memref<1x128xi32, #tpu.memory_space<vmem>> -> memref<128xi32, #tpu.memory_space<vmem>>
    %dma_wait3A_24 = arith.constant 0 : i32
    %dma_wait3A_25 = arith.constant 0 : i32
    %dma_wait3A_26 = tpu.memref_slice %arg2[%dma_wait3A_24, %dma_wait3A_25] : memref<10240x128xf32, #tpu.memory_space<hbm>> -> memref<10240x128xf32, #tpu.memory_space<hbm>>
    tpu.wait_indirect_dma semaphore(%arg12 : memref<!tpu.dma_semaphore, #tpu.memory_space<semaphore_mem>>) src(%dma_wait3A_26 : memref<10240x128xf32, #tpu.memory_space<hbm>>) dst(%arg9 : memref<128x128xf32, #tpu.memory_space<vmem>>)
    %dma_wait3A_27 = arith.constant 39 : i32
    %dma_wait3A_28 = arith.constant 0 : i32
    %dma_wait3A_29 = tpu.memref_slice %arg7[%dma_wait3A_27, %dma_wait3A_28] : memref<40x128xi32, #tpu.memory_space<vmem>> -> memref<1x128xi32, #tpu.memory_space<vmem>>
    %dma_wait3A_30 = tpu.memref_squeeze %dma_wait3A_29 : memref<1x128xi32, #tpu.memory_space<vmem>> -> memref<128xi32, #tpu.memory_space<vmem>>
    %dma_wait3A_31 = arith.constant 0 : i32
    %dma_wait3A_32 = arith.constant 0 : i32
    %dma_wait3A_33 = tpu.memref_slice %arg2[%dma_wait3A_31, %dma_wait3A_32] : memref<10240x128xf32, #tpu.memory_space<hbm>> -> memref<10240x128xf32, #tpu.memory_space<hbm>>
    tpu.wait_indirect_dma semaphore(%arg13 : memref<!tpu.dma_semaphore, #tpu.memory_space<semaphore_mem>>) src(%dma_wait3A_33 : memref<10240x128xf32, #tpu.memory_space<hbm>>) dst(%arg10 : memref<128x128xf32, #tpu.memory_space<vmem>>)
    "tpu.region"() ({
      %run_scoped3A = tpu.sem_alloc : memref<!tpu.dma_semaphore, #tpu.memory_space<semaphore_mem>>
      %dma_start3A_89 = arith.constant 40 : i32
      %dma_start3A_90 = arith.constant 0 : i32
      %dma_start3A_91 = tpu.memref_slice %arg3[%add3A, %dma_start3A_89, %dma_start3A_90] : memref<32x80x128xi32, #tpu.memory_space<hbm>> -> memref<1x40x128xi32, #tpu.memory_space<hbm>>
      %dma_start3A_92 = tpu.memref_squeeze %dma_start3A_91 : memref<1x40x128xi32, #tpu.memory_space<hbm>> -> memref<40x128xi32, #tpu.memory_space<hbm>>
      %dma_start3A_93 = arith.constant 40 : i32
      %dma_start3A_94 = arith.constant 0 : i32
      %dma_start3A_95 = tpu.memref_slice %arg3[%add3A, %dma_start3A_93, %dma_start3A_94] : memref<32x80x128xi32, #tpu.memory_space<hbm>> -> memref<1x40x128xi32, #tpu.memory_space<hbm>>
      %dma_start3A_96 = tpu.memref_squeeze %dma_start3A_95 : memref<1x40x128xi32, #tpu.memory_space<hbm>> -> memref<40x128xi32, #tpu.memory_space<hbm>>
      tpu.enqueue_dma source(%dma_start3A_96 : memref<40x128xi32, #tpu.memory_space<hbm>>) target(%arg7 : memref<40x128xi32, #tpu.memory_space<vmem>>) target_semaphore(%run_scoped3A : memref<!tpu.dma_semaphore, #tpu.memory_space<semaphore_mem>>)
      %dma_wait3A_97 = arith.constant 40 : i32
      %dma_wait3A_98 = arith.constant 0 : i32
      %dma_wait3A_99 = tpu.memref_slice %arg3[%add3A, %dma_wait3A_97, %dma_wait3A_98] : memref<32x80x128xi32, #tpu.memory_space<hbm>> -> memref<1x40x128xi32, #tpu.memory_space<hbm>>
      %dma_wait3A_100 = tpu.memref_squeeze %dma_wait3A_99 : memref<1x40x128xi32, #tpu.memory_space<hbm>> -> memref<40x128xi32, #tpu.memory_space<hbm>>
      %dma_wait3A_101 = arith.constant 40 : i32
      %dma_wait3A_102 = arith.constant 0 : i32
      %dma_wait3A_103 = tpu.memref_slice %arg3[%add3A, %dma_wait3A_101, %dma_wait3A_102] : memref<32x80x128xi32, #tpu.memory_space<hbm>> -> memref<1x40x128xi32, #tpu.memory_space<hbm>>
      %dma_wait3A_104 = tpu.memref_squeeze %dma_wait3A_103 : memref<1x40x128xi32, #tpu.memory_space<hbm>> -> memref<40x128xi32, #tpu.memory_space<hbm>>
      tpu.wait_dma2 semaphore(%run_scoped3A : memref<!tpu.dma_semaphore, #tpu.memory_space<semaphore_mem>>) src(%dma_wait3A_104 : memref<40x128xi32, #tpu.memory_space<hbm>>) dst(%arg7 : memref<40x128xi32, #tpu.memory_space<vmem>>)
      tpu.yield
    }) : () -> ()
    "tpu.region"() ({
      %run_scoped3A = tpu.sem_alloc : memref<!tpu.dma_semaphore, #tpu.memory_space<semaphore_mem>>
      %dma_start3A_89 = arith.constant 40 : i32
      %dma_start3A_90 = arith.constant 0 : i32
      %dma_start3A_91 = tpu.memref_slice %arg4[%add3A, %dma_start3A_89, %dma_start3A_90] : memref<32x80x128xi32, #tpu.memory_space<hbm>> -> memref<1x40x128xi32, #tpu.memory_space<hbm>>
      %dma_start3A_92 = tpu.memref_squeeze %dma_start3A_91 : memref<1x40x128xi32, #tpu.memory_space<hbm>> -> memref<40x128xi32, #tpu.memory_space<hbm>>
      %dma_start3A_93 = arith.constant 40 : i32
      %dma_start3A_94 = arith.constant 0 : i32
      %dma_start3A_95 = tpu.memref_slice %arg4[%add3A, %dma_start3A_93, %dma_start3A_94] : memref<32x80x128xi32, #tpu.memory_space<hbm>> -> memref<1x40x128xi32, #tpu.memory_space<hbm>>
      %dma_start3A_96 = tpu.memref_squeeze %dma_start3A_95 : memref<1x40x128xi32, #tpu.memory_space<hbm>> -> memref<40x128xi32, #tpu.memory_space<hbm>>
      tpu.enqueue_dma source(%dma_start3A_96 : memref<40x128xi32, #tpu.memory_space<hbm>>) target(%arg8 : memref<40x128xi32, #tpu.memory_space<vmem>>) target_semaphore(%run_scoped3A : memref<!tpu.dma_semaphore, #tpu.memory_space<semaphore_mem>>)
      %dma_wait3A_97 = arith.constant 40 : i32
      %dma_wait3A_98 = arith.constant 0 : i32
      %dma_wait3A_99 = tpu.memref_slice %arg4[%add3A, %dma_wait3A_97, %dma_wait3A_98] : memref<32x80x128xi32, #tpu.memory_space<hbm>> -> memref<1x40x128xi32, #tpu.memory_space<hbm>>
      %dma_wait3A_100 = tpu.memref_squeeze %dma_wait3A_99 : memref<1x40x128xi32, #tpu.memory_space<hbm>> -> memref<40x128xi32, #tpu.memory_space<hbm>>
      %dma_wait3A_101 = arith.constant 40 : i32
      %dma_wait3A_102 = arith.constant 0 : i32
      %dma_wait3A_103 = tpu.memref_slice %arg4[%add3A, %dma_wait3A_101, %dma_wait3A_102] : memref<32x80x128xi32, #tpu.memory_space<hbm>> -> memref<1x40x128xi32, #tpu.memory_space<hbm>>
      %dma_wait3A_104 = tpu.memref_squeeze %dma_wait3A_103 : memref<1x40x128xi32, #tpu.memory_space<hbm>> -> memref<40x128xi32, #tpu.memory_space<hbm>>
      tpu.wait_dma2 semaphore(%run_scoped3A : memref<!tpu.dma_semaphore, #tpu.memory_space<semaphore_mem>>) src(%dma_wait3A_104 : memref<40x128xi32, #tpu.memory_space<hbm>>) dst(%arg8 : memref<40x128xi32, #tpu.memory_space<vmem>>)
      tpu.yield
    }) : () -> ()
    %dma_start3A_34 = arith.constant 0 : i32
    %dma_start3A_35 = arith.constant 0 : i32
    %dma_start3A_36 = tpu.memref_slice %arg7[%dma_start3A_34, %dma_start3A_35] : memref<40x128xi32, #tpu.memory_space<vmem>> -> memref<1x128xi32, #tpu.memory_space<vmem>>
    %dma_start3A_37 = tpu.memref_squeeze %dma_start3A_36 : memref<1x128xi32, #tpu.memory_space<vmem>> -> memref<128xi32, #tpu.memory_space<vmem>>
    %dma_start3A_38 = arith.constant 0 : i32
    %dma_start3A_39 = arith.constant 0 : i32
    %dma_start3A_40 = tpu.memref_slice %arg2[%dma_start3A_38, %dma_start3A_39] : memref<10240x128xf32, #tpu.memory_space<hbm>> -> memref<10240x128xf32, #tpu.memory_space<hbm>>
    tpu.enqueue_indirect_dma source(%dma_start3A_40 : memref<10240x128xf32, #tpu.memory_space<hbm>>) target(%arg9 : memref<128x128xf32, #tpu.memory_space<vmem>>) offsets(%dma_start3A_37 : memref<128xi32, #tpu.memory_space<vmem>>) semaphore(%arg12 : memref<!tpu.dma_semaphore, #tpu.memory_space<semaphore_mem>>)
    %dma_start3A_41 = arith.constant 1 : i32
    %dma_start3A_42 = arith.constant 0 : i32
    %dma_start3A_43 = tpu.memref_slice %arg7[%dma_start3A_41, %dma_start3A_42] : memref<40x128xi32, #tpu.memory_space<vmem>> -> memref<1x128xi32, #tpu.memory_space<vmem>>
    %dma_start3A_44 = tpu.memref_squeeze %dma_start3A_43 : memref<1x128xi32, #tpu.memory_space<vmem>> -> memref<128xi32, #tpu.memory_space<vmem>>
    %dma_start3A_45 = arith.constant 0 : i32
    %dma_start3A_46 = arith.constant 0 : i32
    %dma_start3A_47 = tpu.memref_slice %arg2[%dma_start3A_45, %dma_start3A_46] : memref<10240x128xf32, #tpu.memory_space<hbm>> -> memref<10240x128xf32, #tpu.memory_space<hbm>>
    tpu.enqueue_indirect_dma source(%dma_start3A_47 : memref<10240x128xf32, #tpu.memory_space<hbm>>) target(%arg10 : memref<128x128xf32, #tpu.memory_space<vmem>>) offsets(%dma_start3A_44 : memref<128xi32, #tpu.memory_space<vmem>>) semaphore(%arg13 : memref<!tpu.dma_semaphore, #tpu.memory_space<semaphore_mem>>)
    %scan3A_48 = arith.constant 0 : i32
    %scan3A_49 = arith.constant 0 : i32
    %scan3A_50 = arith.constant 20 : i32
    %scan3A_51 = arith.addi %scan3A_49, %scan3A_50 : i32
    %scan3A_52 = arith.constant 1 : i32
    scf.for %scan3A_89 = %scan3A_49 to %scan3A_51 step %scan3A_52  : i32 {
      %mul3A_90 = arith.constant 2 : i32
      %mul3A_91 = arith.muli %mul3A_90, %scan3A_89 : i32
      %add3A_92 = arith.constant 1 : i32
      %add3A_93 = arith.addi %mul3A_91, %add3A_92 : i32
      %dma_wait3A_94 = arith.constant 0 : i32
      %dma_wait3A_95 = tpu.memref_slice %arg7[%mul3A_91, %dma_wait3A_94] : memref<40x128xi32, #tpu.memory_space<vmem>> -> memref<1x128xi32, #tpu.memory_space<vmem>>
      %dma_wait3A_96 = tpu.memref_squeeze %dma_wait3A_95 : memref<1x128xi32, #tpu.memory_space<vmem>> -> memref<128xi32, #tpu.memory_space<vmem>>
      %dma_wait3A_97 = arith.constant 0 : i32
      %dma_wait3A_98 = arith.constant 0 : i32
      %dma_wait3A_99 = tpu.memref_slice %arg2[%dma_wait3A_97, %dma_wait3A_98] : memref<10240x128xf32, #tpu.memory_space<hbm>> -> memref<10240x128xf32, #tpu.memory_space<hbm>>
      tpu.wait_indirect_dma semaphore(%arg12 : memref<!tpu.dma_semaphore, #tpu.memory_space<semaphore_mem>>) src(%dma_wait3A_99 : memref<10240x128xf32, #tpu.memory_space<hbm>>) dst(%arg9 : memref<128x128xf32, #tpu.memory_space<vmem>>)
      %dma_start3A_100 = arith.constant 0 : i32
      %dma_start3A_101 = tpu.memref_slice %arg8[%mul3A_91, %dma_start3A_100] : memref<40x128xi32, #tpu.memory_space<vmem>> -> memref<1x128xi32, #tpu.memory_space<vmem>>
      %dma_start3A_102 = tpu.memref_squeeze %dma_start3A_101 : memref<1x128xi32, #tpu.memory_space<vmem>> -> memref<128xi32, #tpu.memory_space<vmem>>
      %dma_start3A_103 = arith.constant 0 : i32
      %dma_start3A_104 = arith.constant 0 : i32
      %dma_start3A_105 = tpu.memref_slice %arg11[%dma_start3A_103, %dma_start3A_104] : memref<10240x128xf32, #tpu.memory_space<vmem_shared>> -> memref<10240x128xf32, #tpu.memory_space<vmem_shared>>
      tpu.enqueue_indirect_dma source(%arg9 : memref<128x128xf32, #tpu.memory_space<vmem>>) target(%dma_start3A_105 : memref<10240x128xf32, #tpu.memory_space<vmem_shared>>) offsets(%dma_start3A_102 : memref<128xi32, #tpu.memory_space<vmem>>) semaphore(%arg14 : memref<!tpu.dma_semaphore, #tpu.memory_space<semaphore_mem>>) {add = true}
      %dma_wait3A_106 = arith.constant 0 : i32
      %dma_wait3A_107 = tpu.memref_slice %arg7[%add3A_93, %dma_wait3A_106] : memref<40x128xi32, #tpu.memory_space<vmem>> -> memref<1x128xi32, #tpu.memory_space<vmem>>
      %dma_wait3A_108 = tpu.memref_squeeze %dma_wait3A_107 : memref<1x128xi32, #tpu.memory_space<vmem>> -> memref<128xi32, #tpu.memory_space<vmem>>
      %dma_wait3A_109 = arith.constant 0 : i32
      %dma_wait3A_110 = arith.constant 0 : i32
      %dma_wait3A_111 = tpu.memref_slice %arg2[%dma_wait3A_109, %dma_wait3A_110] : memref<10240x128xf32, #tpu.memory_space<hbm>> -> memref<10240x128xf32, #tpu.memory_space<hbm>>
      tpu.wait_indirect_dma semaphore(%arg13 : memref<!tpu.dma_semaphore, #tpu.memory_space<semaphore_mem>>) src(%dma_wait3A_111 : memref<10240x128xf32, #tpu.memory_space<hbm>>) dst(%arg10 : memref<128x128xf32, #tpu.memory_space<vmem>>)
      %dma_start3A_112 = arith.constant 0 : i32
      %dma_start3A_113 = tpu.memref_slice %arg8[%add3A_93, %dma_start3A_112] : memref<40x128xi32, #tpu.memory_space<vmem>> -> memref<1x128xi32, #tpu.memory_space<vmem>>
      %dma_start3A_114 = tpu.memref_squeeze %dma_start3A_113 : memref<1x128xi32, #tpu.memory_space<vmem>> -> memref<128xi32, #tpu.memory_space<vmem>>
      %dma_start3A_115 = arith.constant 0 : i32
      %dma_start3A_116 = arith.constant 0 : i32
      %dma_start3A_117 = tpu.memref_slice %arg11[%dma_start3A_115, %dma_start3A_116] : memref<10240x128xf32, #tpu.memory_space<vmem_shared>> -> memref<10240x128xf32, #tpu.memory_space<vmem_shared>>
      tpu.enqueue_indirect_dma source(%arg10 : memref<128x128xf32, #tpu.memory_space<vmem>>) target(%dma_start3A_117 : memref<10240x128xf32, #tpu.memory_space<vmem_shared>>) offsets(%dma_start3A_114 : memref<128xi32, #tpu.memory_space<vmem>>) semaphore(%arg15 : memref<!tpu.dma_semaphore, #tpu.memory_space<semaphore_mem>>) {add = true}
      %add3A_118 = arith.constant 2 : i32
      %add3A_119 = arith.addi %mul3A_91, %add3A_118 : i32
      %min3A = arith.constant 39 : i32
      %min3A_120 = arith.minsi %add3A_119, %min3A : i32
      %add3A_121 = arith.constant 2 : i32
      %add3A_122 = arith.addi %add3A_93, %add3A_121 : i32
      %min3A_123 = arith.constant 39 : i32
      %min3A_124 = arith.minsi %add3A_122, %min3A_123 : i32
      %dma_wait3A_125 = arith.constant 0 : i32
      %dma_wait3A_126 = tpu.memref_slice %arg8[%mul3A_91, %dma_wait3A_125] : memref<40x128xi32, #tpu.memory_space<vmem>> -> memref<1x128xi32, #tpu.memory_space<vmem>>
      %dma_wait3A_127 = tpu.memref_squeeze %dma_wait3A_126 : memref<1x128xi32, #tpu.memory_space<vmem>> -> memref<128xi32, #tpu.memory_space<vmem>>
      %dma_wait3A_128 = arith.constant 0 : i32
      %dma_wait3A_129 = arith.constant 0 : i32
      %dma_wait3A_130 = tpu.memref_slice %arg11[%dma_wait3A_128, %dma_wait3A_129] : memref<10240x128xf32, #tpu.memory_space<vmem_shared>> -> memref<10240x128xf32, #tpu.memory_space<vmem_shared>>
      tpu.wait_indirect_dma semaphore(%arg14 : memref<!tpu.dma_semaphore, #tpu.memory_space<semaphore_mem>>) src(%arg9 : memref<128x128xf32, #tpu.memory_space<vmem>>) dst(%dma_wait3A_130 : memref<10240x128xf32, #tpu.memory_space<vmem_shared>>)
      %dma_start3A_131 = arith.constant 0 : i32
      %dma_start3A_132 = tpu.memref_slice %arg7[%min3A_120, %dma_start3A_131] : memref<40x128xi32, #tpu.memory_space<vmem>> -> memref<1x128xi32, #tpu.memory_space<vmem>>
      %dma_start3A_133 = tpu.memref_squeeze %dma_start3A_132 : memref<1x128xi32, #tpu.memory_space<vmem>> -> memref<128xi32, #tpu.memory_space<vmem>>
      %dma_start3A_134 = arith.constant 0 : i32
      %dma_start3A_135 = arith.constant 0 : i32
      %dma_start3A_136 = tpu.memref_slice %arg2[%dma_start3A_134, %dma_start3A_135] : memref<10240x128xf32, #tpu.memory_space<hbm>> -> memref<10240x128xf32, #tpu.memory_space<hbm>>
      tpu.enqueue_indirect_dma source(%dma_start3A_136 : memref<10240x128xf32, #tpu.memory_space<hbm>>) target(%arg9 : memref<128x128xf32, #tpu.memory_space<vmem>>) offsets(%dma_start3A_133 : memref<128xi32, #tpu.memory_space<vmem>>) semaphore(%arg12 : memref<!tpu.dma_semaphore, #tpu.memory_space<semaphore_mem>>)
      %dma_wait3A_137 = arith.constant 0 : i32
      %dma_wait3A_138 = tpu.memref_slice %arg8[%add3A_93, %dma_wait3A_137] : memref<40x128xi32, #tpu.memory_space<vmem>> -> memref<1x128xi32, #tpu.memory_space<vmem>>
      %dma_wait3A_139 = tpu.memref_squeeze %dma_wait3A_138 : memref<1x128xi32, #tpu.memory_space<vmem>> -> memref<128xi32, #tpu.memory_space<vmem>>
      %dma_wait3A_140 = arith.constant 0 : i32
      %dma_wait3A_141 = arith.constant 0 : i32
      %dma_wait3A_142 = tpu.memref_slice %arg11[%dma_wait3A_140, %dma_wait3A_141] : memref<10240x128xf32, #tpu.memory_space<vmem_shared>> -> memref<10240x128xf32, #tpu.memory_space<vmem_shared>>
      tpu.wait_indirect_dma semaphore(%arg15 : memref<!tpu.dma_semaphore, #tpu.memory_space<semaphore_mem>>) src(%arg10 : memref<128x128xf32, #tpu.memory_space<vmem>>) dst(%dma_wait3A_142 : memref<10240x128xf32, #tpu.memory_space<vmem_shared>>)
      %dma_start3A_143 = arith.constant 0 : i32
      %dma_start3A_144 = tpu.memref_slice %arg7[%min3A_124, %dma_start3A_143] : memref<40x128xi32, #tpu.memory_space<vmem>> -> memref<1x128xi32, #tpu.memory_space<vmem>>
      %dma_start3A_145 = tpu.memref_squeeze %dma_start3A_144 : memref<1x128xi32, #tpu.memory_space<vmem>> -> memref<128xi32, #tpu.memory_space<vmem>>
      %dma_start3A_146 = arith.constant 0 : i32
      %dma_start3A_147 = arith.constant 0 : i32
      %dma_start3A_148 = tpu.memref_slice %arg2[%dma_start3A_146, %dma_start3A_147] : memref<10240x128xf32, #tpu.memory_space<hbm>> -> memref<10240x128xf32, #tpu.memory_space<hbm>>
      tpu.enqueue_indirect_dma source(%dma_start3A_148 : memref<10240x128xf32, #tpu.memory_space<hbm>>) target(%arg10 : memref<128x128xf32, #tpu.memory_space<vmem>>) offsets(%dma_start3A_145 : memref<128xi32, #tpu.memory_space<vmem>>) semaphore(%arg13 : memref<!tpu.dma_semaphore, #tpu.memory_space<semaphore_mem>>)
    }
    %scan3A_53 = arith.constant 20 : i32
    %dma_wait3A_54 = arith.constant 39 : i32
    %dma_wait3A_55 = arith.constant 0 : i32
    %dma_wait3A_56 = tpu.memref_slice %arg7[%dma_wait3A_54, %dma_wait3A_55] : memref<40x128xi32, #tpu.memory_space<vmem>> -> memref<1x128xi32, #tpu.memory_space<vmem>>
    %dma_wait3A_57 = tpu.memref_squeeze %dma_wait3A_56 : memref<1x128xi32, #tpu.memory_space<vmem>> -> memref<128xi32, #tpu.memory_space<vmem>>
    %dma_wait3A_58 = arith.constant 0 : i32
    %dma_wait3A_59 = arith.constant 0 : i32
    %dma_wait3A_60 = tpu.memref_slice %arg2[%dma_wait3A_58, %dma_wait3A_59] : memref<10240x128xf32, #tpu.memory_space<hbm>> -> memref<10240x128xf32, #tpu.memory_space<hbm>>
    tpu.wait_indirect_dma semaphore(%arg12 : memref<!tpu.dma_semaphore, #tpu.memory_space<semaphore_mem>>) src(%dma_wait3A_60 : memref<10240x128xf32, #tpu.memory_space<hbm>>) dst(%arg9 : memref<128x128xf32, #tpu.memory_space<vmem>>)
    %dma_wait3A_61 = arith.constant 39 : i32
    %dma_wait3A_62 = arith.constant 0 : i32
    %dma_wait3A_63 = tpu.memref_slice %arg7[%dma_wait3A_61, %dma_wait3A_62] : memref<40x128xi32, #tpu.memory_space<vmem>> -> memref<1x128xi32, #tpu.memory_space<vmem>>
    %dma_wait3A_64 = tpu.memref_squeeze %dma_wait3A_63 : memref<1x128xi32, #tpu.memory_space<vmem>> -> memref<128xi32, #tpu.memory_space<vmem>>
    %dma_wait3A_65 = arith.constant 0 : i32
    %dma_wait3A_66 = arith.constant 0 : i32
    %dma_wait3A_67 = tpu.memref_slice %arg2[%dma_wait3A_65, %dma_wait3A_66] : memref<10240x128xf32, #tpu.memory_space<hbm>> -> memref<10240x128xf32, #tpu.memory_space<hbm>>
    tpu.wait_indirect_dma semaphore(%arg13 : memref<!tpu.dma_semaphore, #tpu.memory_space<semaphore_mem>>) src(%dma_wait3A_67 : memref<10240x128xf32, #tpu.memory_space<hbm>>) dst(%arg10 : memref<128x128xf32, #tpu.memory_space<vmem>>)
    %barrier3A_68 = arith.constant 0 : index
    tpu.barrier barrier_id(%barrier3A_68)
    %mul3A_69 = arith.constant 640 : i32
    %mul3A_70 = arith.muli %arg1, %mul3A_69 : i32
    %add3A_71 = arith.constant 0 : i32
    %add3A_72 = arith.addi %mul3A_70, %add3A_71 : i32
    "tpu.region"() ({
      %run_scoped3A = tpu.sem_alloc : memref<!tpu.dma_semaphore, #tpu.memory_space<semaphore_mem>>
      %dma_start3A_89 = arith.constant 0 : i32
      %dma_start3A_90 = tpu.memref_slice %arg11[%add3A_72, %dma_start3A_89] : memref<10240x128xf32, #tpu.memory_space<vmem_shared>> -> memref<128x128xf32, #tpu.memory_space<vmem_shared>>
      %dma_start3A_91 = arith.constant 0 : i32
      %dma_start3A_92 = tpu.memref_slice %arg11[%add3A_72, %dma_start3A_91] : memref<10240x128xf32, #tpu.memory_space<vmem_shared>> -> memref<128x128xf32, #tpu.memory_space<vmem_shared>>
      tpu.enqueue_dma source(%dma_start3A_92 : memref<128x128xf32, #tpu.memory_space<vmem_shared>>) target(%arg9 : memref<128x128xf32, #tpu.memory_space<vmem>>) target_semaphore(%run_scoped3A : memref<!tpu.dma_semaphore, #tpu.memory_space<semaphore_mem>>)
      %dma_wait3A_93 = arith.constant 0 : i32
      %dma_wait3A_94 = tpu.memref_slice %arg11[%add3A_72, %dma_wait3A_93] : memref<10240x128xf32, #tpu.memory_space<vmem_shared>> -> memref<128x128xf32, #tpu.memory_space<vmem_shared>>
      %dma_wait3A_95 = arith.constant 0 : i32
      %dma_wait3A_96 = tpu.memref_slice %arg11[%add3A_72, %dma_wait3A_95] : memref<10240x128xf32, #tpu.memory_space<vmem_shared>> -> memref<128x128xf32, #tpu.memory_space<vmem_shared>>
      tpu.wait_dma2 semaphore(%run_scoped3A : memref<!tpu.dma_semaphore, #tpu.memory_space<semaphore_mem>>) src(%dma_wait3A_96 : memref<128x128xf32, #tpu.memory_space<vmem_shared>>) dst(%arg9 : memref<128x128xf32, #tpu.memory_space<vmem>>)
      tpu.yield
    }) : () -> ()
    "tpu.region"() ({
      %run_scoped3A = tpu.sem_alloc : memref<!tpu.dma_semaphore, #tpu.memory_space<semaphore_mem>>
      %dma_start3A_89 = arith.constant 0 : i32
      %dma_start3A_90 = tpu.memref_slice %arg6[%arg0, %add3A_72, %dma_start3A_89] : memref<2x10240x128xf32, #tpu.memory_space<hbm>> -> memref<1x128x128xf32, #tpu.memory_space<hbm>>
      %dma_start3A_91 = tpu.memref_squeeze %dma_start3A_90 : memref<1x128x128xf32, #tpu.memory_space<hbm>> -> memref<128x128xf32, #tpu.memory_space<hbm>>
      %dma_start3A_92 = arith.constant 0 : i32
      %dma_start3A_93 = tpu.memref_slice %arg6[%arg0, %add3A_72, %dma_start3A_92] : memref<2x10240x128xf32, #tpu.memory_space<hbm>> -> memref<1x128x128xf32, #tpu.memory_space<hbm>>
      %dma_start3A_94 = tpu.memref_squeeze %dma_start3A_93 : memref<1x128x128xf32, #tpu.memory_space<hbm>> -> memref<128x128xf32, #tpu.memory_space<hbm>>
      tpu.enqueue_dma source(%arg9 : memref<128x128xf32, #tpu.memory_space<vmem>>) target(%dma_start3A_94 : memref<128x128xf32, #tpu.memory_space<hbm>>) target_semaphore(%run_scoped3A : memref<!tpu.dma_semaphore, #tpu.memory_space<semaphore_mem>>)
      %dma_wait3A_95 = arith.constant 0 : i32
      %dma_wait3A_96 = tpu.memref_slice %arg6[%arg0, %add3A_72, %dma_wait3A_95] : memref<2x10240x128xf32, #tpu.memory_space<hbm>> -> memref<1x128x128xf32, #tpu.memory_space<hbm>>
      %dma_wait3A_97 = tpu.memref_squeeze %dma_wait3A_96 : memref<1x128x128xf32, #tpu.memory_space<hbm>> -> memref<128x128xf32, #tpu.memory_space<hbm>>
      %dma_wait3A_98 = arith.constant 0 : i32
      %dma_wait3A_99 = tpu.memref_slice %arg6[%arg0, %add3A_72, %dma_wait3A_98] : memref<2x10240x128xf32, #tpu.memory_space<hbm>> -> memref<1x128x128xf32, #tpu.memory_space<hbm>>
      %dma_wait3A_100 = tpu.memref_squeeze %dma_wait3A_99 : memref<1x128x128xf32, #tpu.memory_space<hbm>> -> memref<128x128xf32, #tpu.memory_space<hbm>>
      tpu.wait_dma2 semaphore(%run_scoped3A : memref<!tpu.dma_semaphore, #tpu.memory_space<semaphore_mem>>) src(%arg9 : memref<128x128xf32, #tpu.memory_space<vmem>>) dst(%dma_wait3A_100 : memref<128x128xf32, #tpu.memory_space<hbm>>)
      tpu.yield
    }) : () -> ()
    %mul3A_73 = arith.constant 640 : i32
    %mul3A_74 = arith.muli %arg1, %mul3A_73 : i32
    %add3A_75 = arith.constant 128 : i32
    %add3A_76 = arith.addi %mul3A_74, %add3A_75 : i32
    "tpu.region"() ({
      %run_scoped3A = tpu.sem_alloc : memref<!tpu.dma_semaphore, #tpu.memory_space<semaphore_mem>>
      %dma_start3A_89 = arith.constant 0 : i32
      %dma_start3A_90 = tpu.memref_slice %arg11[%add3A_76, %dma_start3A_89] : memref<10240x128xf32, #tpu.memory_space<vmem_shared>> -> memref<128x128xf32, #tpu.memory_space<vmem_shared>>
      %dma_start3A_91 = arith.constant 0 : i32
      %dma_start3A_92 = tpu.memref_slice %arg11[%add3A_76, %dma_start3A_91] : memref<10240x128xf32, #tpu.memory_space<vmem_shared>> -> memref<128x128xf32, #tpu.memory_space<vmem_shared>>
      tpu.enqueue_dma source(%dma_start3A_92 : memref<128x128xf32, #tpu.memory_space<vmem_shared>>) target(%arg9 : memref<128x128xf32, #tpu.memory_space<vmem>>) target_semaphore(%run_scoped3A : memref<!tpu.dma_semaphore, #tpu.memory_space<semaphore_mem>>)
      %dma_wait3A_93 = arith.constant 0 : i32
      %dma_wait3A_94 = tpu.memref_slice %arg11[%add3A_76, %dma_wait3A_93] : memref<10240x128xf32, #tpu.memory_space<vmem_shared>> -> memref<128x128xf32, #tpu.memory_space<vmem_shared>>
      %dma_wait3A_95 = arith.constant 0 : i32
      %dma_wait3A_96 = tpu.memref_slice %arg11[%add3A_76, %dma_wait3A_95] : memref<10240x128xf32, #tpu.memory_space<vmem_shared>> -> memref<128x128xf32, #tpu.memory_space<vmem_shared>>
      tpu.wait_dma2 semaphore(%run_scoped3A : memref<!tpu.dma_semaphore, #tpu.memory_space<semaphore_mem>>) src(%dma_wait3A_96 : memref<128x128xf32, #tpu.memory_space<vmem_shared>>) dst(%arg9 : memref<128x128xf32, #tpu.memory_space<vmem>>)
      tpu.yield
    }) : () -> ()
    "tpu.region"() ({
      %run_scoped3A = tpu.sem_alloc : memref<!tpu.dma_semaphore, #tpu.memory_space<semaphore_mem>>
      %dma_start3A_89 = arith.constant 0 : i32
      %dma_start3A_90 = tpu.memref_slice %arg6[%arg0, %add3A_76, %dma_start3A_89] : memref<2x10240x128xf32, #tpu.memory_space<hbm>> -> memref<1x128x128xf32, #tpu.memory_space<hbm>>
      %dma_start3A_91 = tpu.memref_squeeze %dma_start3A_90 : memref<1x128x128xf32, #tpu.memory_space<hbm>> -> memref<128x128xf32, #tpu.memory_space<hbm>>
      %dma_start3A_92 = arith.constant 0 : i32
      %dma_start3A_93 = tpu.memref_slice %arg6[%arg0, %add3A_76, %dma_start3A_92] : memref<2x10240x128xf32, #tpu.memory_space<hbm>> -> memref<1x128x128xf32, #tpu.memory_space<hbm>>
      %dma_start3A_94 = tpu.memref_squeeze %dma_start3A_93 : memref<1x128x128xf32, #tpu.memory_space<hbm>> -> memref<128x128xf32, #tpu.memory_space<hbm>>
      tpu.enqueue_dma source(%arg9 : memref<128x128xf32, #tpu.memory_space<vmem>>) target(%dma_start3A_94 : memref<128x128xf32, #tpu.memory_space<hbm>>) target_semaphore(%run_scoped3A : memref<!tpu.dma_semaphore, #tpu.memory_space<semaphore_mem>>)
      %dma_wait3A_95 = arith.constant 0 : i32
      %dma_wait3A_96 = tpu.memref_slice %arg6[%arg0, %add3A_76, %dma_wait3A_95] : memref<2x10240x128xf32, #tpu.memory_space<hbm>> -> memref<1x128x128xf32, #tpu.memory_space<hbm>>
      %dma_wait3A_97 = tpu.memref_squeeze %dma_wait3A_96 : memref<1x128x128xf32, #tpu.memory_space<hbm>> -> memref<128x128xf32, #tpu.memory_space<hbm>>
      %dma_wait3A_98 = arith.constant 0 : i32
      %dma_wait3A_99 = tpu.memref_slice %arg6[%arg0, %add3A_76, %dma_wait3A_98] : memref<2x10240x128xf32, #tpu.memory_space<hbm>> -> memref<1x128x128xf32, #tpu.memory_space<hbm>>
      %dma_wait3A_100 = tpu.memref_squeeze %dma_wait3A_99 : memref<1x128x128xf32, #tpu.memory_space<hbm>> -> memref<128x128xf32, #tpu.memory_space<hbm>>
      tpu.wait_dma2 semaphore(%run_scoped3A : memref<!tpu.dma_semaphore, #tpu.memory_space<semaphore_mem>>) src(%arg9 : memref<128x128xf32, #tpu.memory_space<vmem>>) dst(%dma_wait3A_100 : memref<128x128xf32, #tpu.memory_space<hbm>>)
      tpu.yield
    }) : () -> ()
    %mul3A_77 = arith.constant 640 : i32
    %mul3A_78 = arith.muli %arg1, %mul3A_77 : i32
    %add3A_79 = arith.constant 256 : i32
    %add3A_80 = arith.addi %mul3A_78, %add3A_79 : i32
    "tpu.region"() ({
      %run_scoped3A = tpu.sem_alloc : memref<!tpu.dma_semaphore, #tpu.memory_space<semaphore_mem>>
      %dma_start3A_89 = arith.constant 0 : i32
      %dma_start3A_90 = tpu.memref_slice %arg11[%add3A_80, %dma_start3A_89] : memref<10240x128xf32, #tpu.memory_space<vmem_shared>> -> memref<128x128xf32, #tpu.memory_space<vmem_shared>>
      %dma_start3A_91 = arith.constant 0 : i32
      %dma_start3A_92 = tpu.memref_slice %arg11[%add3A_80, %dma_start3A_91] : memref<10240x128xf32, #tpu.memory_space<vmem_shared>> -> memref<128x128xf32, #tpu.memory_space<vmem_shared>>
      tpu.enqueue_dma source(%dma_start3A_92 : memref<128x128xf32, #tpu.memory_space<vmem_shared>>) target(%arg9 : memref<128x128xf32, #tpu.memory_space<vmem>>) target_semaphore(%run_scoped3A : memref<!tpu.dma_semaphore, #tpu.memory_space<semaphore_mem>>)
      %dma_wait3A_93 = arith.constant 0 : i32
      %dma_wait3A_94 = tpu.memref_slice %arg11[%add3A_80, %dma_wait3A_93] : memref<10240x128xf32, #tpu.memory_space<vmem_shared>> -> memref<128x128xf32, #tpu.memory_space<vmem_shared>>
      %dma_wait3A_95 = arith.constant 0 : i32
      %dma_wait3A_96 = tpu.memref_slice %arg11[%add3A_80, %dma_wait3A_95] : memref<10240x128xf32, #tpu.memory_space<vmem_shared>> -> memref<128x128xf32, #tpu.memory_space<vmem_shared>>
      tpu.wait_dma2 semaphore(%run_scoped3A : memref<!tpu.dma_semaphore, #tpu.memory_space<semaphore_mem>>) src(%dma_wait3A_96 : memref<128x128xf32, #tpu.memory_space<vmem_shared>>) dst(%arg9 : memref<128x128xf32, #tpu.memory_space<vmem>>)
      tpu.yield
    }) : () -> ()
    "tpu.region"() ({
      %run_scoped3A = tpu.sem_alloc : memref<!tpu.dma_semaphore, #tpu.memory_space<semaphore_mem>>
      %dma_start3A_89 = arith.constant 0 : i32
      %dma_start3A_90 = tpu.memref_slice %arg6[%arg0, %add3A_80, %dma_start3A_89] : memref<2x10240x128xf32, #tpu.memory_space<hbm>> -> memref<1x128x128xf32, #tpu.memory_space<hbm>>
      %dma_start3A_91 = tpu.memref_squeeze %dma_start3A_90 : memref<1x128x128xf32, #tpu.memory_space<hbm>> -> memref<128x128xf32, #tpu.memory_space<hbm>>
      %dma_start3A_92 = arith.constant 0 : i32
      %dma_start3A_93 = tpu.memref_slice %arg6[%arg0, %add3A_80, %dma_start3A_92] : memref<2x10240x128xf32, #tpu.memory_space<hbm>> -> memref<1x128x128xf32, #tpu.memory_space<hbm>>
      %dma_start3A_94 = tpu.memref_squeeze %dma_start3A_93 : memref<1x128x128xf32, #tpu.memory_space<hbm>> -> memref<128x128xf32, #tpu.memory_space<hbm>>
      tpu.enqueue_dma source(%arg9 : memref<128x128xf32, #tpu.memory_space<vmem>>) target(%dma_start3A_94 : memref<128x128xf32, #tpu.memory_space<hbm>>) target_semaphore(%run_scoped3A : memref<!tpu.dma_semaphore, #tpu.memory_space<semaphore_mem>>)
      %dma_wait3A_95 = arith.constant 0 : i32
      %dma_wait3A_96 = tpu.memref_slice %arg6[%arg0, %add3A_80, %dma_wait3A_95] : memref<2x10240x128xf32, #tpu.memory_space<hbm>> -> memref<1x128x128xf32, #tpu.memory_space<hbm>>
      %dma_wait3A_97 = tpu.memref_squeeze %dma_wait3A_96 : memref<1x128x128xf32, #tpu.memory_space<hbm>> -> memref<128x128xf32, #tpu.memory_space<hbm>>
      %dma_wait3A_98 = arith.constant 0 : i32
      %dma_wait3A_99 = tpu.memref_slice %arg6[%arg0, %add3A_80, %dma_wait3A_98] : memref<2x10240x128xf32, #tpu.memory_space<hbm>> -> memref<1x128x128xf32, #tpu.memory_space<hbm>>
      %dma_wait3A_100 = tpu.memref_squeeze %dma_wait3A_99 : memref<1x128x128xf32, #tpu.memory_space<hbm>> -> memref<128x128xf32, #tpu.memory_space<hbm>>
      tpu.wait_dma2 semaphore(%run_scoped3A : memref<!tpu.dma_semaphore, #tpu.memory_space<semaphore_mem>>) src(%arg9 : memref<128x128xf32, #tpu.memory_space<vmem>>) dst(%dma_wait3A_100 : memref<128x128xf32, #tpu.memory_space<hbm>>)
      tpu.yield
    }) : () -> ()
    %mul3A_81 = arith.constant 640 : i32
    %mul3A_82 = arith.muli %arg1, %mul3A_81 : i32
    %add3A_83 = arith.constant 384 : i32
    %add3A_84 = arith.addi %mul3A_82, %add3A_83 : i32
    "tpu.region"() ({
      %run_scoped3A = tpu.sem_alloc : memref<!tpu.dma_semaphore, #tpu.memory_space<semaphore_mem>>
      %dma_start3A_89 = arith.constant 0 : i32
      %dma_start3A_90 = tpu.memref_slice %arg11[%add3A_84, %dma_start3A_89] : memref<10240x128xf32, #tpu.memory_space<vmem_shared>> -> memref<128x128xf32, #tpu.memory_space<vmem_shared>>
      %dma_start3A_91 = arith.constant 0 : i32
      %dma_start3A_92 = tpu.memref_slice %arg11[%add3A_84, %dma_start3A_91] : memref<10240x128xf32, #tpu.memory_space<vmem_shared>> -> memref<128x128xf32, #tpu.memory_space<vmem_shared>>
      tpu.enqueue_dma source(%dma_start3A_92 : memref<128x128xf32, #tpu.memory_space<vmem_shared>>) target(%arg9 : memref<128x128xf32, #tpu.memory_space<vmem>>) target_semaphore(%run_scoped3A : memref<!tpu.dma_semaphore, #tpu.memory_space<semaphore_mem>>)
      %dma_wait3A_93 = arith.constant 0 : i32
      %dma_wait3A_94 = tpu.memref_slice %arg11[%add3A_84, %dma_wait3A_93] : memref<10240x128xf32, #tpu.memory_space<vmem_shared>> -> memref<128x128xf32, #tpu.memory_space<vmem_shared>>
      %dma_wait3A_95 = arith.constant 0 : i32
      %dma_wait3A_96 = tpu.memref_slice %arg11[%add3A_84, %dma_wait3A_95] : memref<10240x128xf32, #tpu.memory_space<vmem_shared>> -> memref<128x128xf32, #tpu.memory_space<vmem_shared>>
      tpu.wait_dma2 semaphore(%run_scoped3A : memref<!tpu.dma_semaphore, #tpu.memory_space<semaphore_mem>>) src(%dma_wait3A_96 : memref<128x128xf32, #tpu.memory_space<vmem_shared>>) dst(%arg9 : memref<128x128xf32, #tpu.memory_space<vmem>>)
      tpu.yield
    }) : () -> ()
    "tpu.region"() ({
      %run_scoped3A = tpu.sem_alloc : memref<!tpu.dma_semaphore, #tpu.memory_space<semaphore_mem>>
      %dma_start3A_89 = arith.constant 0 : i32
      %dma_start3A_90 = tpu.memref_slice %arg6[%arg0, %add3A_84, %dma_start3A_89] : memref<2x10240x128xf32, #tpu.memory_space<hbm>> -> memref<1x128x128xf32, #tpu.memory_space<hbm>>
      %dma_start3A_91 = tpu.memref_squeeze %dma_start3A_90 : memref<1x128x128xf32, #tpu.memory_space<hbm>> -> memref<128x128xf32, #tpu.memory_space<hbm>>
      %dma_start3A_92 = arith.constant 0 : i32
      %dma_start3A_93 = tpu.memref_slice %arg6[%arg0, %add3A_84, %dma_start3A_92] : memref<2x10240x128xf32, #tpu.memory_space<hbm>> -> memref<1x128x128xf32, #tpu.memory_space<hbm>>
      %dma_start3A_94 = tpu.memref_squeeze %dma_start3A_93 : memref<1x128x128xf32, #tpu.memory_space<hbm>> -> memref<128x128xf32, #tpu.memory_space<hbm>>
      tpu.enqueue_dma source(%arg9 : memref<128x128xf32, #tpu.memory_space<vmem>>) target(%dma_start3A_94 : memref<128x128xf32, #tpu.memory_space<hbm>>) target_semaphore(%run_scoped3A : memref<!tpu.dma_semaphore, #tpu.memory_space<semaphore_mem>>)
      %dma_wait3A_95 = arith.constant 0 : i32
      %dma_wait3A_96 = tpu.memref_slice %arg6[%arg0, %add3A_84, %dma_wait3A_95] : memref<2x10240x128xf32, #tpu.memory_space<hbm>> -> memref<1x128x128xf32, #tpu.memory_space<hbm>>
      %dma_wait3A_97 = tpu.memref_squeeze %dma_wait3A_96 : memref<1x128x128xf32, #tpu.memory_space<hbm>> -> memref<128x128xf32, #tpu.memory_space<hbm>>
      %dma_wait3A_98 = arith.constant 0 : i32
      %dma_wait3A_99 = tpu.memref_slice %arg6[%arg0, %add3A_84, %dma_wait3A_98] : memref<2x10240x128xf32, #tpu.memory_space<hbm>> -> memref<1x128x128xf32, #tpu.memory_space<hbm>>
      %dma_wait3A_100 = tpu.memref_squeeze %dma_wait3A_99 : memref<1x128x128xf32, #tpu.memory_space<hbm>> -> memref<128x128xf32, #tpu.memory_space<hbm>>
      tpu.wait_dma2 semaphore(%run_scoped3A : memref<!tpu.dma_semaphore, #tpu.memory_space<semaphore_mem>>) src(%arg9 : memref<128x128xf32, #tpu.memory_space<vmem>>) dst(%dma_wait3A_100 : memref<128x128xf32, #tpu.memory_space<hbm>>)
      tpu.yield
    }) : () -> ()
    %mul3A_85 = arith.constant 640 : i32
    %mul3A_86 = arith.muli %arg1, %mul3A_85 : i32
    %add3A_87 = arith.constant 512 : i32
    %add3A_88 = arith.addi %mul3A_86, %add3A_87 : i32
    "tpu.region"() ({
      %run_scoped3A = tpu.sem_alloc : memref<!tpu.dma_semaphore, #tpu.memory_space<semaphore_mem>>
      %dma_start3A_89 = arith.constant 0 : i32
      %dma_start3A_90 = tpu.memref_slice %arg11[%add3A_88, %dma_start3A_89] : memref<10240x128xf32, #tpu.memory_space<vmem_shared>> -> memref<128x128xf32, #tpu.memory_space<vmem_shared>>
      %dma_start3A_91 = arith.constant 0 : i32
      %dma_start3A_92 = tpu.memref_slice %arg11[%add3A_88, %dma_start3A_91] : memref<10240x128xf32, #tpu.memory_space<vmem_shared>> -> memref<128x128xf32, #tpu.memory_space<vmem_shared>>
      tpu.enqueue_dma source(%dma_start3A_92 : memref<128x128xf32, #tpu.memory_space<vmem_shared>>) target(%arg9 : memref<128x128xf32, #tpu.memory_space<vmem>>) target_semaphore(%run_scoped3A : memref<!tpu.dma_semaphore, #tpu.memory_space<semaphore_mem>>)
      %dma_wait3A_93 = arith.constant 0 : i32
      %dma_wait3A_94 = tpu.memref_slice %arg11[%add3A_88, %dma_wait3A_93] : memref<10240x128xf32, #tpu.memory_space<vmem_shared>> -> memref<128x128xf32, #tpu.memory_space<vmem_shared>>
      %dma_wait3A_95 = arith.constant 0 : i32
      %dma_wait3A_96 = tpu.memref_slice %arg11[%add3A_88, %dma_wait3A_95] : memref<10240x128xf32, #tpu.memory_space<vmem_shared>> -> memref<128x128xf32, #tpu.memory_space<vmem_shared>>
      tpu.wait_dma2 semaphore(%run_scoped3A : memref<!tpu.dma_semaphore, #tpu.memory_space<semaphore_mem>>) src(%dma_wait3A_96 : memref<128x128xf32, #tpu.memory_space<vmem_shared>>) dst(%arg9 : memref<128x128xf32, #tpu.memory_space<vmem>>)
      tpu.yield
    }) : () -> ()
    "tpu.region"() ({
      %run_scoped3A = tpu.sem_alloc : memref<!tpu.dma_semaphore, #tpu.memory_space<semaphore_mem>>
      %dma_start3A_89 = arith.constant 0 : i32
      %dma_start3A_90 = tpu.memref_slice %arg6[%arg0, %add3A_88, %dma_start3A_89] : memref<2x10240x128xf32, #tpu.memory_space<hbm>> -> memref<1x128x128xf32, #tpu.memory_space<hbm>>
      %dma_start3A_91 = tpu.memref_squeeze %dma_start3A_90 : memref<1x128x128xf32, #tpu.memory_space<hbm>> -> memref<128x128xf32, #tpu.memory_space<hbm>>
      %dma_start3A_92 = arith.constant 0 : i32
      %dma_start3A_93 = tpu.memref_slice %arg6[%arg0, %add3A_88, %dma_start3A_92] : memref<2x10240x128xf32, #tpu.memory_space<hbm>> -> memref<1x128x128xf32, #tpu.memory_space<hbm>>
      %dma_start3A_94 = tpu.memref_squeeze %dma_start3A_93 : memref<1x128x128xf32, #tpu.memory_space<hbm>> -> memref<128x128xf32, #tpu.memory_space<hbm>>
      tpu.enqueue_dma source(%arg9 : memref<128x128xf32, #tpu.memory_space<vmem>>) target(%dma_start3A_94 : memref<128x128xf32, #tpu.memory_space<hbm>>) target_semaphore(%run_scoped3A : memref<!tpu.dma_semaphore, #tpu.memory_space<semaphore_mem>>)
      %dma_wait3A_95 = arith.constant 0 : i32
      %dma_wait3A_96 = tpu.memref_slice %arg6[%arg0, %add3A_88, %dma_wait3A_95] : memref<2x10240x128xf32, #tpu.memory_space<hbm>> -> memref<1x128x128xf32, #tpu.memory_space<hbm>>
      %dma_wait3A_97 = tpu.memref_squeeze %dma_wait3A_96 : memref<1x128x128xf32, #tpu.memory_space<hbm>> -> memref<128x128xf32, #tpu.memory_space<hbm>>
      %dma_wait3A_98 = arith.constant 0 : i32
      %dma_wait3A_99 = tpu.memref_slice %arg6[%arg0, %add3A_88, %dma_wait3A_98] : memref<2x10240x128xf32, #tpu.memory_space<hbm>> -> memref<1x128x128xf32, #tpu.memory_space<hbm>>
      %dma_wait3A_100 = tpu.memref_squeeze %dma_wait3A_99 : memref<1x128x128xf32, #tpu.memory_space<hbm>> -> memref<128x128xf32, #tpu.memory_space<hbm>>
      tpu.wait_dma2 semaphore(%run_scoped3A : memref<!tpu.dma_semaphore, #tpu.memory_space<semaphore_mem>>) src(%arg9 : memref<128x128xf32, #tpu.memory_space<vmem>>) dst(%dma_wait3A_100 : memref<128x128xf32, #tpu.memory_space<hbm>>)
      tpu.yield
    }) : () -> ()
    return
  }
}

#map = affine_map<(d0, d1) -> (0, 0)>
#map1 = affine_map<(d0, d1) -> (0, 0, 0)>
module attributes {stable_mosaic.version = 14 : i64} {
  func.func @agg_kernel(%arg0: i32, %arg1: i32, %arg2: memref<10240x128xf32, #tpu.memory_space<hbm>>, %arg3: memref<32x80x128xi32, #tpu.memory_space<hbm>>, %arg4: memref<32x80x128xi32, #tpu.memory_space<hbm>>, %arg5: memref<640x128xf32, #tpu.memory_space<hbm>>, %arg6: memref<2x10240x128xf32, #tpu.memory_space<hbm>>, %arg7: memref<40x128xi32, #tpu.memory_space<vmem>>, %arg8: memref<40x128xi32, #tpu.memory_space<vmem>>, %arg9: memref<128x128xf32, #tpu.memory_space<vmem>>, %arg10: memref<128x128xf32, #tpu.memory_space<vmem>>, %arg11: memref<10240x128xf32, #tpu.memory_space<vmem_shared>>, %arg12: memref<!tpu.dma_semaphore, #tpu.memory_space<semaphore_mem>>, %arg13: memref<!tpu.dma_semaphore, #tpu.memory_space<semaphore_mem>>, %arg14: memref<!tpu.dma_semaphore, #tpu.memory_space<semaphore_mem>>, %arg15: memref<!tpu.dma_semaphore, #tpu.memory_space<semaphore_mem>>) attributes {dimension_semantics = [#tpu.dimension_semantics<core_parallel>, #tpu.dimension_semantics<subcore_parallel>], iteration_bounds = array<i64: 2, 16>, scalar_prefetch = 0 : i64, scratch_operands = 9 : i64, tpu.core_type = #tpu.core_type<sc_vector_subcore>, window_params = [{transform_indices = #map}, {transform_indices = #map1}, {transform_indices = #map1}, {transform_indices = #map}, {transform_indices = #map1}]} {
    %mul3A = arith.constant 2 : i32
    %mul3A_0 = arith.muli %arg1, %mul3A : i32
    %add3A = arith.addi %mul3A_0, %arg0 : i32
    %mul3A_1 = arith.constant 640 : i32
    %mul3A_2 = arith.muli %arg1, %mul3A_1 : i32
    "tpu.region"() ({
      %run_scoped3A = tpu.sem_alloc : memref<!tpu.dma_semaphore, #tpu.memory_space<semaphore_mem>>
      %dma_start3A_89 = arith.constant 0 : i32
      %dma_start3A_90 = tpu.memref_slice %arg11[%mul3A_2, %dma_start3A_89] : memref<10240x128xf32, #tpu.memory_space<vmem_shared>> -> memref<640x128xf32, #tpu.memory_space<vmem_shared>>
      tpu.enqueue_dma source(%arg5 : memref<640x128xf32, #tpu.memory_space<hbm>>) target(%dma_start3A_90 : memref<640x128xf32, #tpu.memory_space<vmem_shared>>) target_semaphore(%run_scoped3A : memref<!tpu.dma_semaphore, #tpu.memory_space<semaphore_mem>>)
      %dma_wait3A_91 = arith.constant 0 : i32
      %dma_wait3A_92 = tpu.memref_slice %arg11[%mul3A_2, %dma_wait3A_91] : memref<10240x128xf32, #tpu.memory_space<vmem_shared>> -> memref<640x128xf32, #tpu.memory_space<vmem_shared>>
      tpu.wait_dma2 semaphore(%run_scoped3A : memref<!tpu.dma_semaphore, #tpu.memory_space<semaphore_mem>>) src(%arg5 : memref<640x128xf32, #tpu.memory_space<hbm>>) dst(%dma_wait3A_92 : memref<640x128xf32, #tpu.memory_space<vmem_shared>>)
      tpu.yield
    }) : () -> ()
    %barrier3A = arith.constant 0 : index
    tpu.barrier barrier_id(%barrier3A)
    "tpu.region"() ({
      %run_scoped3A = tpu.sem_alloc : memref<!tpu.dma_semaphore, #tpu.memory_space<semaphore_mem>>
      %dma_start3A_89 = arith.constant 0 : i32
      %dma_start3A_90 = arith.constant 0 : i32
      %dma_start3A_91 = tpu.memref_slice %arg3[%add3A, %dma_start3A_89, %dma_start3A_90] : memref<32x80x128xi32, #tpu.memory_space<hbm>> -> memref<1x40x128xi32, #tpu.memory_space<hbm>>
      %dma_start3A_92 = tpu.memref_squeeze %dma_start3A_91 : memref<1x40x128xi32, #tpu.memory_space<hbm>> -> memref<40x128xi32, #tpu.memory_space<hbm>>
      %dma_start3A_93 = arith.constant 0 : i32
      %dma_start3A_94 = arith.constant 0 : i32
      %dma_start3A_95 = tpu.memref_slice %arg3[%add3A, %dma_start3A_93, %dma_start3A_94] : memref<32x80x128xi32, #tpu.memory_space<hbm>> -> memref<1x40x128xi32, #tpu.memory_space<hbm>>
      %dma_start3A_96 = tpu.memref_squeeze %dma_start3A_95 : memref<1x40x128xi32, #tpu.memory_space<hbm>> -> memref<40x128xi32, #tpu.memory_space<hbm>>
      tpu.enqueue_dma source(%dma_start3A_96 : memref<40x128xi32, #tpu.memory_space<hbm>>) target(%arg7 : memref<40x128xi32, #tpu.memory_space<vmem>>) target_semaphore(%run_scoped3A : memref<!tpu.dma_semaphore, #tpu.memory_space<semaphore_mem>>)
      %dma_wait3A_97 = arith.constant 0 : i32
      %dma_wait3A_98 = arith.constant 0 : i32
      %dma_wait3A_99 = tpu.memref_slice %arg3[%add3A, %dma_wait3A_97, %dma_wait3A_98] : memref<32x80x128xi32, #tpu.memory_space<hbm>> -> memref<1x40x128xi32, #tpu.memory_space<hbm>>
      %dma_wait3A_100 = tpu.memref_squeeze %dma_wait3A_99 : memref<1x40x128xi32, #tpu.memory_space<hbm>> -> memref<40x128xi32, #tpu.memory_space<hbm>>
      %dma_wait3A_101 = arith.constant 0 : i32
      %dma_wait3A_102 = arith.constant 0 : i32
      %dma_wait3A_103 = tpu.memref_slice %arg3[%add3A, %dma_wait3A_101, %dma_wait3A_102] : memref<32x80x128xi32, #tpu.memory_space<hbm>> -> memref<1x40x128xi32, #tpu.memory_space<hbm>>
      %dma_wait3A_104 = tpu.memref_squeeze %dma_wait3A_103 : memref<1x40x128xi32, #tpu.memory_space<hbm>> -> memref<40x128xi32, #tpu.memory_space<hbm>>
      tpu.wait_dma2 semaphore(%run_scoped3A : memref<!tpu.dma_semaphore, #tpu.memory_space<semaphore_mem>>) src(%dma_wait3A_104 : memref<40x128xi32, #tpu.memory_space<hbm>>) dst(%arg7 : memref<40x128xi32, #tpu.memory_space<vmem>>)
      tpu.yield
    }) : () -> ()
    "tpu.region"() ({
      %run_scoped3A = tpu.sem_alloc : memref<!tpu.dma_semaphore, #tpu.memory_space<semaphore_mem>>
      %dma_start3A_89 = arith.constant 0 : i32
      %dma_start3A_90 = arith.constant 0 : i32
      %dma_start3A_91 = tpu.memref_slice %arg4[%add3A, %dma_start3A_89, %dma_start3A_90] : memref<32x80x128xi32, #tpu.memory_space<hbm>> -> memref<1x40x128xi32, #tpu.memory_space<hbm>>
      %dma_start3A_92 = tpu.memref_squeeze %dma_start3A_91 : memref<1x40x128xi32, #tpu.memory_space<hbm>> -> memref<40x128xi32, #tpu.memory_space<hbm>>
      %dma_start3A_93 = arith.constant 0 : i32
      %dma_start3A_94 = arith.constant 0 : i32
      %dma_start3A_95 = tpu.memref_slice %arg4[%add3A, %dma_start3A_93, %dma_start3A_94] : memref<32x80x128xi32, #tpu.memory_space<hbm>> -> memref<1x40x128xi32, #tpu.memory_space<hbm>>
      %dma_start3A_96 = tpu.memref_squeeze %dma_start3A_95 : memref<1x40x128xi32, #tpu.memory_space<hbm>> -> memref<40x128xi32, #tpu.memory_space<hbm>>
      tpu.enqueue_dma source(%dma_start3A_96 : memref<40x128xi32, #tpu.memory_space<hbm>>) target(%arg8 : memref<40x128xi32, #tpu.memory_space<vmem>>) target_semaphore(%run_scoped3A : memref<!tpu.dma_semaphore, #tpu.memory_space<semaphore_mem>>)
      %dma_wait3A_97 = arith.constant 0 : i32
      %dma_wait3A_98 = arith.constant 0 : i32
      %dma_wait3A_99 = tpu.memref_slice %arg4[%add3A, %dma_wait3A_97, %dma_wait3A_98] : memref<32x80x128xi32, #tpu.memory_space<hbm>> -> memref<1x40x128xi32, #tpu.memory_space<hbm>>
      %dma_wait3A_100 = tpu.memref_squeeze %dma_wait3A_99 : memref<1x40x128xi32, #tpu.memory_space<hbm>> -> memref<40x128xi32, #tpu.memory_space<hbm>>
      %dma_wait3A_101 = arith.constant 0 : i32
      %dma_wait3A_102 = arith.constant 0 : i32
      %dma_wait3A_103 = tpu.memref_slice %arg4[%add3A, %dma_wait3A_101, %dma_wait3A_102] : memref<32x80x128xi32, #tpu.memory_space<hbm>> -> memref<1x40x128xi32, #tpu.memory_space<hbm>>
      %dma_wait3A_104 = tpu.memref_squeeze %dma_wait3A_103 : memref<1x40x128xi32, #tpu.memory_space<hbm>> -> memref<40x128xi32, #tpu.memory_space<hbm>>
      tpu.wait_dma2 semaphore(%run_scoped3A : memref<!tpu.dma_semaphore, #tpu.memory_space<semaphore_mem>>) src(%dma_wait3A_104 : memref<40x128xi32, #tpu.memory_space<hbm>>) dst(%arg8 : memref<40x128xi32, #tpu.memory_space<vmem>>)
      tpu.yield
    }) : () -> ()
    %dma_start3A = arith.constant 0 : i32
    %dma_start3A_3 = arith.constant 0 : i32
    %dma_start3A_4 = tpu.memref_slice %arg7[%dma_start3A, %dma_start3A_3] : memref<40x128xi32, #tpu.memory_space<vmem>> -> memref<1x128xi32, #tpu.memory_space<vmem>>
    %dma_start3A_5 = tpu.memref_squeeze %dma_start3A_4 : memref<1x128xi32, #tpu.memory_space<vmem>> -> memref<128xi32, #tpu.memory_space<vmem>>
    %dma_start3A_6 = arith.constant 0 : i32
    %dma_start3A_7 = arith.constant 0 : i32
    %dma_start3A_8 = tpu.memref_slice %arg2[%dma_start3A_6, %dma_start3A_7] : memref<10240x128xf32, #tpu.memory_space<hbm>> -> memref<10240x128xf32, #tpu.memory_space<hbm>>
    tpu.enqueue_indirect_dma source(%dma_start3A_8 : memref<10240x128xf32, #tpu.memory_space<hbm>>) target(%arg9 : memref<128x128xf32, #tpu.memory_space<vmem>>) offsets(%dma_start3A_5 : memref<128xi32, #tpu.memory_space<vmem>>) semaphore(%arg12 : memref<!tpu.dma_semaphore, #tpu.memory_space<semaphore_mem>>)
    %dma_start3A_9 = arith.constant 1 : i32
    %dma_start3A_10 = arith.constant 0 : i32
    %dma_start3A_11 = tpu.memref_slice %arg7[%dma_start3A_9, %dma_start3A_10] : memref<40x128xi32, #tpu.memory_space<vmem>> -> memref<1x128xi32, #tpu.memory_space<vmem>>
    %dma_start3A_12 = tpu.memref_squeeze %dma_start3A_11 : memref<1x128xi32, #tpu.memory_space<vmem>> -> memref<128xi32, #tpu.memory_space<vmem>>
    %dma_start3A_13 = arith.constant 0 : i32
    %dma_start3A_14 = arith.constant 0 : i32
    %dma_start3A_15 = tpu.memref_slice %arg2[%dma_start3A_13, %dma_start3A_14] : memref<10240x128xf32, #tpu.memory_space<hbm>> -> memref<10240x128xf32, #tpu.memory_space<hbm>>
    tpu.enqueue_indirect_dma source(%dma_start3A_15 : memref<10240x128xf32, #tpu.memory_space<hbm>>) target(%arg10 : memref<128x128xf32, #tpu.memory_space<vmem>>) offsets(%dma_start3A_12 : memref<128xi32, #tpu.memory_space<vmem>>) semaphore(%arg13 : memref<!tpu.dma_semaphore, #tpu.memory_space<semaphore_mem>>)
    %scan3A = arith.constant 0 : i32
    %scan3A_16 = arith.constant 0 : i32
    %scan3A_17 = arith.constant 20 : i32
    %scan3A_18 = arith.addi %scan3A_16, %scan3A_17 : i32
    %scan3A_19 = arith.constant 1 : i32
    scf.for %scan3A_89 = %scan3A_16 to %scan3A_18 step %scan3A_19  : i32 {
      %mul3A_90 = arith.constant 2 : i32
      %mul3A_91 = arith.muli %mul3A_90, %scan3A_89 : i32
      %add3A_92 = arith.constant 1 : i32
      %add3A_93 = arith.addi %mul3A_91, %add3A_92 : i32
      %dma_wait3A_94 = arith.constant 0 : i32
      %dma_wait3A_95 = tpu.memref_slice %arg7[%mul3A_91, %dma_wait3A_94] : memref<40x128xi32, #tpu.memory_space<vmem>> -> memref<1x128xi32, #tpu.memory_space<vmem>>
      %dma_wait3A_96 = tpu.memref_squeeze %dma_wait3A_95 : memref<1x128xi32, #tpu.memory_space<vmem>> -> memref<128xi32, #tpu.memory_space<vmem>>
      %dma_wait3A_97 = arith.constant 0 : i32
      %dma_wait3A_98 = arith.constant 0 : i32
      %dma_wait3A_99 = tpu.memref_slice %arg2[%dma_wait3A_97, %dma_wait3A_98] : memref<10240x128xf32, #tpu.memory_space<hbm>> -> memref<10240x128xf32, #tpu.memory_space<hbm>>
      tpu.wait_indirect_dma semaphore(%arg12 : memref<!tpu.dma_semaphore, #tpu.memory_space<semaphore_mem>>) src(%dma_wait3A_99 : memref<10240x128xf32, #tpu.memory_space<hbm>>) dst(%arg9 : memref<128x128xf32, #tpu.memory_space<vmem>>)
      %dma_start3A_100 = arith.constant 0 : i32
      %dma_start3A_101 = tpu.memref_slice %arg8[%mul3A_91, %dma_start3A_100] : memref<40x128xi32, #tpu.memory_space<vmem>> -> memref<1x128xi32, #tpu.memory_space<vmem>>
      %dma_start3A_102 = tpu.memref_squeeze %dma_start3A_101 : memref<1x128xi32, #tpu.memory_space<vmem>> -> memref<128xi32, #tpu.memory_space<vmem>>
      %dma_start3A_103 = arith.constant 0 : i32
      %dma_start3A_104 = arith.constant 0 : i32
      %dma_start3A_105 = tpu.memref_slice %arg11[%dma_start3A_103, %dma_start3A_104] : memref<10240x128xf32, #tpu.memory_space<vmem_shared>> -> memref<10240x128xf32, #tpu.memory_space<vmem_shared>>
      tpu.enqueue_indirect_dma source(%arg9 : memref<128x128xf32, #tpu.memory_space<vmem>>) target(%dma_start3A_105 : memref<10240x128xf32, #tpu.memory_space<vmem_shared>>) offsets(%dma_start3A_102 : memref<128xi32, #tpu.memory_space<vmem>>) semaphore(%arg14 : memref<!tpu.dma_semaphore, #tpu.memory_space<semaphore_mem>>) {add = true}
      %dma_wait3A_106 = arith.constant 0 : i32
      %dma_wait3A_107 = tpu.memref_slice %arg7[%add3A_93, %dma_wait3A_106] : memref<40x128xi32, #tpu.memory_space<vmem>> -> memref<1x128xi32, #tpu.memory_space<vmem>>
      %dma_wait3A_108 = tpu.memref_squeeze %dma_wait3A_107 : memref<1x128xi32, #tpu.memory_space<vmem>> -> memref<128xi32, #tpu.memory_space<vmem>>
      %dma_wait3A_109 = arith.constant 0 : i32
      %dma_wait3A_110 = arith.constant 0 : i32
      %dma_wait3A_111 = tpu.memref_slice %arg2[%dma_wait3A_109, %dma_wait3A_110] : memref<10240x128xf32, #tpu.memory_space<hbm>> -> memref<10240x128xf32, #tpu.memory_space<hbm>>
      tpu.wait_indirect_dma semaphore(%arg13 : memref<!tpu.dma_semaphore, #tpu.memory_space<semaphore_mem>>) src(%dma_wait3A_111 : memref<10240x128xf32, #tpu.memory_space<hbm>>) dst(%arg10 : memref<128x128xf32, #tpu.memory_space<vmem>>)
      %dma_start3A_112 = arith.constant 0 : i32
      %dma_start3A_113 = tpu.memref_slice %arg8[%add3A_93, %dma_start3A_112] : memref<40x128xi32, #tpu.memory_space<vmem>> -> memref<1x128xi32, #tpu.memory_space<vmem>>
      %dma_start3A_114 = tpu.memref_squeeze %dma_start3A_113 : memref<1x128xi32, #tpu.memory_space<vmem>> -> memref<128xi32, #tpu.memory_space<vmem>>
      %dma_start3A_115 = arith.constant 0 : i32
      %dma_start3A_116 = arith.constant 0 : i32
      %dma_start3A_117 = tpu.memref_slice %arg11[%dma_start3A_115, %dma_start3A_116] : memref<10240x128xf32, #tpu.memory_space<vmem_shared>> -> memref<10240x128xf32, #tpu.memory_space<vmem_shared>>
      tpu.enqueue_indirect_dma source(%arg10 : memref<128x128xf32, #tpu.memory_space<vmem>>) target(%dma_start3A_117 : memref<10240x128xf32, #tpu.memory_space<vmem_shared>>) offsets(%dma_start3A_114 : memref<128xi32, #tpu.memory_space<vmem>>) semaphore(%arg15 : memref<!tpu.dma_semaphore, #tpu.memory_space<semaphore_mem>>) {add = true}
      %add3A_118 = arith.constant 2 : i32
      %add3A_119 = arith.addi %mul3A_91, %add3A_118 : i32
      %min3A = arith.constant 39 : i32
      %min3A_120 = arith.minsi %add3A_119, %min3A : i32
      %add3A_121 = arith.constant 2 : i32
      %add3A_122 = arith.addi %add3A_93, %add3A_121 : i32
      %min3A_123 = arith.constant 39 : i32
      %min3A_124 = arith.minsi %add3A_122, %min3A_123 : i32
      %dma_wait3A_125 = arith.constant 0 : i32
      %dma_wait3A_126 = tpu.memref_slice %arg8[%mul3A_91, %dma_wait3A_125] : memref<40x128xi32, #tpu.memory_space<vmem>> -> memref<1x128xi32, #tpu.memory_space<vmem>>
      %dma_wait3A_127 = tpu.memref_squeeze %dma_wait3A_126 : memref<1x128xi32, #tpu.memory_space<vmem>> -> memref<128xi32, #tpu.memory_space<vmem>>
      %dma_wait3A_128 = arith.constant 0 : i32
      %dma_wait3A_129 = arith.constant 0 : i32
      %dma_wait3A_130 = tpu.memref_slice %arg11[%dma_wait3A_128, %dma_wait3A_129] : memref<10240x128xf32, #tpu.memory_space<vmem_shared>> -> memref<10240x128xf32, #tpu.memory_space<vmem_shared>>
      tpu.wait_indirect_dma semaphore(%arg14 : memref<!tpu.dma_semaphore, #tpu.memory_space<semaphore_mem>>) src(%arg9 : memref<128x128xf32, #tpu.memory_space<vmem>>) dst(%dma_wait3A_130 : memref<10240x128xf32, #tpu.memory_space<vmem_shared>>)
      %dma_start3A_131 = arith.constant 0 : i32
      %dma_start3A_132 = tpu.memref_slice %arg7[%min3A_120, %dma_start3A_131] : memref<40x128xi32, #tpu.memory_space<vmem>> -> memref<1x128xi32, #tpu.memory_space<vmem>>
      %dma_start3A_133 = tpu.memref_squeeze %dma_start3A_132 : memref<1x128xi32, #tpu.memory_space<vmem>> -> memref<128xi32, #tpu.memory_space<vmem>>
      %dma_start3A_134 = arith.constant 0 : i32
      %dma_start3A_135 = arith.constant 0 : i32
      %dma_start3A_136 = tpu.memref_slice %arg2[%dma_start3A_134, %dma_start3A_135] : memref<10240x128xf32, #tpu.memory_space<hbm>> -> memref<10240x128xf32, #tpu.memory_space<hbm>>
      tpu.enqueue_indirect_dma source(%dma_start3A_136 : memref<10240x128xf32, #tpu.memory_space<hbm>>) target(%arg9 : memref<128x128xf32, #tpu.memory_space<vmem>>) offsets(%dma_start3A_133 : memref<128xi32, #tpu.memory_space<vmem>>) semaphore(%arg12 : memref<!tpu.dma_semaphore, #tpu.memory_space<semaphore_mem>>)
      %dma_wait3A_137 = arith.constant 0 : i32
      %dma_wait3A_138 = tpu.memref_slice %arg8[%add3A_93, %dma_wait3A_137] : memref<40x128xi32, #tpu.memory_space<vmem>> -> memref<1x128xi32, #tpu.memory_space<vmem>>
      %dma_wait3A_139 = tpu.memref_squeeze %dma_wait3A_138 : memref<1x128xi32, #tpu.memory_space<vmem>> -> memref<128xi32, #tpu.memory_space<vmem>>
      %dma_wait3A_140 = arith.constant 0 : i32
      %dma_wait3A_141 = arith.constant 0 : i32
      %dma_wait3A_142 = tpu.memref_slice %arg11[%dma_wait3A_140, %dma_wait3A_141] : memref<10240x128xf32, #tpu.memory_space<vmem_shared>> -> memref<10240x128xf32, #tpu.memory_space<vmem_shared>>
      tpu.wait_indirect_dma semaphore(%arg15 : memref<!tpu.dma_semaphore, #tpu.memory_space<semaphore_mem>>) src(%arg10 : memref<128x128xf32, #tpu.memory_space<vmem>>) dst(%dma_wait3A_142 : memref<10240x128xf32, #tpu.memory_space<vmem_shared>>)
      %dma_start3A_143 = arith.constant 0 : i32
      %dma_start3A_144 = tpu.memref_slice %arg7[%min3A_124, %dma_start3A_143] : memref<40x128xi32, #tpu.memory_space<vmem>> -> memref<1x128xi32, #tpu.memory_space<vmem>>
      %dma_start3A_145 = tpu.memref_squeeze %dma_start3A_144 : memref<1x128xi32, #tpu.memory_space<vmem>> -> memref<128xi32, #tpu.memory_space<vmem>>
      %dma_start3A_146 = arith.constant 0 : i32
      %dma_start3A_147 = arith.constant 0 : i32
      %dma_start3A_148 = tpu.memref_slice %arg2[%dma_start3A_146, %dma_start3A_147] : memref<10240x128xf32, #tpu.memory_space<hbm>> -> memref<10240x128xf32, #tpu.memory_space<hbm>>
      tpu.enqueue_indirect_dma source(%dma_start3A_148 : memref<10240x128xf32, #tpu.memory_space<hbm>>) target(%arg10 : memref<128x128xf32, #tpu.memory_space<vmem>>) offsets(%dma_start3A_145 : memref<128xi32, #tpu.memory_space<vmem>>) semaphore(%arg13 : memref<!tpu.dma_semaphore, #tpu.memory_space<semaphore_mem>>)
    }
    %scan3A_20 = arith.constant 20 : i32
    %dma_wait3A = arith.constant 39 : i32
    %dma_wait3A_21 = arith.constant 0 : i32
    %dma_wait3A_22 = tpu.memref_slice %arg7[%dma_wait3A, %dma_wait3A_21] : memref<40x128xi32, #tpu.memory_space<vmem>> -> memref<1x128xi32, #tpu.memory_space<vmem>>
    %dma_wait3A_23 = tpu.memref_squeeze %dma_wait3A_22 : memref<1x128xi32, #tpu.memory_space<vmem>> -> memref<128xi32, #tpu.memory_space<vmem>>
    %dma_wait3A_24 = arith.constant 0 : i32
    %dma_wait3A_25 = arith.constant 0 : i32
    %dma_wait3A_26 = tpu.memref_slice %arg2[%dma_wait3A_24, %dma_wait3A_25] : memref<10240x128xf32, #tpu.memory_space<hbm>> -> memref<10240x128xf32, #tpu.memory_space<hbm>>
    tpu.wait_indirect_dma semaphore(%arg12 : memref<!tpu.dma_semaphore, #tpu.memory_space<semaphore_mem>>) src(%dma_wait3A_26 : memref<10240x128xf32, #tpu.memory_space<hbm>>) dst(%arg9 : memref<128x128xf32, #tpu.memory_space<vmem>>)
    %dma_wait3A_27 = arith.constant 39 : i32
    %dma_wait3A_28 = arith.constant 0 : i32
    %dma_wait3A_29 = tpu.memref_slice %arg7[%dma_wait3A_27, %dma_wait3A_28] : memref<40x128xi32, #tpu.memory_space<vmem>> -> memref<1x128xi32, #tpu.memory_space<vmem>>
    %dma_wait3A_30 = tpu.memref_squeeze %dma_wait3A_29 : memref<1x128xi32, #tpu.memory_space<vmem>> -> memref<128xi32, #tpu.memory_space<vmem>>
    %dma_wait3A_31 = arith.constant 0 : i32
    %dma_wait3A_32 = arith.constant 0 : i32
    %dma_wait3A_33 = tpu.memref_slice %arg2[%dma_wait3A_31, %dma_wait3A_32] : memref<10240x128xf32, #tpu.memory_space<hbm>> -> memref<10240x128xf32, #tpu.memory_space<hbm>>
    tpu.wait_indirect_dma semaphore(%arg13 : memref<!tpu.dma_semaphore, #tpu.memory_space<semaphore_mem>>) src(%dma_wait3A_33 : memref<10240x128xf32, #tpu.memory_space<hbm>>) dst(%arg10 : memref<128x128xf32, #tpu.memory_space<vmem>>)
    "tpu.region"() ({
      %run_scoped3A = tpu.sem_alloc : memref<!tpu.dma_semaphore, #tpu.memory_space<semaphore_mem>>
      %dma_start3A_89 = arith.constant 40 : i32
      %dma_start3A_90 = arith.constant 0 : i32
      %dma_start3A_91 = tpu.memref_slice %arg3[%add3A, %dma_start3A_89, %dma_start3A_90] : memref<32x80x128xi32, #tpu.memory_space<hbm>> -> memref<1x40x128xi32, #tpu.memory_space<hbm>>
      %dma_start3A_92 = tpu.memref_squeeze %dma_start3A_91 : memref<1x40x128xi32, #tpu.memory_space<hbm>> -> memref<40x128xi32, #tpu.memory_space<hbm>>
      %dma_start3A_93 = arith.constant 40 : i32
      %dma_start3A_94 = arith.constant 0 : i32
      %dma_start3A_95 = tpu.memref_slice %arg3[%add3A, %dma_start3A_93, %dma_start3A_94] : memref<32x80x128xi32, #tpu.memory_space<hbm>> -> memref<1x40x128xi32, #tpu.memory_space<hbm>>
      %dma_start3A_96 = tpu.memref_squeeze %dma_start3A_95 : memref<1x40x128xi32, #tpu.memory_space<hbm>> -> memref<40x128xi32, #tpu.memory_space<hbm>>
      tpu.enqueue_dma source(%dma_start3A_96 : memref<40x128xi32, #tpu.memory_space<hbm>>) target(%arg7 : memref<40x128xi32, #tpu.memory_space<vmem>>) target_semaphore(%run_scoped3A : memref<!tpu.dma_semaphore, #tpu.memory_space<semaphore_mem>>)
      %dma_wait3A_97 = arith.constant 40 : i32
      %dma_wait3A_98 = arith.constant 0 : i32
      %dma_wait3A_99 = tpu.memref_slice %arg3[%add3A, %dma_wait3A_97, %dma_wait3A_98] : memref<32x80x128xi32, #tpu.memory_space<hbm>> -> memref<1x40x128xi32, #tpu.memory_space<hbm>>
      %dma_wait3A_100 = tpu.memref_squeeze %dma_wait3A_99 : memref<1x40x128xi32, #tpu.memory_space<hbm>> -> memref<40x128xi32, #tpu.memory_space<hbm>>
      %dma_wait3A_101 = arith.constant 40 : i32
      %dma_wait3A_102 = arith.constant 0 : i32
      %dma_wait3A_103 = tpu.memref_slice %arg3[%add3A, %dma_wait3A_101, %dma_wait3A_102] : memref<32x80x128xi32, #tpu.memory_space<hbm>> -> memref<1x40x128xi32, #tpu.memory_space<hbm>>
      %dma_wait3A_104 = tpu.memref_squeeze %dma_wait3A_103 : memref<1x40x128xi32, #tpu.memory_space<hbm>> -> memref<40x128xi32, #tpu.memory_space<hbm>>
      tpu.wait_dma2 semaphore(%run_scoped3A : memref<!tpu.dma_semaphore, #tpu.memory_space<semaphore_mem>>) src(%dma_wait3A_104 : memref<40x128xi32, #tpu.memory_space<hbm>>) dst(%arg7 : memref<40x128xi32, #tpu.memory_space<vmem>>)
      tpu.yield
    }) : () -> ()
    "tpu.region"() ({
      %run_scoped3A = tpu.sem_alloc : memref<!tpu.dma_semaphore, #tpu.memory_space<semaphore_mem>>
      %dma_start3A_89 = arith.constant 40 : i32
      %dma_start3A_90 = arith.constant 0 : i32
      %dma_start3A_91 = tpu.memref_slice %arg4[%add3A, %dma_start3A_89, %dma_start3A_90] : memref<32x80x128xi32, #tpu.memory_space<hbm>> -> memref<1x40x128xi32, #tpu.memory_space<hbm>>
      %dma_start3A_92 = tpu.memref_squeeze %dma_start3A_91 : memref<1x40x128xi32, #tpu.memory_space<hbm>> -> memref<40x128xi32, #tpu.memory_space<hbm>>
      %dma_start3A_93 = arith.constant 40 : i32
      %dma_start3A_94 = arith.constant 0 : i32
      %dma_start3A_95 = tpu.memref_slice %arg4[%add3A, %dma_start3A_93, %dma_start3A_94] : memref<32x80x128xi32, #tpu.memory_space<hbm>> -> memref<1x40x128xi32, #tpu.memory_space<hbm>>
      %dma_start3A_96 = tpu.memref_squeeze %dma_start3A_95 : memref<1x40x128xi32, #tpu.memory_space<hbm>> -> memref<40x128xi32, #tpu.memory_space<hbm>>
      tpu.enqueue_dma source(%dma_start3A_96 : memref<40x128xi32, #tpu.memory_space<hbm>>) target(%arg8 : memref<40x128xi32, #tpu.memory_space<vmem>>) target_semaphore(%run_scoped3A : memref<!tpu.dma_semaphore, #tpu.memory_space<semaphore_mem>>)
      %dma_wait3A_97 = arith.constant 40 : i32
      %dma_wait3A_98 = arith.constant 0 : i32
      %dma_wait3A_99 = tpu.memref_slice %arg4[%add3A, %dma_wait3A_97, %dma_wait3A_98] : memref<32x80x128xi32, #tpu.memory_space<hbm>> -> memref<1x40x128xi32, #tpu.memory_space<hbm>>
      %dma_wait3A_100 = tpu.memref_squeeze %dma_wait3A_99 : memref<1x40x128xi32, #tpu.memory_space<hbm>> -> memref<40x128xi32, #tpu.memory_space<hbm>>
      %dma_wait3A_101 = arith.constant 40 : i32
      %dma_wait3A_102 = arith.constant 0 : i32
      %dma_wait3A_103 = tpu.memref_slice %arg4[%add3A, %dma_wait3A_101, %dma_wait3A_102] : memref<32x80x128xi32, #tpu.memory_space<hbm>> -> memref<1x40x128xi32, #tpu.memory_space<hbm>>
      %dma_wait3A_104 = tpu.memref_squeeze %dma_wait3A_103 : memref<1x40x128xi32, #tpu.memory_space<hbm>> -> memref<40x128xi32, #tpu.memory_space<hbm>>
      tpu.wait_dma2 semaphore(%run_scoped3A : memref<!tpu.dma_semaphore, #tpu.memory_space<semaphore_mem>>) src(%dma_wait3A_104 : memref<40x128xi32, #tpu.memory_space<hbm>>) dst(%arg8 : memref<40x128xi32, #tpu.memory_space<vmem>>)
      tpu.yield
    }) : () -> ()
    %dma_start3A_34 = arith.constant 0 : i32
    %dma_start3A_35 = arith.constant 0 : i32
    %dma_start3A_36 = tpu.memref_slice %arg7[%dma_start3A_34, %dma_start3A_35] : memref<40x128xi32, #tpu.memory_space<vmem>> -> memref<1x128xi32, #tpu.memory_space<vmem>>
    %dma_start3A_37 = tpu.memref_squeeze %dma_start3A_36 : memref<1x128xi32, #tpu.memory_space<vmem>> -> memref<128xi32, #tpu.memory_space<vmem>>
    %dma_start3A_38 = arith.constant 0 : i32
    %dma_start3A_39 = arith.constant 0 : i32
    %dma_start3A_40 = tpu.memref_slice %arg2[%dma_start3A_38, %dma_start3A_39] : memref<10240x128xf32, #tpu.memory_space<hbm>> -> memref<10240x128xf32, #tpu.memory_space<hbm>>
    tpu.enqueue_indirect_dma source(%dma_start3A_40 : memref<10240x128xf32, #tpu.memory_space<hbm>>) target(%arg9 : memref<128x128xf32, #tpu.memory_space<vmem>>) offsets(%dma_start3A_37 : memref<128xi32, #tpu.memory_space<vmem>>) semaphore(%arg12 : memref<!tpu.dma_semaphore, #tpu.memory_space<semaphore_mem>>)
    %dma_start3A_41 = arith.constant 1 : i32
    %dma_start3A_42 = arith.constant 0 : i32
    %dma_start3A_43 = tpu.memref_slice %arg7[%dma_start3A_41, %dma_start3A_42] : memref<40x128xi32, #tpu.memory_space<vmem>> -> memref<1x128xi32, #tpu.memory_space<vmem>>
    %dma_start3A_44 = tpu.memref_squeeze %dma_start3A_43 : memref<1x128xi32, #tpu.memory_space<vmem>> -> memref<128xi32, #tpu.memory_space<vmem>>
    %dma_start3A_45 = arith.constant 0 : i32
    %dma_start3A_46 = arith.constant 0 : i32
    %dma_start3A_47 = tpu.memref_slice %arg2[%dma_start3A_45, %dma_start3A_46] : memref<10240x128xf32, #tpu.memory_space<hbm>> -> memref<10240x128xf32, #tpu.memory_space<hbm>>
    tpu.enqueue_indirect_dma source(%dma_start3A_47 : memref<10240x128xf32, #tpu.memory_space<hbm>>) target(%arg10 : memref<128x128xf32, #tpu.memory_space<vmem>>) offsets(%dma_start3A_44 : memref<128xi32, #tpu.memory_space<vmem>>) semaphore(%arg13 : memref<!tpu.dma_semaphore, #tpu.memory_space<semaphore_mem>>)
    %scan3A_48 = arith.constant 0 : i32
    %scan3A_49 = arith.constant 0 : i32
    %scan3A_50 = arith.constant 20 : i32
    %scan3A_51 = arith.addi %scan3A_49, %scan3A_50 : i32
    %scan3A_52 = arith.constant 1 : i32
    scf.for %scan3A_89 = %scan3A_49 to %scan3A_51 step %scan3A_52  : i32 {
      %mul3A_90 = arith.constant 2 : i32
      %mul3A_91 = arith.muli %mul3A_90, %scan3A_89 : i32
      %add3A_92 = arith.constant 1 : i32
      %add3A_93 = arith.addi %mul3A_91, %add3A_92 : i32
      %dma_wait3A_94 = arith.constant 0 : i32
      %dma_wait3A_95 = tpu.memref_slice %arg7[%mul3A_91, %dma_wait3A_94] : memref<40x128xi32, #tpu.memory_space<vmem>> -> memref<1x128xi32, #tpu.memory_space<vmem>>
      %dma_wait3A_96 = tpu.memref_squeeze %dma_wait3A_95 : memref<1x128xi32, #tpu.memory_space<vmem>> -> memref<128xi32, #tpu.memory_space<vmem>>
      %dma_wait3A_97 = arith.constant 0 : i32
      %dma_wait3A_98 = arith.constant 0 : i32
      %dma_wait3A_99 = tpu.memref_slice %arg2[%dma_wait3A_97, %dma_wait3A_98] : memref<10240x128xf32, #tpu.memory_space<hbm>> -> memref<10240x128xf32, #tpu.memory_space<hbm>>
      tpu.wait_indirect_dma semaphore(%arg12 : memref<!tpu.dma_semaphore, #tpu.memory_space<semaphore_mem>>) src(%dma_wait3A_99 : memref<10240x128xf32, #tpu.memory_space<hbm>>) dst(%arg9 : memref<128x128xf32, #tpu.memory_space<vmem>>)
      %dma_start3A_100 = arith.constant 0 : i32
      %dma_start3A_101 = tpu.memref_slice %arg8[%mul3A_91, %dma_start3A_100] : memref<40x128xi32, #tpu.memory_space<vmem>> -> memref<1x128xi32, #tpu.memory_space<vmem>>
      %dma_start3A_102 = tpu.memref_squeeze %dma_start3A_101 : memref<1x128xi32, #tpu.memory_space<vmem>> -> memref<128xi32, #tpu.memory_space<vmem>>
      %dma_start3A_103 = arith.constant 0 : i32
      %dma_start3A_104 = arith.constant 0 : i32
      %dma_start3A_105 = tpu.memref_slice %arg11[%dma_start3A_103, %dma_start3A_104] : memref<10240x128xf32, #tpu.memory_space<vmem_shared>> -> memref<10240x128xf32, #tpu.memory_space<vmem_shared>>
      tpu.enqueue_indirect_dma source(%arg9 : memref<128x128xf32, #tpu.memory_space<vmem>>) target(%dma_start3A_105 : memref<10240x128xf32, #tpu.memory_space<vmem_shared>>) offsets(%dma_start3A_102 : memref<128xi32, #tpu.memory_space<vmem>>) semaphore(%arg14 : memref<!tpu.dma_semaphore, #tpu.memory_space<semaphore_mem>>) {add = true}
      %dma_wait3A_106 = arith.constant 0 : i32
      %dma_wait3A_107 = tpu.memref_slice %arg7[%add3A_93, %dma_wait3A_106] : memref<40x128xi32, #tpu.memory_space<vmem>> -> memref<1x128xi32, #tpu.memory_space<vmem>>
      %dma_wait3A_108 = tpu.memref_squeeze %dma_wait3A_107 : memref<1x128xi32, #tpu.memory_space<vmem>> -> memref<128xi32, #tpu.memory_space<vmem>>
      %dma_wait3A_109 = arith.constant 0 : i32
      %dma_wait3A_110 = arith.constant 0 : i32
      %dma_wait3A_111 = tpu.memref_slice %arg2[%dma_wait3A_109, %dma_wait3A_110] : memref<10240x128xf32, #tpu.memory_space<hbm>> -> memref<10240x128xf32, #tpu.memory_space<hbm>>
      tpu.wait_indirect_dma semaphore(%arg13 : memref<!tpu.dma_semaphore, #tpu.memory_space<semaphore_mem>>) src(%dma_wait3A_111 : memref<10240x128xf32, #tpu.memory_space<hbm>>) dst(%arg10 : memref<128x128xf32, #tpu.memory_space<vmem>>)
      %dma_start3A_112 = arith.constant 0 : i32
      %dma_start3A_113 = tpu.memref_slice %arg8[%add3A_93, %dma_start3A_112] : memref<40x128xi32, #tpu.memory_space<vmem>> -> memref<1x128xi32, #tpu.memory_space<vmem>>
      %dma_start3A_114 = tpu.memref_squeeze %dma_start3A_113 : memref<1x128xi32, #tpu.memory_space<vmem>> -> memref<128xi32, #tpu.memory_space<vmem>>
      %dma_start3A_115 = arith.constant 0 : i32
      %dma_start3A_116 = arith.constant 0 : i32
      %dma_start3A_117 = tpu.memref_slice %arg11[%dma_start3A_115, %dma_start3A_116] : memref<10240x128xf32, #tpu.memory_space<vmem_shared>> -> memref<10240x128xf32, #tpu.memory_space<vmem_shared>>
      tpu.enqueue_indirect_dma source(%arg10 : memref<128x128xf32, #tpu.memory_space<vmem>>) target(%dma_start3A_117 : memref<10240x128xf32, #tpu.memory_space<vmem_shared>>) offsets(%dma_start3A_114 : memref<128xi32, #tpu.memory_space<vmem>>) semaphore(%arg15 : memref<!tpu.dma_semaphore, #tpu.memory_space<semaphore_mem>>) {add = true}
      %add3A_118 = arith.constant 2 : i32
      %add3A_119 = arith.addi %mul3A_91, %add3A_118 : i32
      %min3A = arith.constant 39 : i32
      %min3A_120 = arith.minsi %add3A_119, %min3A : i32
      %add3A_121 = arith.constant 2 : i32
      %add3A_122 = arith.addi %add3A_93, %add3A_121 : i32
      %min3A_123 = arith.constant 39 : i32
      %min3A_124 = arith.minsi %add3A_122, %min3A_123 : i32
      %dma_wait3A_125 = arith.constant 0 : i32
      %dma_wait3A_126 = tpu.memref_slice %arg8[%mul3A_91, %dma_wait3A_125] : memref<40x128xi32, #tpu.memory_space<vmem>> -> memref<1x128xi32, #tpu.memory_space<vmem>>
      %dma_wait3A_127 = tpu.memref_squeeze %dma_wait3A_126 : memref<1x128xi32, #tpu.memory_space<vmem>> -> memref<128xi32, #tpu.memory_space<vmem>>
      %dma_wait3A_128 = arith.constant 0 : i32
      %dma_wait3A_129 = arith.constant 0 : i32
      %dma_wait3A_130 = tpu.memref_slice %arg11[%dma_wait3A_128, %dma_wait3A_129] : memref<10240x128xf32, #tpu.memory_space<vmem_shared>> -> memref<10240x128xf32, #tpu.memory_space<vmem_shared>>
      tpu.wait_indirect_dma semaphore(%arg14 : memref<!tpu.dma_semaphore, #tpu.memory_space<semaphore_mem>>) src(%arg9 : memref<128x128xf32, #tpu.memory_space<vmem>>) dst(%dma_wait3A_130 : memref<10240x128xf32, #tpu.memory_space<vmem_shared>>)
      %dma_start3A_131 = arith.constant 0 : i32
      %dma_start3A_132 = tpu.memref_slice %arg7[%min3A_120, %dma_start3A_131] : memref<40x128xi32, #tpu.memory_space<vmem>> -> memref<1x128xi32, #tpu.memory_space<vmem>>
      %dma_start3A_133 = tpu.memref_squeeze %dma_start3A_132 : memref<1x128xi32, #tpu.memory_space<vmem>> -> memref<128xi32, #tpu.memory_space<vmem>>
      %dma_start3A_134 = arith.constant 0 : i32
      %dma_start3A_135 = arith.constant 0 : i32
      %dma_start3A_136 = tpu.memref_slice %arg2[%dma_start3A_134, %dma_start3A_135] : memref<10240x128xf32, #tpu.memory_space<hbm>> -> memref<10240x128xf32, #tpu.memory_space<hbm>>
      tpu.enqueue_indirect_dma source(%dma_start3A_136 : memref<10240x128xf32, #tpu.memory_space<hbm>>) target(%arg9 : memref<128x128xf32, #tpu.memory_space<vmem>>) offsets(%dma_start3A_133 : memref<128xi32, #tpu.memory_space<vmem>>) semaphore(%arg12 : memref<!tpu.dma_semaphore, #tpu.memory_space<semaphore_mem>>)
      %dma_wait3A_137 = arith.constant 0 : i32
      %dma_wait3A_138 = tpu.memref_slice %arg8[%add3A_93, %dma_wait3A_137] : memref<40x128xi32, #tpu.memory_space<vmem>> -> memref<1x128xi32, #tpu.memory_space<vmem>>
      %dma_wait3A_139 = tpu.memref_squeeze %dma_wait3A_138 : memref<1x128xi32, #tpu.memory_space<vmem>> -> memref<128xi32, #tpu.memory_space<vmem>>
      %dma_wait3A_140 = arith.constant 0 : i32
      %dma_wait3A_141 = arith.constant 0 : i32
      %dma_wait3A_142 = tpu.memref_slice %arg11[%dma_wait3A_140, %dma_wait3A_141] : memref<10240x128xf32, #tpu.memory_space<vmem_shared>> -> memref<10240x128xf32, #tpu.memory_space<vmem_shared>>
      tpu.wait_indirect_dma semaphore(%arg15 : memref<!tpu.dma_semaphore, #tpu.memory_space<semaphore_mem>>) src(%arg10 : memref<128x128xf32, #tpu.memory_space<vmem>>) dst(%dma_wait3A_142 : memref<10240x128xf32, #tpu.memory_space<vmem_shared>>)
      %dma_start3A_143 = arith.constant 0 : i32
      %dma_start3A_144 = tpu.memref_slice %arg7[%min3A_124, %dma_start3A_143] : memref<40x128xi32, #tpu.memory_space<vmem>> -> memref<1x128xi32, #tpu.memory_space<vmem>>
      %dma_start3A_145 = tpu.memref_squeeze %dma_start3A_144 : memref<1x128xi32, #tpu.memory_space<vmem>> -> memref<128xi32, #tpu.memory_space<vmem>>
      %dma_start3A_146 = arith.constant 0 : i32
      %dma_start3A_147 = arith.constant 0 : i32
      %dma_start3A_148 = tpu.memref_slice %arg2[%dma_start3A_146, %dma_start3A_147] : memref<10240x128xf32, #tpu.memory_space<hbm>> -> memref<10240x128xf32, #tpu.memory_space<hbm>>
      tpu.enqueue_indirect_dma source(%dma_start3A_148 : memref<10240x128xf32, #tpu.memory_space<hbm>>) target(%arg10 : memref<128x128xf32, #tpu.memory_space<vmem>>) offsets(%dma_start3A_145 : memref<128xi32, #tpu.memory_space<vmem>>) semaphore(%arg13 : memref<!tpu.dma_semaphore, #tpu.memory_space<semaphore_mem>>)
    }
    %scan3A_53 = arith.constant 20 : i32
    %dma_wait3A_54 = arith.constant 39 : i32
    %dma_wait3A_55 = arith.constant 0 : i32
    %dma_wait3A_56 = tpu.memref_slice %arg7[%dma_wait3A_54, %dma_wait3A_55] : memref<40x128xi32, #tpu.memory_space<vmem>> -> memref<1x128xi32, #tpu.memory_space<vmem>>
    %dma_wait3A_57 = tpu.memref_squeeze %dma_wait3A_56 : memref<1x128xi32, #tpu.memory_space<vmem>> -> memref<128xi32, #tpu.memory_space<vmem>>
    %dma_wait3A_58 = arith.constant 0 : i32
    %dma_wait3A_59 = arith.constant 0 : i32
    %dma_wait3A_60 = tpu.memref_slice %arg2[%dma_wait3A_58, %dma_wait3A_59] : memref<10240x128xf32, #tpu.memory_space<hbm>> -> memref<10240x128xf32, #tpu.memory_space<hbm>>
    tpu.wait_indirect_dma semaphore(%arg12 : memref<!tpu.dma_semaphore, #tpu.memory_space<semaphore_mem>>) src(%dma_wait3A_60 : memref<10240x128xf32, #tpu.memory_space<hbm>>) dst(%arg9 : memref<128x128xf32, #tpu.memory_space<vmem>>)
    %dma_wait3A_61 = arith.constant 39 : i32
    %dma_wait3A_62 = arith.constant 0 : i32
    %dma_wait3A_63 = tpu.memref_slice %arg7[%dma_wait3A_61, %dma_wait3A_62] : memref<40x128xi32, #tpu.memory_space<vmem>> -> memref<1x128xi32, #tpu.memory_space<vmem>>
    %dma_wait3A_64 = tpu.memref_squeeze %dma_wait3A_63 : memref<1x128xi32, #tpu.memory_space<vmem>> -> memref<128xi32, #tpu.memory_space<vmem>>
    %dma_wait3A_65 = arith.constant 0 : i32
    %dma_wait3A_66 = arith.constant 0 : i32
    %dma_wait3A_67 = tpu.memref_slice %arg2[%dma_wait3A_65, %dma_wait3A_66] : memref<10240x128xf32, #tpu.memory_space<hbm>> -> memref<10240x128xf32, #tpu.memory_space<hbm>>
    tpu.wait_indirect_dma semaphore(%arg13 : memref<!tpu.dma_semaphore, #tpu.memory_space<semaphore_mem>>) src(%dma_wait3A_67 : memref<10240x128xf32, #tpu.memory_space<hbm>>) dst(%arg10 : memref<128x128xf32, #tpu.memory_space<vmem>>)
    %barrier3A_68 = arith.constant 0 : index
    tpu.barrier barrier_id(%barrier3A_68)
    %mul3A_69 = arith.constant 640 : i32
    %mul3A_70 = arith.muli %arg1, %mul3A_69 : i32
    %add3A_71 = arith.constant 0 : i32
    %add3A_72 = arith.addi %mul3A_70, %add3A_71 : i32
    "tpu.region"() ({
      %run_scoped3A = tpu.sem_alloc : memref<!tpu.dma_semaphore, #tpu.memory_space<semaphore_mem>>
      %dma_start3A_89 = arith.constant 0 : i32
      %dma_start3A_90 = tpu.memref_slice %arg11[%add3A_72, %dma_start3A_89] : memref<10240x128xf32, #tpu.memory_space<vmem_shared>> -> memref<128x128xf32, #tpu.memory_space<vmem_shared>>
      %dma_start3A_91 = arith.constant 0 : i32
      %dma_start3A_92 = tpu.memref_slice %arg11[%add3A_72, %dma_start3A_91] : memref<10240x128xf32, #tpu.memory_space<vmem_shared>> -> memref<128x128xf32, #tpu.memory_space<vmem_shared>>
      tpu.enqueue_dma source(%dma_start3A_92 : memref<128x128xf32, #tpu.memory_space<vmem_shared>>) target(%arg9 : memref<128x128xf32, #tpu.memory_space<vmem>>) target_semaphore(%run_scoped3A : memref<!tpu.dma_semaphore, #tpu.memory_space<semaphore_mem>>)
      %dma_wait3A_93 = arith.constant 0 : i32
      %dma_wait3A_94 = tpu.memref_slice %arg11[%add3A_72, %dma_wait3A_93] : memref<10240x128xf32, #tpu.memory_space<vmem_shared>> -> memref<128x128xf32, #tpu.memory_space<vmem_shared>>
      %dma_wait3A_95 = arith.constant 0 : i32
      %dma_wait3A_96 = tpu.memref_slice %arg11[%add3A_72, %dma_wait3A_95] : memref<10240x128xf32, #tpu.memory_space<vmem_shared>> -> memref<128x128xf32, #tpu.memory_space<vmem_shared>>
      tpu.wait_dma2 semaphore(%run_scoped3A : memref<!tpu.dma_semaphore, #tpu.memory_space<semaphore_mem>>) src(%dma_wait3A_96 : memref<128x128xf32, #tpu.memory_space<vmem_shared>>) dst(%arg9 : memref<128x128xf32, #tpu.memory_space<vmem>>)
      tpu.yield
    }) : () -> ()
    "tpu.region"() ({
      %run_scoped3A = tpu.sem_alloc : memref<!tpu.dma_semaphore, #tpu.memory_space<semaphore_mem>>
      %dma_start3A_89 = arith.constant 0 : i32
      %dma_start3A_90 = tpu.memref_slice %arg6[%arg0, %add3A_72, %dma_start3A_89] : memref<2x10240x128xf32, #tpu.memory_space<hbm>> -> memref<1x128x128xf32, #tpu.memory_space<hbm>>
      %dma_start3A_91 = tpu.memref_squeeze %dma_start3A_90 : memref<1x128x128xf32, #tpu.memory_space<hbm>> -> memref<128x128xf32, #tpu.memory_space<hbm>>
      %dma_start3A_92 = arith.constant 0 : i32
      %dma_start3A_93 = tpu.memref_slice %arg6[%arg0, %add3A_72, %dma_start3A_92] : memref<2x10240x128xf32, #tpu.memory_space<hbm>> -> memref<1x128x128xf32, #tpu.memory_space<hbm>>
      %dma_start3A_94 = tpu.memref_squeeze %dma_start3A_93 : memref<1x128x128xf32, #tpu.memory_space<hbm>> -> memref<128x128xf32, #tpu.memory_space<hbm>>
      tpu.enqueue_dma source(%arg9 : memref<128x128xf32, #tpu.memory_space<vmem>>) target(%dma_start3A_94 : memref<128x128xf32, #tpu.memory_space<hbm>>) target_semaphore(%run_scoped3A : memref<!tpu.dma_semaphore, #tpu.memory_space<semaphore_mem>>)
      %dma_wait3A_95 = arith.constant 0 : i32
      %dma_wait3A_96 = tpu.memref_slice %arg6[%arg0, %add3A_72, %dma_wait3A_95] : memref<2x10240x128xf32, #tpu.memory_space<hbm>> -> memref<1x128x128xf32, #tpu.memory_space<hbm>>
      %dma_wait3A_97 = tpu.memref_squeeze %dma_wait3A_96 : memref<1x128x128xf32, #tpu.memory_space<hbm>> -> memref<128x128xf32, #tpu.memory_space<hbm>>
      %dma_wait3A_98 = arith.constant 0 : i32
      %dma_wait3A_99 = tpu.memref_slice %arg6[%arg0, %add3A_72, %dma_wait3A_98] : memref<2x10240x128xf32, #tpu.memory_space<hbm>> -> memref<1x128x128xf32, #tpu.memory_space<hbm>>
      %dma_wait3A_100 = tpu.memref_squeeze %dma_wait3A_99 : memref<1x128x128xf32, #tpu.memory_space<hbm>> -> memref<128x128xf32, #tpu.memory_space<hbm>>
      tpu.wait_dma2 semaphore(%run_scoped3A : memref<!tpu.dma_semaphore, #tpu.memory_space<semaphore_mem>>) src(%arg9 : memref<128x128xf32, #tpu.memory_space<vmem>>) dst(%dma_wait3A_100 : memref<128x128xf32, #tpu.memory_space<hbm>>)
      tpu.yield
    }) : () -> ()
    %mul3A_73 = arith.constant 640 : i32
    %mul3A_74 = arith.muli %arg1, %mul3A_73 : i32
    %add3A_75 = arith.constant 128 : i32
    %add3A_76 = arith.addi %mul3A_74, %add3A_75 : i32
    "tpu.region"() ({
      %run_scoped3A = tpu.sem_alloc : memref<!tpu.dma_semaphore, #tpu.memory_space<semaphore_mem>>
      %dma_start3A_89 = arith.constant 0 : i32
      %dma_start3A_90 = tpu.memref_slice %arg11[%add3A_76, %dma_start3A_89] : memref<10240x128xf32, #tpu.memory_space<vmem_shared>> -> memref<128x128xf32, #tpu.memory_space<vmem_shared>>
      %dma_start3A_91 = arith.constant 0 : i32
      %dma_start3A_92 = tpu.memref_slice %arg11[%add3A_76, %dma_start3A_91] : memref<10240x128xf32, #tpu.memory_space<vmem_shared>> -> memref<128x128xf32, #tpu.memory_space<vmem_shared>>
      tpu.enqueue_dma source(%dma_start3A_92 : memref<128x128xf32, #tpu.memory_space<vmem_shared>>) target(%arg9 : memref<128x128xf32, #tpu.memory_space<vmem>>) target_semaphore(%run_scoped3A : memref<!tpu.dma_semaphore, #tpu.memory_space<semaphore_mem>>)
      %dma_wait3A_93 = arith.constant 0 : i32
      %dma_wait3A_94 = tpu.memref_slice %arg11[%add3A_76, %dma_wait3A_93] : memref<10240x128xf32, #tpu.memory_space<vmem_shared>> -> memref<128x128xf32, #tpu.memory_space<vmem_shared>>
      %dma_wait3A_95 = arith.constant 0 : i32
      %dma_wait3A_96 = tpu.memref_slice %arg11[%add3A_76, %dma_wait3A_95] : memref<10240x128xf32, #tpu.memory_space<vmem_shared>> -> memref<128x128xf32, #tpu.memory_space<vmem_shared>>
      tpu.wait_dma2 semaphore(%run_scoped3A : memref<!tpu.dma_semaphore, #tpu.memory_space<semaphore_mem>>) src(%dma_wait3A_96 : memref<128x128xf32, #tpu.memory_space<vmem_shared>>) dst(%arg9 : memref<128x128xf32, #tpu.memory_space<vmem>>)
      tpu.yield
    }) : () -> ()
    "tpu.region"() ({
      %run_scoped3A = tpu.sem_alloc : memref<!tpu.dma_semaphore, #tpu.memory_space<semaphore_mem>>
      %dma_start3A_89 = arith.constant 0 : i32
      %dma_start3A_90 = tpu.memref_slice %arg6[%arg0, %add3A_76, %dma_start3A_89] : memref<2x10240x128xf32, #tpu.memory_space<hbm>> -> memref<1x128x128xf32, #tpu.memory_space<hbm>>
      %dma_start3A_91 = tpu.memref_squeeze %dma_start3A_90 : memref<1x128x128xf32, #tpu.memory_space<hbm>> -> memref<128x128xf32, #tpu.memory_space<hbm>>
      %dma_start3A_92 = arith.constant 0 : i32
      %dma_start3A_93 = tpu.memref_slice %arg6[%arg0, %add3A_76, %dma_start3A_92] : memref<2x10240x128xf32, #tpu.memory_space<hbm>> -> memref<1x128x128xf32, #tpu.memory_space<hbm>>
      %dma_start3A_94 = tpu.memref_squeeze %dma_start3A_93 : memref<1x128x128xf32, #tpu.memory_space<hbm>> -> memref<128x128xf32, #tpu.memory_space<hbm>>
      tpu.enqueue_dma source(%arg9 : memref<128x128xf32, #tpu.memory_space<vmem>>) target(%dma_start3A_94 : memref<128x128xf32, #tpu.memory_space<hbm>>) target_semaphore(%run_scoped3A : memref<!tpu.dma_semaphore, #tpu.memory_space<semaphore_mem>>)
      %dma_wait3A_95 = arith.constant 0 : i32
      %dma_wait3A_96 = tpu.memref_slice %arg6[%arg0, %add3A_76, %dma_wait3A_95] : memref<2x10240x128xf32, #tpu.memory_space<hbm>> -> memref<1x128x128xf32, #tpu.memory_space<hbm>>
      %dma_wait3A_97 = tpu.memref_squeeze %dma_wait3A_96 : memref<1x128x128xf32, #tpu.memory_space<hbm>> -> memref<128x128xf32, #tpu.memory_space<hbm>>
      %dma_wait3A_98 = arith.constant 0 : i32
      %dma_wait3A_99 = tpu.memref_slice %arg6[%arg0, %add3A_76, %dma_wait3A_98] : memref<2x10240x128xf32, #tpu.memory_space<hbm>> -> memref<1x128x128xf32, #tpu.memory_space<hbm>>
      %dma_wait3A_100 = tpu.memref_squeeze %dma_wait3A_99 : memref<1x128x128xf32, #tpu.memory_space<hbm>> -> memref<128x128xf32, #tpu.memory_space<hbm>>
      tpu.wait_dma2 semaphore(%run_scoped3A : memref<!tpu.dma_semaphore, #tpu.memory_space<semaphore_mem>>) src(%arg9 : memref<128x128xf32, #tpu.memory_space<vmem>>) dst(%dma_wait3A_100 : memref<128x128xf32, #tpu.memory_space<hbm>>)
      tpu.yield
    }) : () -> ()
    %mul3A_77 = arith.constant 640 : i32
    %mul3A_78 = arith.muli %arg1, %mul3A_77 : i32
    %add3A_79 = arith.constant 256 : i32
    %add3A_80 = arith.addi %mul3A_78, %add3A_79 : i32
    "tpu.region"() ({
      %run_scoped3A = tpu.sem_alloc : memref<!tpu.dma_semaphore, #tpu.memory_space<semaphore_mem>>
      %dma_start3A_89 = arith.constant 0 : i32
      %dma_start3A_90 = tpu.memref_slice %arg11[%add3A_80, %dma_start3A_89] : memref<10240x128xf32, #tpu.memory_space<vmem_shared>> -> memref<128x128xf32, #tpu.memory_space<vmem_shared>>
      %dma_start3A_91 = arith.constant 0 : i32
      %dma_start3A_92 = tpu.memref_slice %arg11[%add3A_80, %dma_start3A_91] : memref<10240x128xf32, #tpu.memory_space<vmem_shared>> -> memref<128x128xf32, #tpu.memory_space<vmem_shared>>
      tpu.enqueue_dma source(%dma_start3A_92 : memref<128x128xf32, #tpu.memory_space<vmem_shared>>) target(%arg9 : memref<128x128xf32, #tpu.memory_space<vmem>>) target_semaphore(%run_scoped3A : memref<!tpu.dma_semaphore, #tpu.memory_space<semaphore_mem>>)
      %dma_wait3A_93 = arith.constant 0 : i32
      %dma_wait3A_94 = tpu.memref_slice %arg11[%add3A_80, %dma_wait3A_93] : memref<10240x128xf32, #tpu.memory_space<vmem_shared>> -> memref<128x128xf32, #tpu.memory_space<vmem_shared>>
      %dma_wait3A_95 = arith.constant 0 : i32
      %dma_wait3A_96 = tpu.memref_slice %arg11[%add3A_80, %dma_wait3A_95] : memref<10240x128xf32, #tpu.memory_space<vmem_shared>> -> memref<128x128xf32, #tpu.memory_space<vmem_shared>>
      tpu.wait_dma2 semaphore(%run_scoped3A : memref<!tpu.dma_semaphore, #tpu.memory_space<semaphore_mem>>) src(%dma_wait3A_96 : memref<128x128xf32, #tpu.memory_space<vmem_shared>>) dst(%arg9 : memref<128x128xf32, #tpu.memory_space<vmem>>)
      tpu.yield
    }) : () -> ()
    "tpu.region"() ({
      %run_scoped3A = tpu.sem_alloc : memref<!tpu.dma_semaphore, #tpu.memory_space<semaphore_mem>>
      %dma_start3A_89 = arith.constant 0 : i32
      %dma_start3A_90 = tpu.memref_slice %arg6[%arg0, %add3A_80, %dma_start3A_89] : memref<2x10240x128xf32, #tpu.memory_space<hbm>> -> memref<1x128x128xf32, #tpu.memory_space<hbm>>
      %dma_start3A_91 = tpu.memref_squeeze %dma_start3A_90 : memref<1x128x128xf32, #tpu.memory_space<hbm>> -> memref<128x128xf32, #tpu.memory_space<hbm>>
      %dma_start3A_92 = arith.constant 0 : i32
      %dma_start3A_93 = tpu.memref_slice %arg6[%arg0, %add3A_80, %dma_start3A_92] : memref<2x10240x128xf32, #tpu.memory_space<hbm>> -> memref<1x128x128xf32, #tpu.memory_space<hbm>>
      %dma_start3A_94 = tpu.memref_squeeze %dma_start3A_93 : memref<1x128x128xf32, #tpu.memory_space<hbm>> -> memref<128x128xf32, #tpu.memory_space<hbm>>
      tpu.enqueue_dma source(%arg9 : memref<128x128xf32, #tpu.memory_space<vmem>>) target(%dma_start3A_94 : memref<128x128xf32, #tpu.memory_space<hbm>>) target_semaphore(%run_scoped3A : memref<!tpu.dma_semaphore, #tpu.memory_space<semaphore_mem>>)
      %dma_wait3A_95 = arith.constant 0 : i32
      %dma_wait3A_96 = tpu.memref_slice %arg6[%arg0, %add3A_80, %dma_wait3A_95] : memref<2x10240x128xf32, #tpu.memory_space<hbm>> -> memref<1x128x128xf32, #tpu.memory_space<hbm>>
      %dma_wait3A_97 = tpu.memref_squeeze %dma_wait3A_96 : memref<1x128x128xf32, #tpu.memory_space<hbm>> -> memref<128x128xf32, #tpu.memory_space<hbm>>
      %dma_wait3A_98 = arith.constant 0 : i32
      %dma_wait3A_99 = tpu.memref_slice %arg6[%arg0, %add3A_80, %dma_wait3A_98] : memref<2x10240x128xf32, #tpu.memory_space<hbm>> -> memref<1x128x128xf32, #tpu.memory_space<hbm>>
      %dma_wait3A_100 = tpu.memref_squeeze %dma_wait3A_99 : memref<1x128x128xf32, #tpu.memory_space<hbm>> -> memref<128x128xf32, #tpu.memory_space<hbm>>
      tpu.wait_dma2 semaphore(%run_scoped3A : memref<!tpu.dma_semaphore, #tpu.memory_space<semaphore_mem>>) src(%arg9 : memref<128x128xf32, #tpu.memory_space<vmem>>) dst(%dma_wait3A_100 : memref<128x128xf32, #tpu.memory_space<hbm>>)
      tpu.yield
    }) : () -> ()
    %mul3A_81 = arith.constant 640 : i32
    %mul3A_82 = arith.muli %arg1, %mul3A_81 : i32
    %add3A_83 = arith.constant 384 : i32
    %add3A_84 = arith.addi %mul3A_82, %add3A_83 : i32
    "tpu.region"() ({
      %run_scoped3A = tpu.sem_alloc : memref<!tpu.dma_semaphore, #tpu.memory_space<semaphore_mem>>
      %dma_start3A_89 = arith.constant 0 : i32
      %dma_start3A_90 = tpu.memref_slice %arg11[%add3A_84, %dma_start3A_89] : memref<10240x128xf32, #tpu.memory_space<vmem_shared>> -> memref<128x128xf32, #tpu.memory_space<vmem_shared>>
      %dma_start3A_91 = arith.constant 0 : i32
      %dma_start3A_92 = tpu.memref_slice %arg11[%add3A_84, %dma_start3A_91] : memref<10240x128xf32, #tpu.memory_space<vmem_shared>> -> memref<128x128xf32, #tpu.memory_space<vmem_shared>>
      tpu.enqueue_dma source(%dma_start3A_92 : memref<128x128xf32, #tpu.memory_space<vmem_shared>>) target(%arg9 : memref<128x128xf32, #tpu.memory_space<vmem>>) target_semaphore(%run_scoped3A : memref<!tpu.dma_semaphore, #tpu.memory_space<semaphore_mem>>)
      %dma_wait3A_93 = arith.constant 0 : i32
      %dma_wait3A_94 = tpu.memref_slice %arg11[%add3A_84, %dma_wait3A_93] : memref<10240x128xf32, #tpu.memory_space<vmem_shared>> -> memref<128x128xf32, #tpu.memory_space<vmem_shared>>
      %dma_wait3A_95 = arith.constant 0 : i32
      %dma_wait3A_96 = tpu.memref_slice %arg11[%add3A_84, %dma_wait3A_95] : memref<10240x128xf32, #tpu.memory_space<vmem_shared>> -> memref<128x128xf32, #tpu.memory_space<vmem_shared>>
      tpu.wait_dma2 semaphore(%run_scoped3A : memref<!tpu.dma_semaphore, #tpu.memory_space<semaphore_mem>>) src(%dma_wait3A_96 : memref<128x128xf32, #tpu.memory_space<vmem_shared>>) dst(%arg9 : memref<128x128xf32, #tpu.memory_space<vmem>>)
      tpu.yield
    }) : () -> ()
    "tpu.region"() ({
      %run_scoped3A = tpu.sem_alloc : memref<!tpu.dma_semaphore, #tpu.memory_space<semaphore_mem>>
      %dma_start3A_89 = arith.constant 0 : i32
      %dma_start3A_90 = tpu.memref_slice %arg6[%arg0, %add3A_84, %dma_start3A_89] : memref<2x10240x128xf32, #tpu.memory_space<hbm>> -> memref<1x128x128xf32, #tpu.memory_space<hbm>>
      %dma_start3A_91 = tpu.memref_squeeze %dma_start3A_90 : memref<1x128x128xf32, #tpu.memory_space<hbm>> -> memref<128x128xf32, #tpu.memory_space<hbm>>
      %dma_start3A_92 = arith.constant 0 : i32
      %dma_start3A_93 = tpu.memref_slice %arg6[%arg0, %add3A_84, %dma_start3A_92] : memref<2x10240x128xf32, #tpu.memory_space<hbm>> -> memref<1x128x128xf32, #tpu.memory_space<hbm>>
      %dma_start3A_94 = tpu.memref_squeeze %dma_start3A_93 : memref<1x128x128xf32, #tpu.memory_space<hbm>> -> memref<128x128xf32, #tpu.memory_space<hbm>>
      tpu.enqueue_dma source(%arg9 : memref<128x128xf32, #tpu.memory_space<vmem>>) target(%dma_start3A_94 : memref<128x128xf32, #tpu.memory_space<hbm>>) target_semaphore(%run_scoped3A : memref<!tpu.dma_semaphore, #tpu.memory_space<semaphore_mem>>)
      %dma_wait3A_95 = arith.constant 0 : i32
      %dma_wait3A_96 = tpu.memref_slice %arg6[%arg0, %add3A_84, %dma_wait3A_95] : memref<2x10240x128xf32, #tpu.memory_space<hbm>> -> memref<1x128x128xf32, #tpu.memory_space<hbm>>
      %dma_wait3A_97 = tpu.memref_squeeze %dma_wait3A_96 : memref<1x128x128xf32, #tpu.memory_space<hbm>> -> memref<128x128xf32, #tpu.memory_space<hbm>>
      %dma_wait3A_98 = arith.constant 0 : i32
      %dma_wait3A_99 = tpu.memref_slice %arg6[%arg0, %add3A_84, %dma_wait3A_98] : memref<2x10240x128xf32, #tpu.memory_space<hbm>> -> memref<1x128x128xf32, #tpu.memory_space<hbm>>
      %dma_wait3A_100 = tpu.memref_squeeze %dma_wait3A_99 : memref<1x128x128xf32, #tpu.memory_space<hbm>> -> memref<128x128xf32, #tpu.memory_space<hbm>>
      tpu.wait_dma2 semaphore(%run_scoped3A : memref<!tpu.dma_semaphore, #tpu.memory_space<semaphore_mem>>) src(%arg9 : memref<128x128xf32, #tpu.memory_space<vmem>>) dst(%dma_wait3A_100 : memref<128x128xf32, #tpu.memory_space<hbm>>)
      tpu.yield
    }) : () -> ()
    %mul3A_85 = arith.constant 640 : i32
    %mul3A_86 = arith.muli %arg1, %mul3A_85 : i32
    %add3A_87 = arith.constant 512 : i32
    %add3A_88 = arith.addi %mul3A_86, %add3A_87 : i32
    "tpu.region"() ({
      %run_scoped3A = tpu.sem_alloc : memref<!tpu.dma_semaphore, #tpu.memory_space<semaphore_mem>>
      %dma_start3A_89 = arith.constant 0 : i32
      %dma_start3A_90 = tpu.memref_slice %arg11[%add3A_88, %dma_start3A_89] : memref<10240x128xf32, #tpu.memory_space<vmem_shared>> -> memref<128x128xf32, #tpu.memory_space<vmem_shared>>
      %dma_start3A_91 = arith.constant 0 : i32
      %dma_start3A_92 = tpu.memref_slice %arg11[%add3A_88, %dma_start3A_91] : memref<10240x128xf32, #tpu.memory_space<vmem_shared>> -> memref<128x128xf32, #tpu.memory_space<vmem_shared>>
      tpu.enqueue_dma source(%dma_start3A_92 : memref<128x128xf32, #tpu.memory_space<vmem_shared>>) target(%arg9 : memref<128x128xf32, #tpu.memory_space<vmem>>) target_semaphore(%run_scoped3A : memref<!tpu.dma_semaphore, #tpu.memory_space<semaphore_mem>>)
      %dma_wait3A_93 = arith.constant 0 : i32
      %dma_wait3A_94 = tpu.memref_slice %arg11[%add3A_88, %dma_wait3A_93] : memref<10240x128xf32, #tpu.memory_space<vmem_shared>> -> memref<128x128xf32, #tpu.memory_space<vmem_shared>>
      %dma_wait3A_95 = arith.constant 0 : i32
      %dma_wait3A_96 = tpu.memref_slice %arg11[%add3A_88, %dma_wait3A_95] : memref<10240x128xf32, #tpu.memory_space<vmem_shared>> -> memref<128x128xf32, #tpu.memory_space<vmem_shared>>
      tpu.wait_dma2 semaphore(%run_scoped3A : memref<!tpu.dma_semaphore, #tpu.memory_space<semaphore_mem>>) src(%dma_wait3A_96 : memref<128x128xf32, #tpu.memory_space<vmem_shared>>) dst(%arg9 : memref<128x128xf32, #tpu.memory_space<vmem>>)
      tpu.yield
    }) : () -> ()
    "tpu.region"() ({
      %run_scoped3A = tpu.sem_alloc : memref<!tpu.dma_semaphore, #tpu.memory_space<semaphore_mem>>
      %dma_start3A_89 = arith.constant 0 : i32
      %dma_start3A_90 = tpu.memref_slice %arg6[%arg0, %add3A_88, %dma_start3A_89] : memref<2x10240x128xf32, #tpu.memory_space<hbm>> -> memref<1x128x128xf32, #tpu.memory_space<hbm>>
      %dma_start3A_91 = tpu.memref_squeeze %dma_start3A_90 : memref<1x128x128xf32, #tpu.memory_space<hbm>> -> memref<128x128xf32, #tpu.memory_space<hbm>>
      %dma_start3A_92 = arith.constant 0 : i32
      %dma_start3A_93 = tpu.memref_slice %arg6[%arg0, %add3A_88, %dma_start3A_92] : memref<2x10240x128xf32, #tpu.memory_space<hbm>> -> memref<1x128x128xf32, #tpu.memory_space<hbm>>
      %dma_start3A_94 = tpu.memref_squeeze %dma_start3A_93 : memref<1x128x128xf32, #tpu.memory_space<hbm>> -> memref<128x128xf32, #tpu.memory_space<hbm>>
      tpu.enqueue_dma source(%arg9 : memref<128x128xf32, #tpu.memory_space<vmem>>) target(%dma_start3A_94 : memref<128x128xf32, #tpu.memory_space<hbm>>) target_semaphore(%run_scoped3A : memref<!tpu.dma_semaphore, #tpu.memory_space<semaphore_mem>>)
      %dma_wait3A_95 = arith.constant 0 : i32
      %dma_wait3A_96 = tpu.memref_slice %arg6[%arg0, %add3A_88, %dma_wait3A_95] : memref<2x10240x128xf32, #tpu.memory_space<hbm>> -> memref<1x128x128xf32, #tpu.memory_space<hbm>>
      %dma_wait3A_97 = tpu.memref_squeeze %dma_wait3A_96 : memref<1x128x128xf32, #tpu.memory_space<hbm>> -> memref<128x128xf32, #tpu.memory_space<hbm>>
      %dma_wait3A_98 = arith.constant 0 : i32
      %dma_wait3A_99 = tpu.memref_slice %arg6[%arg0, %add3A_88, %dma_wait3A_98] : memref<2x10240x128xf32, #tpu.memory_space<hbm>> -> memref<1x128x128xf32, #tpu.memory_space<hbm>>
      %dma_wait3A_100 = tpu.memref_squeeze %dma_wait3A_99 : memref<1x128x128xf32, #tpu.memory_space<hbm>> -> memref<128x128xf32, #tpu.memory_space<hbm>>
      tpu.wait_dma2 semaphore(%run_scoped3A : memref<!tpu.dma_semaphore, #tpu.memory_space<semaphore_mem>>) src(%arg9 : memref<128x128xf32, #tpu.memory_space<vmem>>) dst(%dma_wait3A_100 : memref<128x128xf32, #tpu.memory_space<hbm>>)
      tpu.yield
    }) : () -> ()
    return
  }
}

#map = affine_map<(d0, d1) -> (0, 0, 0)>
#map1 = affine_map<(d0, d1) -> (0)>
#map2 = affine_map<(d0, d1) -> (0, 0)>
module attributes {stable_mosaic.version = 14 : i64} {
  func.func @deg_kernel(%arg0: i32, %arg1: i32, %arg2: memref<32x80x128xi32, #tpu.memory_space<hbm>>, %arg3: memref<640xf32, #tpu.memory_space<hbm>>, %arg4: memref<128xf32, #tpu.memory_space<hbm>>, %arg5: memref<2x10240xf32, #tpu.memory_space<hbm>>, %arg6: memref<80x128xi32, #tpu.memory_space<vmem>>, %arg7: memref<128xf32, #tpu.memory_space<vmem>>, %arg8: memref<640xf32, #tpu.memory_space<vmem>>, %arg9: memref<10240xf32, #tpu.memory_space<vmem_shared>>) attributes {dimension_semantics = [#tpu.dimension_semantics<core_parallel>, #tpu.dimension_semantics<subcore_parallel>], iteration_bounds = array<i64: 2, 16>, scalar_prefetch = 0 : i64, scratch_operands = 4 : i64, tpu.core_type = #tpu.core_type<sc_vector_subcore>, window_params = [{transform_indices = #map}, {transform_indices = #map1}, {transform_indices = #map1}, {transform_indices = #map2}]} {
    %mul3A = arith.constant 2 : i32
    %mul3A_0 = arith.muli %arg1, %mul3A : i32
    %add3A = arith.addi %mul3A_0, %arg0 : i32
    %mul3A_1 = arith.constant 640 : i32
    %mul3A_2 = arith.muli %arg1, %mul3A_1 : i32
    "tpu.region"() ({
      %run_scoped3A = tpu.sem_alloc : memref<!tpu.dma_semaphore, #tpu.memory_space<semaphore_mem>>
      %dma_start3A = tpu.memref_slice %arg9[%mul3A_2] : memref<10240xf32, #tpu.memory_space<vmem_shared>> -> memref<640xf32, #tpu.memory_space<vmem_shared>>
      tpu.enqueue_dma source(%arg3 : memref<640xf32, #tpu.memory_space<hbm>>) target(%dma_start3A : memref<640xf32, #tpu.memory_space<vmem_shared>>) target_semaphore(%run_scoped3A : memref<!tpu.dma_semaphore, #tpu.memory_space<semaphore_mem>>)
      %dma_wait3A = tpu.memref_slice %arg9[%mul3A_2] : memref<10240xf32, #tpu.memory_space<vmem_shared>> -> memref<640xf32, #tpu.memory_space<vmem_shared>>
      tpu.wait_dma2 semaphore(%run_scoped3A : memref<!tpu.dma_semaphore, #tpu.memory_space<semaphore_mem>>) src(%arg3 : memref<640xf32, #tpu.memory_space<hbm>>) dst(%dma_wait3A : memref<640xf32, #tpu.memory_space<vmem_shared>>)
      tpu.yield
    }) : () -> ()
    "tpu.region"() ({
      %run_scoped3A = tpu.sem_alloc : memref<!tpu.dma_semaphore, #tpu.memory_space<semaphore_mem>>
      tpu.enqueue_dma source(%arg4 : memref<128xf32, #tpu.memory_space<hbm>>) target(%arg7 : memref<128xf32, #tpu.memory_space<vmem>>) target_semaphore(%run_scoped3A : memref<!tpu.dma_semaphore, #tpu.memory_space<semaphore_mem>>)
      tpu.wait_dma2 semaphore(%run_scoped3A : memref<!tpu.dma_semaphore, #tpu.memory_space<semaphore_mem>>) src(%arg4 : memref<128xf32, #tpu.memory_space<hbm>>) dst(%arg7 : memref<128xf32, #tpu.memory_space<vmem>>)
      tpu.yield
    }) : () -> ()
    "tpu.region"() ({
      %run_scoped3A = tpu.sem_alloc : memref<!tpu.dma_semaphore, #tpu.memory_space<semaphore_mem>>
      %dma_start3A = arith.constant 0 : i32
      %dma_start3A_13 = arith.constant 0 : i32
      %dma_start3A_14 = tpu.memref_slice %arg2[%add3A, %dma_start3A, %dma_start3A_13] : memref<32x80x128xi32, #tpu.memory_space<hbm>> -> memref<1x80x128xi32, #tpu.memory_space<hbm>>
      %dma_start3A_15 = tpu.memref_squeeze %dma_start3A_14 : memref<1x80x128xi32, #tpu.memory_space<hbm>> -> memref<80x128xi32, #tpu.memory_space<hbm>>
      %dma_start3A_16 = arith.constant 0 : i32
      %dma_start3A_17 = arith.constant 0 : i32
      %dma_start3A_18 = tpu.memref_slice %arg2[%add3A, %dma_start3A_16, %dma_start3A_17] : memref<32x80x128xi32, #tpu.memory_space<hbm>> -> memref<1x80x128xi32, #tpu.memory_space<hbm>>
      %dma_start3A_19 = tpu.memref_squeeze %dma_start3A_18 : memref<1x80x128xi32, #tpu.memory_space<hbm>> -> memref<80x128xi32, #tpu.memory_space<hbm>>
      tpu.enqueue_dma source(%dma_start3A_19 : memref<80x128xi32, #tpu.memory_space<hbm>>) target(%arg6 : memref<80x128xi32, #tpu.memory_space<vmem>>) target_semaphore(%run_scoped3A : memref<!tpu.dma_semaphore, #tpu.memory_space<semaphore_mem>>)
      %dma_wait3A = arith.constant 0 : i32
      %dma_wait3A_20 = arith.constant 0 : i32
      %dma_wait3A_21 = tpu.memref_slice %arg2[%add3A, %dma_wait3A, %dma_wait3A_20] : memref<32x80x128xi32, #tpu.memory_space<hbm>> -> memref<1x80x128xi32, #tpu.memory_space<hbm>>
      %dma_wait3A_22 = tpu.memref_squeeze %dma_wait3A_21 : memref<1x80x128xi32, #tpu.memory_space<hbm>> -> memref<80x128xi32, #tpu.memory_space<hbm>>
      %dma_wait3A_23 = arith.constant 0 : i32
      %dma_wait3A_24 = arith.constant 0 : i32
      %dma_wait3A_25 = tpu.memref_slice %arg2[%add3A, %dma_wait3A_23, %dma_wait3A_24] : memref<32x80x128xi32, #tpu.memory_space<hbm>> -> memref<1x80x128xi32, #tpu.memory_space<hbm>>
      %dma_wait3A_26 = tpu.memref_squeeze %dma_wait3A_25 : memref<1x80x128xi32, #tpu.memory_space<hbm>> -> memref<80x128xi32, #tpu.memory_space<hbm>>
      tpu.wait_dma2 semaphore(%run_scoped3A : memref<!tpu.dma_semaphore, #tpu.memory_space<semaphore_mem>>) src(%dma_wait3A_26 : memref<80x128xi32, #tpu.memory_space<hbm>>) dst(%arg6 : memref<80x128xi32, #tpu.memory_space<vmem>>)
      tpu.yield
    }) : () -> ()
    %barrier3A = arith.constant 0 : index
    tpu.barrier barrier_id(%barrier3A)
    %scan3A = arith.constant 0 : i32
    %scan3A_3 = arith.constant 0 : i32
    %scan3A_4 = arith.constant 80 : i32
    %scan3A_5 = arith.addi %scan3A_3, %scan3A_4 : i32
    %scan3A_6 = arith.constant 1 : i32
    scf.for %scan3A_13 = %scan3A_3 to %scan3A_5 step %scan3A_6  : i32 {
      "tpu.region"() ({
        %run_scoped3A = tpu.sem_alloc : memref<!tpu.dma_semaphore, #tpu.memory_space<semaphore_mem>>
        %dma_start3A = arith.constant 0 : i32
        %dma_start3A_14 = tpu.memref_slice %arg6[%scan3A_13, %dma_start3A] : memref<80x128xi32, #tpu.memory_space<vmem>> -> memref<1x128xi32, #tpu.memory_space<vmem>>
        %dma_start3A_15 = tpu.memref_squeeze %dma_start3A_14 : memref<1x128xi32, #tpu.memory_space<vmem>> -> memref<128xi32, #tpu.memory_space<vmem>>
        %dma_start3A_16 = arith.constant 0 : i32
        %dma_start3A_17 = tpu.memref_slice %arg9[%dma_start3A_16] : memref<10240xf32, #tpu.memory_space<vmem_shared>> -> memref<10240xf32, #tpu.memory_space<vmem_shared>>
        tpu.enqueue_indirect_dma source(%arg7 : memref<128xf32, #tpu.memory_space<vmem>>) target(%dma_start3A_17 : memref<10240xf32, #tpu.memory_space<vmem_shared>>) offsets(%dma_start3A_15 : memref<128xi32, #tpu.memory_space<vmem>>) semaphore(%run_scoped3A : memref<!tpu.dma_semaphore, #tpu.memory_space<semaphore_mem>>) {add = true}
        %dma_wait3A = arith.constant 0 : i32
        %dma_wait3A_18 = tpu.memref_slice %arg6[%scan3A_13, %dma_wait3A] : memref<80x128xi32, #tpu.memory_space<vmem>> -> memref<1x128xi32, #tpu.memory_space<vmem>>
        %dma_wait3A_19 = tpu.memref_squeeze %dma_wait3A_18 : memref<1x128xi32, #tpu.memory_space<vmem>> -> memref<128xi32, #tpu.memory_space<vmem>>
        %dma_wait3A_20 = arith.constant 0 : i32
        %dma_wait3A_21 = tpu.memref_slice %arg9[%dma_wait3A_20] : memref<10240xf32, #tpu.memory_space<vmem_shared>> -> memref<10240xf32, #tpu.memory_space<vmem_shared>>
        tpu.wait_indirect_dma semaphore(%run_scoped3A : memref<!tpu.dma_semaphore, #tpu.memory_space<semaphore_mem>>) src(%arg7 : memref<128xf32, #tpu.memory_space<vmem>>) dst(%dma_wait3A_21 : memref<10240xf32, #tpu.memory_space<vmem_shared>>)
        tpu.yield
      }) : () -> ()
    }
    %scan3A_7 = arith.constant 80 : i32
    %barrier3A_8 = arith.constant 0 : index
    tpu.barrier barrier_id(%barrier3A_8)
    %mul3A_9 = arith.constant 640 : i32
    %mul3A_10 = arith.muli %arg1, %mul3A_9 : i32
    "tpu.region"() ({
      %run_scoped3A = tpu.sem_alloc : memref<!tpu.dma_semaphore, #tpu.memory_space<semaphore_mem>>
      %dma_start3A = tpu.memref_slice %arg9[%mul3A_10] : memref<10240xf32, #tpu.memory_space<vmem_shared>> -> memref<640xf32, #tpu.memory_space<vmem_shared>>
      %dma_start3A_13 = tpu.memref_slice %arg9[%mul3A_10] : memref<10240xf32, #tpu.memory_space<vmem_shared>> -> memref<640xf32, #tpu.memory_space<vmem_shared>>
      tpu.enqueue_dma source(%dma_start3A_13 : memref<640xf32, #tpu.memory_space<vmem_shared>>) target(%arg8 : memref<640xf32, #tpu.memory_space<vmem>>) target_semaphore(%run_scoped3A : memref<!tpu.dma_semaphore, #tpu.memory_space<semaphore_mem>>)
      %dma_wait3A = tpu.memref_slice %arg9[%mul3A_10] : memref<10240xf32, #tpu.memory_space<vmem_shared>> -> memref<640xf32, #tpu.memory_space<vmem_shared>>
      %dma_wait3A_14 = tpu.memref_slice %arg9[%mul3A_10] : memref<10240xf32, #tpu.memory_space<vmem_shared>> -> memref<640xf32, #tpu.memory_space<vmem_shared>>
      tpu.wait_dma2 semaphore(%run_scoped3A : memref<!tpu.dma_semaphore, #tpu.memory_space<semaphore_mem>>) src(%dma_wait3A_14 : memref<640xf32, #tpu.memory_space<vmem_shared>>) dst(%arg8 : memref<640xf32, #tpu.memory_space<vmem>>)
      tpu.yield
    }) : () -> ()
    %mul3A_11 = arith.constant 640 : i32
    %mul3A_12 = arith.muli %arg1, %mul3A_11 : i32
    "tpu.region"() ({
      %run_scoped3A = tpu.sem_alloc : memref<!tpu.dma_semaphore, #tpu.memory_space<semaphore_mem>>
      %dma_start3A = tpu.memref_slice %arg5[%arg0, %mul3A_12] : memref<2x10240xf32, #tpu.memory_space<hbm>> -> memref<1x640xf32, #tpu.memory_space<hbm>>
      %dma_start3A_13 = tpu.memref_squeeze %dma_start3A : memref<1x640xf32, #tpu.memory_space<hbm>> -> memref<640xf32, #tpu.memory_space<hbm>>
      %dma_start3A_14 = tpu.memref_slice %arg5[%arg0, %mul3A_12] : memref<2x10240xf32, #tpu.memory_space<hbm>> -> memref<1x640xf32, #tpu.memory_space<hbm>>
      %dma_start3A_15 = tpu.memref_squeeze %dma_start3A_14 : memref<1x640xf32, #tpu.memory_space<hbm>> -> memref<640xf32, #tpu.memory_space<hbm>>
      tpu.enqueue_dma source(%arg8 : memref<640xf32, #tpu.memory_space<vmem>>) target(%dma_start3A_15 : memref<640xf32, #tpu.memory_space<hbm>>) target_semaphore(%run_scoped3A : memref<!tpu.dma_semaphore, #tpu.memory_space<semaphore_mem>>)
      %dma_wait3A = tpu.memref_slice %arg5[%arg0, %mul3A_12] : memref<2x10240xf32, #tpu.memory_space<hbm>> -> memref<1x640xf32, #tpu.memory_space<hbm>>
      %dma_wait3A_16 = tpu.memref_squeeze %dma_wait3A : memref<1x640xf32, #tpu.memory_space<hbm>> -> memref<640xf32, #tpu.memory_space<hbm>>
      %dma_wait3A_17 = tpu.memref_slice %arg5[%arg0, %mul3A_12] : memref<2x10240xf32, #tpu.memory_space<hbm>> -> memref<1x640xf32, #tpu.memory_space<hbm>>
      %dma_wait3A_18 = tpu.memref_squeeze %dma_wait3A_17 : memref<1x640xf32, #tpu.memory_space<hbm>> -> memref<640xf32, #tpu.memory_space<hbm>>
      tpu.wait_dma2 semaphore(%run_scoped3A : memref<!tpu.dma_semaphore, #tpu.memory_space<semaphore_mem>>) src(%arg8 : memref<640xf32, #tpu.memory_space<vmem>>) dst(%dma_wait3A_18 : memref<640xf32, #tpu.memory_space<hbm>>)
      tpu.yield
    }) : () -> ()
    return
  }
}

module attributes {stable_mosaic.version = 14 : i64} {
  func.func @_pre_body(%arg0: i32, %arg1: memref<1280x128xf32, #tpu.memory_space<vmem>>, %arg2: memref<128x128xf32, #tpu.memory_space<vmem>>, %arg3: memref<1280x2xf32, #tpu.memory_space<vmem>>, %arg4: memref<1280x1xf32, #tpu.memory_space<vmem>>, %arg5: memref<1280x128xf32, #tpu.memory_space<vmem>>) attributes {dimension_semantics = [#tpu.dimension_semantics<arbitrary>], iteration_bounds = array<i64: 8>, scalar_prefetch = 0 : i64, scratch_operands = 0 : i64, tpu.core_type = #tpu.core_type<tc>, window_params = [{transform_indices = @transform_0, window_bounds = array<i64: 1280, 128>}, {pipeline_mode = #tpu.pipeline_mode<synchronous>, transform_indices = @transform_1, window_bounds = array<i64: 128, 128>}, {transform_indices = @transform_2, window_bounds = array<i64: 1280, 2>}, {transform_indices = @transform_3, window_bounds = array<i64: 1280, 1>}, {transform_indices = @transform_4, window_bounds = array<i64: 1280, 128>}]} {
    %get3A = arith.constant 0 : index
    %get3A_0 = arith.constant 0 : index
    %get3A_1 = vector.load %arg3[%get3A, %get3A_0] : memref<1280x2xf32, #tpu.memory_space<vmem>>, vector<1280x1xf32>
    %get3A_2 = arith.constant 0 : index
    %get3A_3 = arith.constant 1 : index
    %get3A_4 = vector.load %arg3[%get3A_2, %get3A_3] : memref<1280x2xf32, #tpu.memory_space<vmem>>, vector<1280x1xf32>
    %add3A = arith.addf %get3A_1, %get3A_4 : vector<1280x1xf32>
    %add3A_5 = arith.constant 1.000000e+00 : f32
    %add3A_6 = vector.broadcast %add3A_5 : f32 to vector<1280x1xf32>
    %add3A_7 = arith.addf %add3A, %add3A_6 : vector<1280x1xf32>
    %rsqrt3A = math.rsqrt %add3A_7 : vector<1280x1xf32>
    %get3A_8 = arith.constant 0 : index
    %get3A_9 = arith.constant 0 : index
    %get3A_10 = vector.load %arg1[%get3A_8, %get3A_9] : memref<1280x128xf32, #tpu.memory_space<vmem>>, vector<1280x128xf32>
    %get3A_11 = arith.constant 0 : index
    %get3A_12 = arith.constant 0 : index
    %get3A_13 = vector.load %arg2[%get3A_11, %get3A_12] : memref<128x128xf32, #tpu.memory_space<vmem>>, vector<128x128xf32>
    %dot_general3A = arith.constant dense<0.000000e+00> : vector<1280x128xf32>
    %dot_general3A_14 = tpu.matmul %get3A_10, %get3A_13, %dot_general3A {dimension_numbers = #tpu.dot_dimension_numbers<[1], [0], [0], [1], [0, 0, 1, 1], [], []>, precision = #tpu.contract_precision<fp32>, transpose_lhs_hint = false} : vector<1280x128xf32>, vector<128x128xf32>, vector<1280x128xf32> -> vector<1280x128xf32>
    %swap3A = arith.constant 0 : index
    %swap3A_15 = arith.constant 0 : index
    %swap3A_16 = vector.load %arg4[%swap3A, %swap3A_15] : memref<1280x1xf32, #tpu.memory_space<vmem>>, vector<1280x1xf32>
    tpu.vector_store %arg4[%swap3A, %swap3A_15], %rsqrt3A {strides = array<i32>} : memref<1280x1xf32, #tpu.memory_space<vmem>>, vector<1280x1xf32>,
    %mul3A = vector.broadcast %rsqrt3A : vector<1280x1xf32> to vector<1280x128xf32>
    %mul3A_17 = arith.mulf %dot_general3A_14, %mul3A : vector<1280x128xf32>
    %swap3A_18 = arith.constant 0 : index
    %swap3A_19 = arith.constant 0 : index
    %swap3A_20 = vector.load %arg5[%swap3A_18, %swap3A_19] : memref<1280x128xf32, #tpu.memory_space<vmem>>, vector<1280x128xf32>
    tpu.vector_store %arg5[%swap3A_18, %swap3A_19], %mul3A_17 {strides = array<i32>} : memref<1280x128xf32, #tpu.memory_space<vmem>>, vector<1280x128xf32>,
    return
  }
  func.func @transform_0(%arg0: i32) -> (i32, i32) {
    %c0_i32 = arith.constant 0 : i32
    %c0_i32_0 = arith.constant 0 : i32
    return %arg0, %c0_i32 : i32, i32
  }
  func.func @transform_1(%arg0: i32) -> (i32, i32) {
    %c0_i32 = arith.constant 0 : i32
    %c0_i32_0 = arith.constant 0 : i32
    %c0_i32_1 = arith.constant 0 : i32
    return %c0_i32, %c0_i32_0 : i32, i32
  }
  func.func @transform_2(%arg0: i32) -> (i32, i32) {
    %c0_i32 = arith.constant 0 : i32
    %c0_i32_0 = arith.constant 0 : i32
    return %arg0, %c0_i32 : i32, i32
  }
  func.func @transform_3(%arg0: i32) -> (i32, i32) {
    %c0_i32 = arith.constant 0 : i32
    %c0_i32_0 = arith.constant 0 : i32
    return %arg0, %c0_i32 : i32, i32
  }
  func.func @transform_4(%arg0: i32) -> (i32, i32) {
    %c0_i32 = arith.constant 0 : i32
    %c0_i32_0 = arith.constant 0 : i32
    return %arg0, %c0_i32 : i32, i32
  }
}

module attributes {stable_mosaic.version = 14 : i64} {
  func.func @_stats_body(%arg0: i32, %arg1: memref<2x1280x128xf32, #tpu.memory_space<vmem>>, %arg2: memref<1280x128xf32, #tpu.memory_space<vmem>>, %arg3: memref<1280x1xf32, #tpu.memory_space<vmem>>, %arg4: memref<1x128xf32, #tpu.memory_space<vmem>>, %arg5: memref<1280x128xf32, #tpu.memory_space<vmem>>, %arg6: memref<8x128xf32, #tpu.memory_space<vmem>>) attributes {dimension_semantics = [#tpu.dimension_semantics<arbitrary>], iteration_bounds = array<i64: 8>, scalar_prefetch = 0 : i64, scratch_operands = 0 : i64, tpu.core_type = #tpu.core_type<tc>, window_params = [{transform_indices = @transform_0, window_bounds = array<i64: 2, 1280, 128>}, {transform_indices = @transform_1, window_bounds = array<i64: 1280, 128>}, {transform_indices = @transform_2, window_bounds = array<i64: 1280, 1>}, {pipeline_mode = #tpu.pipeline_mode<synchronous>, transform_indices = @transform_3, window_bounds = array<i64: 1, 128>}, {transform_indices = @transform_4, window_bounds = array<i64: 1280, 128>}, {pipeline_mode = #tpu.pipeline_mode<synchronous>, transform_indices = @transform_5, window_bounds = array<i64: 8, 128>}]} {
    %get3A = arith.constant 0 : index
    %get3A_0 = arith.constant 0 : index
    %get3A_1 = arith.constant 0 : index
    %get3A_2 = vector.load %arg1[%get3A, %get3A_0, %get3A_1] : memref<2x1280x128xf32, #tpu.memory_space<vmem>>, vector<1x1280x128xf32>
    %get3A_3 = vector.shape_cast %get3A_2 : vector<1x1280x128xf32> to vector<1280x128xf32>
    %get3A_4 = arith.constant 1 : index
    %get3A_5 = arith.constant 0 : index
    %get3A_6 = arith.constant 0 : index
    %get3A_7 = vector.load %arg1[%get3A_4, %get3A_5, %get3A_6] : memref<2x1280x128xf32, #tpu.memory_space<vmem>>, vector<1x1280x128xf32>
    %get3A_8 = vector.shape_cast %get3A_7 : vector<1x1280x128xf32> to vector<1280x128xf32>
    %add3A = arith.addf %get3A_3, %get3A_8 : vector<1280x128xf32>
    %get3A_9 = arith.constant 0 : index
    %get3A_10 = arith.constant 0 : index
    %get3A_11 = vector.load %arg2[%get3A_9, %get3A_10] : memref<1280x128xf32, #tpu.memory_space<vmem>>, vector<1280x128xf32>
    %add3A_12 = arith.addf %add3A, %get3A_11 : vector<1280x128xf32>
    %get3A_13 = arith.constant 0 : index
    %get3A_14 = arith.constant 0 : index
    %get3A_15 = vector.load %arg3[%get3A_13, %get3A_14] : memref<1280x1xf32, #tpu.memory_space<vmem>>, vector<1280x1xf32>
    %mul3A = vector.broadcast %get3A_15 : vector<1280x1xf32> to vector<1280x128xf32>
    %mul3A_16 = arith.mulf %add3A_12, %mul3A : vector<1280x128xf32>
    %get3A_17 = arith.constant 0 : index
    %get3A_18 = arith.constant 0 : index
    %get3A_19 = vector.load %arg4[%get3A_17, %get3A_18] : memref<1x128xf32, #tpu.memory_space<vmem>>, vector<1x128xf32>
    %add3A_20 = vector.broadcast %get3A_19 : vector<1x128xf32> to vector<1280x128xf32>
    %add3A_21 = arith.addf %mul3A_16, %add3A_20 : vector<1280x128xf32>
    %swap3A = arith.constant 0 : index
    %swap3A_22 = arith.constant 0 : index
    %swap3A_23 = vector.load %arg5[%swap3A, %swap3A_22] : memref<1280x128xf32, #tpu.memory_space<vmem>>, vector<1280x128xf32>
    tpu.vector_store %arg5[%swap3A, %swap3A_22], %add3A_21 {strides = array<i32>} : memref<1280x128xf32, #tpu.memory_space<vmem>>, vector<1280x128xf32>,
    %mul3A_24 = arith.constant 1280 : i32
    %mul3A_25 = arith.muli %arg0, %mul3A_24 : i32
    %iota3A = tpu.iota {dimensions = array<i32: 0>} : vector<1280x1xi32>
    %add3A_26 = vector.broadcast %mul3A_25 : i32 to vector<1280x1xi32>
    %add3A_27 = arith.addi %add3A_26, %iota3A : vector<1280x1xi32>
    %lt3A = arith.constant 10000 : i32
    %lt3A_28 = vector.broadcast %lt3A : i32 to vector<1280x1xi32>
    %lt3A_29 = arith.cmpi slt, %add3A_27, %lt3A_28 : vector<1280x1xi32>
    %jit3A = arith.constant 0.000000e+00 : f32
    %broadcast_in_dim3A = vector.shape_cast %lt3A_29 : vector<1280x1xi1> to vector<1280x1xi1>
    %broadcast_in_dim3A_30 = vector.broadcast %broadcast_in_dim3A : vector<1280x1xi1> to vector<1280x128xi1>
    %broadcast_in_dim3A_31 = vector.broadcast %jit3A : f32 to vector<1280x128xf32>
    %select_n3A = arith.select %broadcast_in_dim3A_30, %add3A_21, %broadcast_in_dim3A_31 : vector<1280x128xi1>, vector<1280x128xf32>
    %eq3A = arith.constant 0 : i32
    %eq3A_32 = arith.cmpi eq, %arg0, %eq3A : i32
    %convert_element_type3A = arith.extui %eq3A_32 : i1 to i32
    %cond3A = arith.constant 0 : i32
    %cond3A_33 = arith.cmpi ne, %convert_element_type3A, %cond3A : i32
    scf.if %cond3A_33 {
      %broadcast_in_dim3A_54 = arith.constant 0.000000e+00 : f32
      %broadcast_in_dim3A_55 = vector.broadcast %broadcast_in_dim3A_54 : f32 to vector<8x128xf32>
      %swap3A_56 = arith.constant 0 : index
      %swap3A_57 = arith.constant 0 : index
      %swap3A_58 = vector.load %arg6[%swap3A_56, %swap3A_57] : memref<8x128xf32, #tpu.memory_space<vmem>>, vector<8x128xf32>
      tpu.vector_store %arg6[%swap3A_56, %swap3A_57], %broadcast_in_dim3A_55 {strides = array<i32>} : memref<8x128xf32, #tpu.memory_space<vmem>>, vector<8x128xf32>,
    } else {
    }
    %get3A_34 = arith.constant 0 : index
    %get3A_35 = arith.constant 0 : index
    %get3A_36 = vector.load %arg6[%get3A_34, %get3A_35] : memref<8x128xf32, #tpu.memory_space<vmem>>, vector<1x128xf32>
    %reduce_sum3A = arith.constant dense<0.000000e+00> : vector<128xf32>
    %reduce_sum3A_37 = vector.multi_reduction <add>, %select_n3A, %reduce_sum3A [0] : vector<1280x128xf32> to vector<128xf32>
    %broadcast_in_dim3A_38 = vector.shape_cast %reduce_sum3A_37 : vector<128xf32> to vector<1x128xf32>
    %add3A_39 = arith.addf %get3A_36, %broadcast_in_dim3A_38 : vector<1x128xf32>
    %swap3A_40 = arith.constant 0 : index
    %swap3A_41 = arith.constant 0 : index
    %swap3A_42 = vector.load %arg6[%swap3A_40, %swap3A_41] : memref<8x128xf32, #tpu.memory_space<vmem>>, vector<1x128xf32>
    tpu.vector_store %arg6[%swap3A_40, %swap3A_41], %add3A_39 {strides = array<i32>} : memref<8x128xf32, #tpu.memory_space<vmem>>, vector<1x128xf32>,
    %get3A_43 = arith.constant 1 : index
    %get3A_44 = arith.constant 0 : index
    %get3A_45 = vector.load %arg6[%get3A_43, %get3A_44] : memref<8x128xf32, #tpu.memory_space<vmem>>, vector<1x128xf32>
    %mul3A_46 = arith.mulf %select_n3A, %select_n3A : vector<1280x128xf32>
    %reduce_sum3A_47 = arith.constant dense<0.000000e+00> : vector<128xf32>
    %reduce_sum3A_48 = vector.multi_reduction <add>, %mul3A_46, %reduce_sum3A_47 [0] : vector<1280x128xf32> to vector<128xf32>
    %broadcast_in_dim3A_49 = vector.shape_cast %reduce_sum3A_48 : vector<128xf32> to vector<1x128xf32>
    %add3A_50 = arith.addf %get3A_45, %broadcast_in_dim3A_49 : vector<1x128xf32>
    %swap3A_51 = arith.constant 1 : index
    %swap3A_52 = arith.constant 0 : index
    %swap3A_53 = vector.load %arg6[%swap3A_51, %swap3A_52] : memref<8x128xf32, #tpu.memory_space<vmem>>, vector<1x128xf32>
    tpu.vector_store %arg6[%swap3A_51, %swap3A_52], %add3A_50 {strides = array<i32>} : memref<8x128xf32, #tpu.memory_space<vmem>>, vector<1x128xf32>,
    return
  }
  func.func @transform_0(%arg0: i32) -> (i32, i32, i32) {
    %c0_i32 = arith.constant 0 : i32
    %c0_i32_0 = arith.constant 0 : i32
    %c0_i32_1 = arith.constant 0 : i32
    return %c0_i32, %arg0, %c0_i32_0 : i32, i32, i32
  }
  func.func @transform_1(%arg0: i32) -> (i32, i32) {
    %c0_i32 = arith.constant 0 : i32
    %c0_i32_0 = arith.constant 0 : i32
    return %arg0, %c0_i32 : i32, i32
  }
  func.func @transform_2(%arg0: i32) -> (i32, i32) {
    %c0_i32 = arith.constant 0 : i32
    %c0_i32_0 = arith.constant 0 : i32
    return %arg0, %c0_i32 : i32, i32
  }
  func.func @transform_3(%arg0: i32) -> (i32, i32) {
    %c0_i32 = arith.constant 0 : i32
    %c0_i32_0 = arith.constant 0 : i32
    %c0_i32_1 = arith.constant 0 : i32
    return %c0_i32, %c0_i32_0 : i32, i32
  }
  func.func @transform_4(%arg0: i32) -> (i32, i32) {
    %c0_i32 = arith.constant 0 : i32
    %c0_i32_0 = arith.constant 0 : i32
    return %arg0, %c0_i32 : i32, i32
  }
  func.func @transform_5(%arg0: i32) -> (i32, i32) {
    %c0_i32 = arith.constant 0 : i32
    %c0_i32_0 = arith.constant 0 : i32
    %c0_i32_1 = arith.constant 0 : i32
    return %c0_i32, %c0_i32_0 : i32, i32
  }
}

module attributes {stable_mosaic.version = 14 : i64} {
  func.func @_mid_body(%arg0: i32, %arg1: memref<1280x128xf32, #tpu.memory_space<vmem>>, %arg2: memref<8x128xf32, #tpu.memory_space<vmem>>, %arg3: memref<1x128xf32, #tpu.memory_space<vmem>>, %arg4: memref<1x128xf32, #tpu.memory_space<vmem>>, %arg5: memref<128x128xf32, #tpu.memory_space<vmem>>, %arg6: memref<1280x1xf32, #tpu.memory_space<vmem>>, %arg7: memref<1280x128xf32, #tpu.memory_space<vmem>>) attributes {dimension_semantics = [#tpu.dimension_semantics<arbitrary>], iteration_bounds = array<i64: 8>, scalar_prefetch = 0 : i64, scratch_operands = 0 : i64, tpu.core_type = #tpu.core_type<tc>, window_params = [{transform_indices = @transform_0, window_bounds = array<i64: 1280, 128>}, {pipeline_mode = #tpu.pipeline_mode<synchronous>, transform_indices = @transform_1, window_bounds = array<i64: 8, 128>}, {pipeline_mode = #tpu.pipeline_mode<synchronous>, transform_indices = @transform_2, window_bounds = array<i64: 1, 128>}, {pipeline_mode = #tpu.pipeline_mode<synchronous>, transform_indices = @transform_3, window_bounds = array<i64: 1, 128>}, {pipeline_mode = #tpu.pipeline_mode<synchronous>, transform_indices = @transform_4, window_bounds = array<i64: 128, 128>}, {transform_indices = @transform_5, window_bounds = array<i64: 1280, 1>}, {transform_indices = @transform_6, window_bounds = array<i64: 1280, 128>}]} {
    %get3A = arith.constant 0 : index
    %get3A_0 = arith.constant 0 : index
    %get3A_1 = vector.load %arg2[%get3A, %get3A_0] : memref<8x128xf32, #tpu.memory_space<vmem>>, vector<1x128xf32>
    %mul3A = arith.constant 9.99999974E-5 : f32
    %mul3A_2 = vector.broadcast %mul3A : f32 to vector<1x128xf32>
    %mul3A_3 = arith.mulf %get3A_1, %mul3A_2 : vector<1x128xf32>
    %get3A_4 = arith.constant 1 : index
    %get3A_5 = arith.constant 0 : index
    %get3A_6 = vector.load %arg2[%get3A_4, %get3A_5] : memref<8x128xf32, #tpu.memory_space<vmem>>, vector<1x128xf32>
    %mul3A_7 = arith.constant 9.99999974E-5 : f32
    %mul3A_8 = vector.broadcast %mul3A_7 : f32 to vector<1x128xf32>
    %mul3A_9 = arith.mulf %get3A_6, %mul3A_8 : vector<1x128xf32>
    %mul3A_10 = arith.mulf %mul3A_3, %mul3A_3 : vector<1x128xf32>
    %sub3A = arith.subf %mul3A_9, %mul3A_10 : vector<1x128xf32>
    %get3A_11 = arith.constant 0 : index
    %get3A_12 = arith.constant 0 : index
    %get3A_13 = vector.load %arg1[%get3A_11, %get3A_12] : memref<1280x128xf32, #tpu.memory_space<vmem>>, vector<1280x128xf32>
    %sub3A_14 = vector.broadcast %mul3A_3 : vector<1x128xf32> to vector<1280x128xf32>
    %sub3A_15 = arith.subf %get3A_13, %sub3A_14 : vector<1280x128xf32>
    %add3A = arith.constant 9.99999974E-6 : f32
    %add3A_16 = vector.broadcast %add3A : f32 to vector<1x128xf32>
    %add3A_17 = arith.addf %sub3A, %add3A_16 : vector<1x128xf32>
    %rsqrt3A = math.rsqrt %add3A_17 : vector<1x128xf32>
    %mul3A_18 = vector.broadcast %rsqrt3A : vector<1x128xf32> to vector<1280x128xf32>
    %mul3A_19 = arith.mulf %sub3A_15, %mul3A_18 : vector<1280x128xf32>
    %get3A_20 = arith.constant 0 : index
    %get3A_21 = arith.constant 0 : index
    %get3A_22 = vector.load %arg3[%get3A_20, %get3A_21] : memref<1x128xf32, #tpu.memory_space<vmem>>, vector<1x128xf32>
    %mul3A_23 = vector.broadcast %get3A_22 : vector<1x128xf32> to vector<1280x128xf32>
    %mul3A_24 = arith.mulf %mul3A_19, %mul3A_23 : vector<1280x128xf32>
    %get3A_25 = arith.constant 0 : index
    %get3A_26 = arith.constant 0 : index
    %get3A_27 = vector.load %arg4[%get3A_25, %get3A_26] : memref<1x128xf32, #tpu.memory_space<vmem>>, vector<1x128xf32>
    %add3A_28 = vector.broadcast %get3A_27 : vector<1x128xf32> to vector<1280x128xf32>
    %add3A_29 = arith.addf %mul3A_24, %add3A_28 : vector<1280x128xf32>
    %max3A = arith.constant 0.000000e+00 : f32
    %max3A_30 = vector.broadcast %max3A : f32 to vector<1280x128xf32>
    %max3A_31 = arith.maximumf %add3A_29, %max3A_30 : vector<1280x128xf32>
    %get3A_32 = arith.constant 0 : index
    %get3A_33 = arith.constant 0 : index
    %get3A_34 = vector.load %arg5[%get3A_32, %get3A_33] : memref<128x128xf32, #tpu.memory_space<vmem>>, vector<128x128xf32>
    %dot_general3A = arith.constant dense<0.000000e+00> : vector<1280x128xf32>
    %dot_general3A_35 = tpu.matmul %max3A_31, %get3A_34, %dot_general3A {dimension_numbers = #tpu.dot_dimension_numbers<[1], [0], [0], [1], [0, 0, 1, 1], [], []>, precision = #tpu.contract_precision<fp32>, transpose_lhs_hint = false} : vector<1280x128xf32>, vector<128x128xf32>, vector<1280x128xf32> -> vector<1280x128xf32>
    %get3A_36 = arith.constant 0 : index
    %get3A_37 = arith.constant 0 : index
    %get3A_38 = vector.load %arg6[%get3A_36, %get3A_37] : memref<1280x1xf32, #tpu.memory_space<vmem>>, vector<1280x1xf32>
    %mul3A_39 = vector.broadcast %get3A_38 : vector<1280x1xf32> to vector<1280x128xf32>
    %mul3A_40 = arith.mulf %dot_general3A_35, %mul3A_39 : vector<1280x128xf32>
    %swap3A = arith.constant 0 : index
    %swap3A_41 = arith.constant 0 : index
    %swap3A_42 = vector.load %arg7[%swap3A, %swap3A_41] : memref<1280x128xf32, #tpu.memory_space<vmem>>, vector<1280x128xf32>
    tpu.vector_store %arg7[%swap3A, %swap3A_41], %mul3A_40 {strides = array<i32>} : memref<1280x128xf32, #tpu.memory_space<vmem>>, vector<1280x128xf32>,
    return
  }
  func.func @transform_0(%arg0: i32) -> (i32, i32) {
    %c0_i32 = arith.constant 0 : i32
    %c0_i32_0 = arith.constant 0 : i32
    return %arg0, %c0_i32 : i32, i32
  }
  func.func @transform_1(%arg0: i32) -> (i32, i32) {
    %c0_i32 = arith.constant 0 : i32
    %c0_i32_0 = arith.constant 0 : i32
    %c0_i32_1 = arith.constant 0 : i32
    return %c0_i32, %c0_i32_0 : i32, i32
  }
  func.func @transform_2(%arg0: i32) -> (i32, i32) {
    %c0_i32 = arith.constant 0 : i32
    %c0_i32_0 = arith.constant 0 : i32
    %c0_i32_1 = arith.constant 0 : i32
    return %c0_i32, %c0_i32_0 : i32, i32
  }
  func.func @transform_3(%arg0: i32) -> (i32, i32) {
    %c0_i32 = arith.constant 0 : i32
    %c0_i32_0 = arith.constant 0 : i32
    %c0_i32_1 = arith.constant 0 : i32
    return %c0_i32, %c0_i32_0 : i32, i32
  }
  func.func @transform_4(%arg0: i32) -> (i32, i32) {
    %c0_i32 = arith.constant 0 : i32
    %c0_i32_0 = arith.constant 0 : i32
    %c0_i32_1 = arith.constant 0 : i32
    return %c0_i32, %c0_i32_0 : i32, i32
  }
  func.func @transform_5(%arg0: i32) -> (i32, i32) {
    %c0_i32 = arith.constant 0 : i32
    %c0_i32_0 = arith.constant 0 : i32
    return %arg0, %c0_i32 : i32, i32
  }
  func.func @transform_6(%arg0: i32) -> (i32, i32) {
    %c0_i32 = arith.constant 0 : i32
    %c0_i32_0 = arith.constant 0 : i32
    return %arg0, %c0_i32 : i32, i32
  }
}

module attributes {stable_mosaic.version = 14 : i64} {
  func.func @_post_body(%arg0: i32, %arg1: memref<1280x128xf32, #tpu.memory_space<vmem>>, %arg2: memref<8x128xf32, #tpu.memory_space<vmem>>, %arg3: memref<1x128xf32, #tpu.memory_space<vmem>>, %arg4: memref<1x128xf32, #tpu.memory_space<vmem>>, %arg5: memref<1280x128xf32, #tpu.memory_space<vmem>>, %arg6: memref<1280x128xf32, #tpu.memory_space<vmem>>) attributes {dimension_semantics = [#tpu.dimension_semantics<arbitrary>], iteration_bounds = array<i64: 8>, scalar_prefetch = 0 : i64, scratch_operands = 0 : i64, tpu.core_type = #tpu.core_type<tc>, window_params = [{transform_indices = @transform_0, window_bounds = array<i64: 1280, 128>}, {pipeline_mode = #tpu.pipeline_mode<synchronous>, transform_indices = @transform_1, window_bounds = array<i64: 8, 128>}, {pipeline_mode = #tpu.pipeline_mode<synchronous>, transform_indices = @transform_2, window_bounds = array<i64: 1, 128>}, {pipeline_mode = #tpu.pipeline_mode<synchronous>, transform_indices = @transform_3, window_bounds = array<i64: 1, 128>}, {transform_indices = @transform_4, window_bounds = array<i64: 1280, 128>}, {transform_indices = @transform_5, window_bounds = array<i64: 1280, 128>}]} {
    %get3A = arith.constant 0 : index
    %get3A_0 = arith.constant 0 : index
    %get3A_1 = vector.load %arg2[%get3A, %get3A_0] : memref<8x128xf32, #tpu.memory_space<vmem>>, vector<1x128xf32>
    %mul3A = arith.constant 9.99999974E-5 : f32
    %mul3A_2 = vector.broadcast %mul3A : f32 to vector<1x128xf32>
    %mul3A_3 = arith.mulf %get3A_1, %mul3A_2 : vector<1x128xf32>
    %get3A_4 = arith.constant 1 : index
    %get3A_5 = arith.constant 0 : index
    %get3A_6 = vector.load %arg2[%get3A_4, %get3A_5] : memref<8x128xf32, #tpu.memory_space<vmem>>, vector<1x128xf32>
    %mul3A_7 = arith.constant 9.99999974E-5 : f32
    %mul3A_8 = vector.broadcast %mul3A_7 : f32 to vector<1x128xf32>
    %mul3A_9 = arith.mulf %get3A_6, %mul3A_8 : vector<1x128xf32>
    %mul3A_10 = arith.mulf %mul3A_3, %mul3A_3 : vector<1x128xf32>
    %sub3A = arith.subf %mul3A_9, %mul3A_10 : vector<1x128xf32>
    %get3A_11 = arith.constant 0 : index
    %get3A_12 = arith.constant 0 : index
    %get3A_13 = vector.load %arg1[%get3A_11, %get3A_12] : memref<1280x128xf32, #tpu.memory_space<vmem>>, vector<1280x128xf32>
    %sub3A_14 = vector.broadcast %mul3A_3 : vector<1x128xf32> to vector<1280x128xf32>
    %sub3A_15 = arith.subf %get3A_13, %sub3A_14 : vector<1280x128xf32>
    %add3A = arith.constant 9.99999974E-6 : f32
    %add3A_16 = vector.broadcast %add3A : f32 to vector<1x128xf32>
    %add3A_17 = arith.addf %sub3A, %add3A_16 : vector<1x128xf32>
    %rsqrt3A = math.rsqrt %add3A_17 : vector<1x128xf32>
    %mul3A_18 = vector.broadcast %rsqrt3A : vector<1x128xf32> to vector<1280x128xf32>
    %mul3A_19 = arith.mulf %sub3A_15, %mul3A_18 : vector<1280x128xf32>
    %get3A_20 = arith.constant 0 : index
    %get3A_21 = arith.constant 0 : index
    %get3A_22 = vector.load %arg3[%get3A_20, %get3A_21] : memref<1x128xf32, #tpu.memory_space<vmem>>, vector<1x128xf32>
    %mul3A_23 = vector.broadcast %get3A_22 : vector<1x128xf32> to vector<1280x128xf32>
    %mul3A_24 = arith.mulf %mul3A_19, %mul3A_23 : vector<1280x128xf32>
    %get3A_25 = arith.constant 0 : index
    %get3A_26 = arith.constant 0 : index
    %get3A_27 = vector.load %arg4[%get3A_25, %get3A_26] : memref<1x128xf32, #tpu.memory_space<vmem>>, vector<1x128xf32>
    %add3A_28 = vector.broadcast %get3A_27 : vector<1x128xf32> to vector<1280x128xf32>
    %add3A_29 = arith.addf %mul3A_24, %add3A_28 : vector<1280x128xf32>
    %get3A_30 = arith.constant 0 : index
    %get3A_31 = arith.constant 0 : index
    %get3A_32 = vector.load %arg5[%get3A_30, %get3A_31] : memref<1280x128xf32, #tpu.memory_space<vmem>>, vector<1280x128xf32>
    %add3A_33 = arith.addf %add3A_29, %get3A_32 : vector<1280x128xf32>
    %max3A = arith.constant 0.000000e+00 : f32
    %max3A_34 = vector.broadcast %max3A : f32 to vector<1280x128xf32>
    %max3A_35 = arith.maximumf %add3A_33, %max3A_34 : vector<1280x128xf32>
    %swap3A = arith.constant 0 : index
    %swap3A_36 = arith.constant 0 : index
    %swap3A_37 = vector.load %arg6[%swap3A, %swap3A_36] : memref<1280x128xf32, #tpu.memory_space<vmem>>, vector<1280x128xf32>
    tpu.vector_store %arg6[%swap3A, %swap3A_36], %max3A_35 {strides = array<i32>} : memref<1280x128xf32, #tpu.memory_space<vmem>>, vector<1280x128xf32>,
    return
  }
  func.func @transform_0(%arg0: i32) -> (i32, i32) {
    %c0_i32 = arith.constant 0 : i32
    %c0_i32_0 = arith.constant 0 : i32
    return %arg0, %c0_i32 : i32, i32
  }
  func.func @transform_1(%arg0: i32) -> (i32, i32) {
    %c0_i32 = arith.constant 0 : i32
    %c0_i32_0 = arith.constant 0 : i32
    %c0_i32_1 = arith.constant 0 : i32
    return %c0_i32, %c0_i32_0 : i32, i32
  }
  func.func @transform_2(%arg0: i32) -> (i32, i32) {
    %c0_i32 = arith.constant 0 : i32
    %c0_i32_0 = arith.constant 0 : i32
    %c0_i32_1 = arith.constant 0 : i32
    return %c0_i32, %c0_i32_0 : i32, i32
  }
  func.func @transform_3(%arg0: i32) -> (i32, i32) {
    %c0_i32 = arith.constant 0 : i32
    %c0_i32_0 = arith.constant 0 : i32
    %c0_i32_1 = arith.constant 0 : i32
    return %c0_i32, %c0_i32_0 : i32, i32
  }
  func.func @transform_4(%arg0: i32) -> (i32, i32) {
    %c0_i32 = arith.constant 0 : i32
    %c0_i32_0 = arith.constant 0 : i32
    return %arg0, %c0_i32 : i32, i32
  }
  func.func @transform_5(%arg0: i32) -> (i32, i32) {
    %c0_i32 = arith.constant 0 : i32
    %c0_i32_0 = arith.constant 0 : i32
    return %arg0, %c0_i32 : i32, i32
  }
}

</mosaic_0001>

<sc_bundles>
// kernel: kernel.10.cloned.1.call-start
scs
__scs_entry_jumppad:
0x0: {  	(pc) =	sbr.rel $0x88, $3  }
0x1: {  	(tag) =	ssettag $0x0;
	lr =	simm.s32 $0x1  }
0x2: {  	[smem:$0x3F97] =	sst lr;
	_ =	strace $0xD0000000  }
0x3: {  	_ = 	snop  }
0x4: {  	_ = 	snop  }
0x5: {  	_ = 	snop  }
0x6: {  	_ = 	snop  }
0x7: {  	_ = 	snop  }
__scs_overlays_trampoline_lowered:
0x8: {  	[smem:$0x3FA6] =	sst s0  }
0x9: {  	[smem:$0x3FA7] =	sst s1  }
0xa: {  	[smem:$0x3FA8] =	sst s2  }
0xb: {  	[smem:$0x3FA9] =	sst s3  }
0xc: {  	[smem:$0x3FAA] =	sst s4  }
0xd: {  	[smem:$0x3FAB] =	sst s5  }
0xe: {  	[smem:$0x3FAC] =	sst s6  }
0xf: {  	[smem:$0x3FAD] =	sst s7  }
0x10: {  	[smem:$0x3FAE] =	sst s8  }
0x11: {  	[smem:$0x3FAF] =	sst s9;
	s0 =	simm.s32 @!p0 $0x0  }
0x12: {  	s1 =	sld [smem:$0x3F95];
	s0 =	simm.s32 @p0 $0x1  }
0x13: {  	[smem:$0x3FB0] =	sst s0;
	s0 =	simm.s32 @!p1 $0x0  }
0x14: {  	s2 =	sld [smem:$0x3F94];
	s0 =	simm.s32 @p1 $0x1  }
0x15: {  	[smem:$0x3FB1] =	sst s0;
	s0 =	simm.s32 @!p2 $0x0  }
0x16: {  	s3 =	sld [smem:$0x3FDB];
	s0 =	simm.s32 @p2 $0x1  }
0x17: {  	s4 =	simm.s32 $0x1BF5;
	[smem:$0x3FB3] =	sst s0  }
0x18: {  	s0 =	sld [smem:$0x3F96];
	_ =	swait.ge [sflag:s4], $0x0  }
0x19: {  	s7 =	sld [smem:$0x3F97]  }
0x1a: {  	s8 =	sadd.s32 $0xFFFFE003, lr  }
0x1b: {  	s9 =	sadd.s32 $0xFFFFFEF7, lr;
	s5 =	simm.s32 $0xFFFFFFFF;
	p2 =	slt.u32 s8, $0xFFFFF086  }
0x1c: {  	p1 =	slt.u32 s9, $0xF7A;
	s5 =	simm.s32 @!p2 $0x0  }
0x1d: {  	s5 =	simm.s32 @p1 $0x1;
	p0 =	seq.s32 s7, s2  }
0x1e: {  	s7 =	smul.u32 @!p0 $0xF7A, s2;
	p2 =	seq.s32 @!p0 s5, $0x0  }
0x1f: {  	s9 =	smul.u32 $0xF7A, s1;
	s8 =	simm.s32 @!p0 $0x1BF5;
	p2 =	por !p2, p0  }
0x20: {  	[sflag:s8] =	ssyncset.s32 @!p0 $0xFFFFF086;
	s6 =	sadd.s32 @!p0 s3, s7;
	s7 =	simm.s32 @!p0 $0x108  }
0x21: {  	s3 =	sadd.s32 s3, s9;
	s6 =	sadd.s32 @!p0 $0x88, s6;
	s7 =	simm.s32 @p2 $0x1082  }
0x22: {  	[simem:s7], [sflag:s8] =	dma.local @!p0 [hbm:s6], $0xF7A  }
0x23: {  	s9 =	sor.u32 $0xD0000000, s2;
	s6 =	simm.s32 $0x108;
	_ =	swait.ge @!p0 [sflag:s8], $0x0  }
0x24: {  	s3 =	sadd.s32 $0x88, s3;
	s6 =	simm.s32 @!p1 $0x1082;
	[sflag:s4] =	ssyncset.s32 $0xFFFFF086  }
0x25: {  	[simem:s6], [sflag:s4] =	dma.local [hbm:s3], $0xF7A  }
0x26: {  	[smem:$0x3F97] =	sst s1;
	(tag) =	ssettag s2;
	_ =	strace s9  }
0x27: {  	s1 =	sld [smem:$0x3FA7]  }
0x28: {  	s2 =	sld [smem:$0x3FA8]  }
0x29: {  	s4 =	sld [smem:$0x3FAA]  }
0x2a: {  	p0 =	seq.s32 s5, $0x0;
	s5 =	sld [smem:$0x3FAB]  }
0x2b: {  	s6 =	sld [smem:$0x3FAC]  }
0x2c: {  	s7 =	sld [smem:$0x3FAD]  }
0x2d: {  	s3 =	simm.s32 $0x108;
	s8 =	sld [smem:$0x3FAE]  }
0x2e: {  	s3 =	simm.s32 @!p0 $0x1082;
	s9 =	sld [smem:$0x3FAF]  }
0x2f: {  	lr =	sadd.s32 s0, s3;
	s0 =	sld [smem:$0x3FA6]  }
0x30: {  	s3 =	sld [smem:$0x3FA9]  }
0x31: {  	[smem:$0x3FB2] =	sst s10  }
0x32: {  	s10 =	sld [smem:$0x3FB0];
	_ =	sdelay $0x3  }
0x33: {  	p0 =	seq.s32 s10, $0x1;
	s10 =	sld [smem:$0x3FB2];
	_ =	sdelay $0x3  }
0x34: {  	[smem:$0x3FB2] =	sst s10  }
0x35: {  	s10 =	sld [smem:$0x3FB1];
	_ =	sdelay $0x3  }
0x36: {  	p1 =	seq.s32 s10, $0x1;
	s10 =	sld [smem:$0x3FB2];
	_ =	sdelay $0x3  }
0x37: {  	[smem:$0x3FB2] =	sst s10  }
0x38: {  	s10 =	sld [smem:$0x3FB3]  }
0x39: {  	_ = 	snop;
	(pc) =	sbr.ind lr, $3  }
0x3a: {  	_ = 	snop  }
0x3b: {  	_ = 	snop  }
0x3c: {  	p2 =	seq.s32 s10, $0x1;
	s10 =	sld [smem:$0x3FB2]  }
0x3d: {  	_ =	shalt  }
0x3e: {  	_ =	shalt  }
0x3f: {  	_ =	shalt  }
0x40: {  	_ =	shalt  }
0x41: {  	_ =	shalt  }
0x42: {  	_ =	shalt  }
0x43: {  	_ =	shalt  }
0x44: {  	_ =	shalt  }
0x45: {  	_ =	shalt  }
0x46: {  	_ =	shalt  }
0x47: {  	_ =	shalt  }
0x48: {  	_ =	shalt  }
0x49: {  	_ =	shalt  }
0x4a: {  	_ =	shalt  }
0x4b: {  	_ =	shalt  }
0x4c: {  	_ =	shalt  }
0x4d: {  	_ =	shalt  }
0x4e: {  	_ =	shalt  }
0x4f: {  	_ =	shalt  }
0x50: {  	_ =	shalt  }
0x51: {  	_ =	shalt  }
0x52: {  	_ =	shalt  }
0x53: {  	_ =	shalt  }
0x54: {  	_ =	shalt  }
0x55: {  	_ =	shalt  }
0x56: {  	_ =	shalt  }
0x57: {  	_ =	shalt  }
0x58: {  	_ =	shalt  }
0x59: {  	_ =	shalt  }
0x5a: {  	_ =	shalt  }
0x5b: {  	_ =	shalt  }
0x5c: {  	_ =	shalt  }
0x5d: {  	_ =	shalt  }
0x5e: {  	_ =	shalt  }
0x5f: {  	_ =	shalt  }
0x60: {  	_ =	shalt  }
0x61: {  	_ =	shalt  }
0x62: {  	_ =	shalt  }
0x63: {  	_ =	shalt  }
0x64: {  	_ =	shalt  }
0x65: {  	_ =	shalt  }
0x66: {  	_ =	shalt  }
0x67: {  	_ =	shalt  }
0x68: {  	_ =	shalt  }
0x69: {  	_ =	shalt  }
0x6a: {  	_ =	shalt  }
0x6b: {  	_ =	shalt  }
0x6c: {  	_ =	shalt  }
0x6d: {  	_ =	shalt  }
0x6e: {  	_ =	shalt  }
0x6f: {  	_ =	shalt  }
0x70: {  	_ =	shalt  }
0x71: {  	_ =	shalt  }
0x72: {  	_ =	shalt  }
0x73: {  	_ =	shalt  }
0x74: {  	_ =	shalt  }
0x75: {  	_ =	shalt  }
0x76: {  	_ =	shalt  }
0x77: {  	_ =	shalt  }
0x78: {  	_ =	shalt  }
0x79: {  	_ =	shalt  }
0x7a: {  	_ =	shalt  }
0x7b: {  	_ =	shalt  }
0x7c: {  	_ =	shalt  }
0x7d: {  	_ =	shalt  }
0x7e: {  	_ =	shalt  }
0x7f: {  	_ =	shalt  }
0x80: {  	_ =	shalt  }
0x81: {  	_ =	shalt  }
0x82: {  	_ =	shalt  }
0x83: {  	_ =	shalt  }
0x84: {  	_ =	shalt  }
0x85: {  	_ =	shalt  }
0x86: {  	_ =	shalt  }
0x87: {  	_ =	shalt  }
.Lfunc_end0:
.L_simem_size_0:
called_computation_lowered:
.L_overlay_start_0:
0x88: {  	s2 =	sld [smem:$0x3FD9]  }
0x89: {  	s3 =	sld [smem:$0x3FFE];
	_ =	sdelay $0x1  }
0x8a: {  	s1 =	srdreg.scid  }
0x8b: {  	s0 =	sand.u32 $0x1, s1  }
0x8c: {  	s17 =	sshll.u32 s0, $0xA;
	s2 =	sadd.s32 s3, s2  }
0x8d: {  	s2 =	sadd.s32 s2, s17  }
0x8e: {  	[smem:$0x3FBE] =	sst s2  }
0x8f: {  	_ = 	snop  }
0x90: {  	s2 =	sld [smem:$0x3FD0];
	(tm) =	ssettm $0x1  }
0x91: {  	s18 =	sld [smem:$0x3FFB];
	_ =	sdelay $0x3  }
0x92: {  	_ =	strace s18  }
0x93: {  	s3 =	sld [smem:$0x3FFC];
	_ =	sdelay $0x3  }
0x94: {  	_ =	strace s3  }
0x95: {  	s3 =	sld [smem:$0x3FFD];
	_ =	sdelay $0x3  }
0x96: {  	_ =	strace s3  }
0x97: {  	_ =	strace $0x8FFFFFFF  }
0x98: {  	s19 =	sld [smem:$0x3FDB];
	_ =	sdelay $0x1  }
0x99: {  	s4 =	simm.s32 $_scs_section_size  }
0x9a: {  	s5 =	simm.s32 $_size__tile_overlayer_lowered;
	s6 =	simm.s32 $_tile_overlayer_lowered  }
0x9b: {  	s22 =	simm.s32 $0x1BFF;
	s21 =	sshll.u32 s6, $0x1;
	s3 =	sadd.s32 s4, s19  }
0x9c: {  	s7 =	simm.s32 $0x0;
	s20 =	sshll.u32 s5, $0x1;
	s5 =	sadd.s32 s21, s3  }
0x9d: {  	[timem:s7], [sflag:s22] =	dma.local [hbm:s5], s20  }
0x9e: {  	_ =	swait.ge [sflag:s22], s20  }
0x9f: {  	s4 =	ssub.s32 $0x0, s20;
	[sflag:s22] =	ssyncset.done $0x0  }
0xa0: {  	[sflag:s22] =	ssyncadd.s32 s4;
	_ =	sdelay $0x1  }
0xa1: {  	s23 =	simm.s32 $0x1B8B  }
0xa2: {  	_ =	swait.ge [sflag:s23], $0x1  }
0xa3: {  	[sflag:s23] =	ssyncset.done $0x0  }
0xa4: {  	s25 =	simm.s32 $0x1B8E;
	s24 =	sld [smem:$0x3FFE];
	[sflag:s23] =	ssyncadd.s32 $0xFFFFFFFF  }
0xa5: {  	s26 =	simm.s32 $execute0_lowered;
	[smem:$0x3FD2] =	sst s25  }
0xa6: {  	s5 =	sshll.u32 s26, $0x1;
	_ =	strace $0x80000046;
	[dreg:$0x1] =	wrdreg $0xFFFFFFFF  }
0xa7: {  	s28 =	simm.s32 $_size_execute0_lowered;
	s3 =	sadd.s32 s3, s5;
	[dreg:$0x0] =	wrdreg $0x0  }
0xa8: {  	s5 =	sshll.u32 s28, $0x1;
	[dreg:$0x2] =	wrdreg s3  }
0xa9: {  	[dreg:$0x3] =	wrdreg s5  }
0xaa: {  	[dreg:$0x4] =	wrdreg $0xC0  }
0xab: {  	_ =	task [dreg:s7], $0x5FFFF  }
0xac: {  	[dreg:$0x1] =	wrdreg $0xFFFFFFFF  }
0xad: {  	[dreg:$0x0] =	wrdreg $0x60  }
0xae: {  	[dreg:$0x2] =	wrdreg s2  }
0xaf: {  	[dreg:$0x3] =	wrdreg s24  }
0xb0: {  	[dreg:$0x4] =	wrdreg $0x2B000  }
0xb1: {  	[dreg:$0x5] =	wrdreg $0x9  }
0xb2: {  	_ =	task.clear_ibuf [dreg:s7], $0x6FFFF;
	_ =	strace $0x90000046  }
0xb3: {  	s29 =	simm.s32 $0x9;
	_ =	strace $0x80000048  }
0xb4: {  	_ =	swait.ge [sflag:s29], $0x1  }
0xb5: {  	[sflag:s29] =	ssyncadd.s32 $0xFFFFFFFF  }
0xb6: {  	_ =	strace $0x90000048  }
0xb7: {  	_ =	sfence  }
0xb8: {  	s30 =	sld [smem:$0x0];
	_ =	sdelay $0x2  }
0xb9: {  	s31 =	sshll.u32 s1, $0xD;
	s1 =	sshrl.u32 s1, $0x2  }
0xba: {  	s3 =	sand.u32 $0x4000, s31;
	s1 =	sadd.s32 s1, s30  }
0xbb: {  	s0 =	sor.u32 s3, s0;
	s1 =	sshll.u32 s1, $0x11  }
0xbc: {  	s0 =	sor.u32 s1, s0  }
0xbd: {  	s0 =	sadd.s32 $0x8F2B, s0  }
0xbe: {  	[sflag:s0] =	ssyncadd.remote.s32 $0x1  }
0xbf: {  	_ =	sfence.sel $0xFFFF  }
0xc0: {  	[dreg:$0x0] =	wrdreg $0xFFFFFFFF;
	(pc) =	sbr.abs _section_cstart, $3  }
0xc1: {  	[dreg:$0x1] =	wrdreg $0xFFFFFFFF  }
0xc2: {  	_ =	task.clear_ibuf [dreg:s7], $0x2FFFF;
	_ =	strace $0x9FFFFFFF  }
0xc3: {  	(tm) =	ssettm $0x7FFFFFFF  }
tec
execute0_lowered:
.L_overlay_start_1:
0x0: {  	(tag) =	ssettag $0x1  }
0x1: {  	s8 =	rddreg [dreg:$0x0]  }
0x2: {  	s6 =	rddreg [dreg:$0x1]  }
0x3: {  	s2 =	rddreg [dreg:$0x2]  }
0x4: {  	s0 =	rddreg [dreg:$0x3];
	s4 =	srdreg.scid  }
0x5: {  	s1 =	stileid.u32;
	s3 =	simm.s32 $0x0;
	s13 =	simm.s32 $0x2800  }
0x6: {  	s14 =	simm.s32 $0x80;
	s15 =	simm.s32 $0x2880;
	s16 =	simm.s32 $0x100  }
0x7: {  	s17 =	simm.s32 $0x0;
	s7 =	sand.u32 $0x1, s4;
	s5 =	smul.u32 $0x500, s1  }
0x8: {  	[smem:$0x7FF] =	sst s3;
	s4 =	sadd.s32 $0x3200, s6;
	s10 =	sshll.u32 s1, $0x1  }
0x9: {  	s12 =	smul.u32 $0xA00, s1;
	s31 =	sshll.u32 s1, $0x6;
	s9 =	sshll.u32 s7, $0x7  }
0xa: {  	_ =	strace $0x80000047;
	s11 =	ssub.s32 $0x2, s7;
	s7 =	sor.u32 s7, s10  }
0xb: {  	s9 =	sor.u32 s9, s5;
	s5 =	sadd.s32 $0x3000, s6;
	s29 =	sshrl.u32 s11, $0x1  }
0xc: {  	s10 =	smul.u32 $0x500, s7;
	s30 =	sshrl.u32 s12, $0x2;
	s7 =	sor.u32 $0x1C01, s31  }
0xd: {  	s12 =	simm.s32 $0x1;
	s9 =	sshrl.u32 s9, $0x3;
	s11 =	ssub.s32 s11, s29  }
0xe: {  	s9 =	sadd.s32 s9, s6;
	s6 =	sadd.s32 s30, s2;
	s8 =	sadd.s32 s8, s10  }
0xf: {  	s10 =	smax.u32 s11, $0x1;
	s9 =	sadd.s32 $0x3400, s9;
	s11 =	sshrl.u32 s6, $0x3  }
.LBB2_1:
0x10: {  	[spmem:s11], [sflag:s7] =	dma.local [hbm:s4], $0x50  }
0x11: {  	_ =	swait.ge [sflag:s12], $0x50  }
0x12: {  	[sflag:s12] =	ssyncset.done $0x0  }
0x13: {  	[sflag:s12] =	ssyncadd.s32 $0xFFFFFFB0  }
0x14: {  	[tilespmem:s13], [sflag:$0x1] =	stream.linear.gather [hbm4b:s5+s3], $0x80, $0x38;
	[tilespmem:$0x2D80] =	vst v63  }
0x15: {  	_ =	swait.ge [sflag:s12], $0x80  }
0x16: {  	[sflag:s12] =	ssyncset.done $0x0  }
0x17: {  	[sflag:s12] =	ssyncadd.s32 $0xFFFFFF80  }
0x18: {  	[tilespmem:s3], [sflag:$0x1] =	stream.linear.gather [hbm4b:s8+s3], $0x2800, $0x38;
	[tilespmem:$0x2D80] =	vst v63  }
0x19: {  	_ =	swait.ge [sflag:s12], $0x2800  }
0x1a: {  	[sflag:s12] =	ssyncset.done $0x0  }
0x1b: {  	[sflag:s12] =	ssyncadd.s32 $0xFFFFD800  }
0x1c: {  	s18 =	simm.s32 $0x0;
	[bflag:$0x0] =	sbarrier.arrive $0xFFFF  }
0x1d: {  	[spmem:s2] =	stream.indirect.scatter.add.f32 [tilespmem:s13], [sflag:$0x1], $0x1, s18, s14, $0xb8;
	[tilespmem:$0x2D80] =	vst v63  }
0x1e: {  	_ =	swait.ge [sflag:s12], $0x80  }
0x1f: {  	s18 =	simm.s32 $0x200;
	[sflag:s12] =	ssyncset.done $0x0  }
.LBB2_2:
0x20: {  	s19 =	sshra.s32 s18, $0x2;
	[sflag:s12] =	ssyncadd.s32 $0xFFFFFF80;
	p0 =	sne.s32 s18, $0x9E00  }
0x21: {  	[spmem:s2] =	stream.indirect.scatter.add.f32 [tilespmem:s13], [sflag:$0x1], $0x1, s19, s14, $0xb8;
	[tilespmem:$0x2D80] =	vst v63  }
.Ltmp0:
0x22: {  	_ = 	snop;
	(pc) =	sbr.rel @p0 .LBB2_2-.Ltmp0, $4  }
0x23: {  	_ = 	snop  }
0x24: {  	s18 =	sadd.s32 $0x200, s18  }
0x25: {  	_ =	swait.ge [sflag:s12], $0x80  }
0x26: {  	[sflag:s12] =	ssyncset.done $0x0  }
0x27: {  	[sflag:s12] =	ssyncadd.s32 $0xFFFFFF80  }
0x28: {  	[bflag:$0x0] =	sbarrier.arrive $0xFFFF  }
0x29: {  	[tilespmem:s15], [sflag:$0x1] =	stream.linear.gather [spmem:s6], $0x280, $0x38;
	[tilespmem:$0x2D80] =	vst v63  }
0x2a: {  	s17 =	sadd.s32 $0x1, s17;
	_ =	swait.ge [sflag:s12], $0x280  }
0x2b: {  	p0 =	sne.s32 s17, s10;
	[sflag:s12] =	ssyncset.done $0x0  }
.Ltmp1:
0x2c: {  	[sflag:s12] =	ssyncadd.s32 $0xFFFFFD80;
	(pc) =	sbr.rel @p0 .LBB2_1-.Ltmp1, $4  }
0x2d: {  	[hbm4b:s9+s14] =	stream.strided.scatter [tilespmem:s15], [sflag:$0x1], $0x280, s16, s14, $0x38;
	[tilespmem:$0x2D80] =	vst v63  }
0x2e: {  	_ =	swait.ge [sflag:s12], $0x280  }
0x2f: {  	[sflag:s12] =	ssyncset.done $0x0  }
0x30: {  	[sflag:s12] =	ssyncadd.s32 $0xFFFFFD80  }
0x31: {  	_ =	sfence.sel $0x180000  }
0x32: {  	[bflag:$0x0] =	sbarrier.arrive $0xFFFF  }
0x33: {  	p0 =	sne.s32 s1, $0x0;
	_ =	strace $0x90000047  }
0x34: {  	s0 =	sadd.s32 @!p0 $0x100000, s0;
	[bflag:$0x2] =	sbarrier.arrive $0xFFFF  }
0x35: {  	[sflag:s0] =	ssyncadd.tile.s32 @!p0 $0x1;
	_ =	shalt  }
.Lfunc_end2:
_tile_overlayer_lowered:
.L_overlay_start_2:
0x36: {  	(tag) =	ssettag $0x2  }
0x37: {  	s0 =	rddreg [dreg:$0x0];
	s2 =	stileid.u32  }
0x38: {  	s1 =	rddreg [dreg:$0x1];
	p0 =	sne.s32 s2, $0x0  }
0x39: {  	s3 =	rddreg [dreg:$0x2];
	[bflag:$0x3] =	sbarrier.arrive $0xFFFF;
	s2 =	simm.s32 @!p0 $0x1C01  }
0x3a: {  	[timem:s3], [sflag:s2] =	dma.local @!p0 [hbm:s0], s1  }
0x3b: {  	s0 =	simm.s32 @!p0 $0x1  }
0x3c: {  	_ =	swait.ge @!p0 [sflag:s0], s1  }
0x3d: {  	s1 =	ssub.s32 @!p0 $0x0, s1;
	[sflag:s0] =	ssyncset.done @!p0 $0x0  }
0x3e: {  	[sflag:s0] =	ssyncadd.s32 @!p0 s1  }
0x3f: {  	[bflag:$0x3] =	sbarrier.arrive $0xFFFF  }
0x40: {  	_ =	shalt  }

// kernel: kernel.13.cloned.1.call-start
scs
__scs_entry_jumppad:
0x0: {  	(pc) =	sbr.rel $0x88, $3  }
0x1: {  	(tag) =	ssettag $0x0;
	lr =	simm.s32 $0x1  }
0x2: {  	[smem:$0x3F97] =	sst lr;
	_ =	strace $0xD0000000  }
0x3: {  	_ = 	snop  }
0x4: {  	_ = 	snop  }
0x5: {  	_ = 	snop  }
0x6: {  	_ = 	snop  }
0x7: {  	_ = 	snop  }
__scs_overlays_trampoline_lowered:
0x8: {  	[smem:$0x3FA6] =	sst s0  }
0x9: {  	[smem:$0x3FA7] =	sst s1  }
0xa: {  	[smem:$0x3FA8] =	sst s2  }
0xb: {  	[smem:$0x3FA9] =	sst s3  }
0xc: {  	[smem:$0x3FAA] =	sst s4  }
0xd: {  	[smem:$0x3FAB] =	sst s5  }
0xe: {  	[smem:$0x3FAC] =	sst s6  }
0xf: {  	[smem:$0x3FAD] =	sst s7  }
0x10: {  	[smem:$0x3FAE] =	sst s8  }
0x11: {  	[smem:$0x3FAF] =	sst s9;
	s0 =	simm.s32 @!p0 $0x0  }
0x12: {  	s1 =	sld [smem:$0x3F95];
	s0 =	simm.s32 @p0 $0x1  }
0x13: {  	[smem:$0x3FB0] =	sst s0;
	s0 =	simm.s32 @!p1 $0x0  }
0x14: {  	s2 =	sld [smem:$0x3F94];
	s0 =	simm.s32 @p1 $0x1  }
0x15: {  	[smem:$0x3FB1] =	sst s0;
	s0 =	simm.s32 @!p2 $0x0  }
0x16: {  	s3 =	sld [smem:$0x3FDB];
	s0 =	simm.s32 @p2 $0x1  }
0x17: {  	s4 =	simm.s32 $0x1BF5;
	[smem:$0x3FB3] =	sst s0  }
0x18: {  	s0 =	sld [smem:$0x3F96];
	_ =	swait.ge [sflag:s4], $0x0  }
0x19: {  	s7 =	sld [smem:$0x3F97]  }
0x1a: {  	s8 =	sadd.s32 $0xFFFFE003, lr  }
0x1b: {  	s9 =	sadd.s32 $0xFFFFFEF7, lr;
	s5 =	simm.s32 $0xFFFFFFFF;
	p2 =	slt.u32 s8, $0xFFFFF086  }
0x1c: {  	p1 =	slt.u32 s9, $0xF7A;
	s5 =	simm.s32 @!p2 $0x0  }
0x1d: {  	s5 =	simm.s32 @p1 $0x1;
	p0 =	seq.s32 s7, s2  }
0x1e: {  	s7 =	smul.u32 @!p0 $0xF7A, s2;
	p2 =	seq.s32 @!p0 s5, $0x0  }
0x1f: {  	s9 =	smul.u32 $0xF7A, s1;
	s8 =	simm.s32 @!p0 $0x1BF5;
	p2 =	por !p2, p0  }
0x20: {  	[sflag:s8] =	ssyncset.s32 @!p0 $0xFFFFF086;
	s6 =	sadd.s32 @!p0 s3, s7;
	s7 =	simm.s32 @!p0 $0x108  }
0x21: {  	s3 =	sadd.s32 s3, s9;
	s6 =	sadd.s32 @!p0 $0x88, s6;
	s7 =	simm.s32 @p2 $0x1082  }
0x22: {  	[simem:s7], [sflag:s8] =	dma.local @!p0 [hbm:s6], $0xF7A  }
0x23: {  	s9 =	sor.u32 $0xD0000000, s2;
	s6 =	simm.s32 $0x108;
	_ =	swait.ge @!p0 [sflag:s8], $0x0  }
0x24: {  	s3 =	sadd.s32 $0x88, s3;
	s6 =	simm.s32 @!p1 $0x1082;
	[sflag:s4] =	ssyncset.s32 $0xFFFFF086  }
0x25: {  	[simem:s6], [sflag:s4] =	dma.local [hbm:s3], $0xF7A  }
0x26: {  	[smem:$0x3F97] =	sst s1;
	(tag) =	ssettag s2;
	_ =	strace s9  }
0x27: {  	s1 =	sld [smem:$0x3FA7]  }
0x28: {  	s2 =	sld [smem:$0x3FA8]  }
0x29: {  	s4 =	sld [smem:$0x3FAA]  }
0x2a: {  	p0 =	seq.s32 s5, $0x0;
	s5 =	sld [smem:$0x3FAB]  }
0x2b: {  	s6 =	sld [smem:$0x3FAC]  }
0x2c: {  	s7 =	sld [smem:$0x3FAD]  }
0x2d: {  	s3 =	simm.s32 $0x108;
	s8 =	sld [smem:$0x3FAE]  }
0x2e: {  	s3 =	simm.s32 @!p0 $0x1082;
	s9 =	sld [smem:$0x3FAF]  }
0x2f: {  	lr =	sadd.s32 s0, s3;
	s0 =	sld [smem:$0x3FA6]  }
0x30: {  	s3 =	sld [smem:$0x3FA9]  }
0x31: {  	[smem:$0x3FB2] =	sst s10  }
0x32: {  	s10 =	sld [smem:$0x3FB0];
	_ =	sdelay $0x3  }
0x33: {  	p0 =	seq.s32 s10, $0x1;
	s10 =	sld [smem:$0x3FB2];
	_ =	sdelay $0x3  }
0x34: {  	[smem:$0x3FB2] =	sst s10  }
0x35: {  	s10 =	sld [smem:$0x3FB1];
	_ =	sdelay $0x3  }
0x36: {  	p1 =	seq.s32 s10, $0x1;
	s10 =	sld [smem:$0x3FB2];
	_ =	sdelay $0x3  }
0x37: {  	[smem:$0x3FB2] =	sst s10  }
0x38: {  	s10 =	sld [smem:$0x3FB3]  }
0x39: {  	_ = 	snop;
	(pc) =	sbr.ind lr, $3  }
0x3a: {  	_ = 	snop  }
0x3b: {  	_ = 	snop  }
0x3c: {  	p2 =	seq.s32 s10, $0x1;
	s10 =	sld [smem:$0x3FB2]  }
0x3d: {  	_ =	shalt  }
0x3e: {  	_ =	shalt  }
0x3f: {  	_ =	shalt  }
0x40: {  	_ =	shalt  }
0x41: {  	_ =	shalt  }
0x42: {  	_ =	shalt  }
0x43: {  	_ =	shalt  }
0x44: {  	_ =	shalt  }
0x45: {  	_ =	shalt  }
0x46: {  	_ =	shalt  }
0x47: {  	_ =	shalt  }
0x48: {  	_ =	shalt  }
0x49: {  	_ =	shalt  }
0x4a: {  	_ =	shalt  }
0x4b: {  	_ =	shalt  }
0x4c: {  	_ =	shalt  }
0x4d: {  	_ =	shalt  }
0x4e: {  	_ =	shalt  }
0x4f: {  	_ =	shalt  }
0x50: {  	_ =	shalt  }
0x51: {  	_ =	shalt  }
0x52: {  	_ =	shalt  }
0x53: {  	_ =	shalt  }
0x54: {  	_ =	shalt  }
0x55: {  	_ =	shalt  }
0x56: {  	_ =	shalt  }
0x57: {  	_ =	shalt  }
0x58: {  	_ =	shalt  }
0x59: {  	_ =	shalt  }
0x5a: {  	_ =	shalt  }
0x5b: {  	_ =	shalt  }
0x5c: {  	_ =	shalt  }
0x5d: {  	_ =	shalt  }
0x5e: {  	_ =	shalt  }
0x5f: {  	_ =	shalt  }
0x60: {  	_ =	shalt  }
0x61: {  	_ =	shalt  }
0x62: {  	_ =	shalt  }
0x63: {  	_ =	shalt  }
0x64: {  	_ =	shalt  }
0x65: {  	_ =	shalt  }
0x66: {  	_ =	shalt  }
0x67: {  	_ =	shalt  }
0x68: {  	_ =	shalt  }
0x69: {  	_ =	shalt  }
0x6a: {  	_ =	shalt  }
0x6b: {  	_ =	shalt  }
0x6c: {  	_ =	shalt  }
0x6d: {  	_ =	shalt  }
0x6e: {  	_ =	shalt  }
0x6f: {  	_ =	shalt  }
0x70: {  	_ =	shalt  }
0x71: {  	_ =	shalt  }
0x72: {  	_ =	shalt  }
0x73: {  	_ =	shalt  }
0x74: {  	_ =	shalt  }
0x75: {  	_ =	shalt  }
0x76: {  	_ =	shalt  }
0x77: {  	_ =	shalt  }
0x78: {  	_ =	shalt  }
0x79: {  	_ =	shalt  }
0x7a: {  	_ =	shalt  }
0x7b: {  	_ =	shalt  }
0x7c: {  	_ =	shalt  }
0x7d: {  	_ =	shalt  }
0x7e: {  	_ =	shalt  }
0x7f: {  	_ =	shalt  }
0x80: {  	_ =	shalt  }
0x81: {  	_ =	shalt  }
0x82: {  	_ =	shalt  }
0x83: {  	_ =	shalt  }
0x84: {  	_ =	shalt  }
0x85: {  	_ =	shalt  }
0x86: {  	_ =	shalt  }
0x87: {  	_ =	shalt  }
.Lfunc_end0:
.L_simem_size_0:
called_computation.1_lowered:
.L_overlay_start_0:
0x88: {  	s2 =	sld [smem:$0x3FD9]  }
0x89: {  	s3 =	sld [smem:$0x3FFE];
	_ =	sdelay $0x1  }
0x8a: {  	s1 =	srdreg.scid  }
0x8b: {  	s0 =	sand.u32 $0x1, s1  }
0x8c: {  	s17 =	sshll.u32 s0, $0xA;
	s2 =	sadd.s32 s3, s2  }
0x8d: {  	s2 =	sadd.s32 s2, s17  }
0x8e: {  	[smem:$0x3FBE] =	sst s2  }
0x8f: {  	_ = 	snop  }
0x90: {  	s2 =	sld [smem:$0x3FD0];
	(tm) =	ssettm $0x1  }
0x91: {  	s18 =	sld [smem:$0x3FFB];
	_ =	sdelay $0x3  }
0x92: {  	_ =	strace s18  }
0x93: {  	s3 =	sld [smem:$0x3FFC];
	_ =	sdelay $0x3  }
0x94: {  	_ =	strace s3  }
0x95: {  	s3 =	sld [smem:$0x3FFD];
	_ =	sdelay $0x3  }
0x96: {  	_ =	strace s3  }
0x97: {  	_ =	strace $0x8FFFFFFF  }
0x98: {  	s19 =	sld [smem:$0x3FDB];
	_ =	sdelay $0x1  }
0x99: {  	s4 =	simm.s32 $_scs_section_size  }
0x9a: {  	s5 =	simm.s32 $_size__tile_overlayer_lowered;
	s6 =	simm.s32 $_tile_overlayer_lowered  }
0x9b: {  	s22 =	simm.s32 $0x1BFF;
	s21 =	sshll.u32 s6, $0x1;
	s3 =	sadd.s32 s4, s19  }
0x9c: {  	s7 =	simm.s32 $0x0;
	s20 =	sshll.u32 s5, $0x1;
	s5 =	sadd.s32 s21, s3  }
0x9d: {  	[timem:s7], [sflag:s22] =	dma.local [hbm:s5], s20  }
0x9e: {  	_ =	swait.ge [sflag:s22], s20  }
0x9f: {  	s4 =	ssub.s32 $0x0, s20;
	[sflag:s22] =	ssyncset.done $0x0  }
0xa0: {  	[sflag:s22] =	ssyncadd.s32 s4;
	_ =	sdelay $0x1  }
0xa1: {  	s23 =	simm.s32 $0x1B8B  }
0xa2: {  	_ =	swait.ge [sflag:s23], $0x1  }
0xa3: {  	[sflag:s23] =	ssyncset.done $0x0  }
0xa4: {  	s25 =	simm.s32 $0x1B8E;
	s24 =	sld [smem:$0x3FFE];
	[sflag:s23] =	ssyncadd.s32 $0xFFFFFFFF  }
0xa5: {  	s26 =	simm.s32 $execute0_lowered;
	[smem:$0x3FD2] =	sst s25  }
0xa6: {  	s5 =	sshll.u32 s26, $0x1;
	_ =	strace $0x80000049;
	[dreg:$0x1] =	wrdreg $0xFFFFFFFF  }
0xa7: {  	s28 =	simm.s32 $_size_execute0_lowered;
	s3 =	sadd.s32 s3, s5;
	[dreg:$0x0] =	wrdreg $0x0  }
0xa8: {  	s5 =	sshll.u32 s28, $0x1;
	[dreg:$0x2] =	wrdreg s3  }
0xa9: {  	[dreg:$0x3] =	wrdreg s5  }
0xaa: {  	[dreg:$0x4] =	wrdreg $0xC0  }
0xab: {  	_ =	task [dreg:s7], $0x5FFFF  }
0xac: {  	[dreg:$0x1] =	wrdreg $0xFFFFFFFF  }
0xad: {  	[dreg:$0x0] =	wrdreg $0x60  }
0xae: {  	[dreg:$0x2] =	wrdreg s24  }
0xaf: {  	[dreg:$0x3] =	wrdreg s2  }
0xb0: {  	[dreg:$0x4] =	wrdreg $0xA8000  }
0xb1: {  	[dreg:$0x5] =	wrdreg $0x9  }
0xb2: {  	_ =	task.clear_ibuf [dreg:s7], $0x6FFFF;
	_ =	strace $0x90000049  }
0xb3: {  	s29 =	simm.s32 $0x9;
	_ =	strace $0x8000004B  }
0xb4: {  	_ =	swait.ge [sflag:s29], $0x1  }
0xb5: {  	[sflag:s29] =	ssyncadd.s32 $0xFFFFFFFF  }
0xb6: {  	_ =	strace $0x9000004B  }
0xb7: {  	_ =	sfence  }
0xb8: {  	s30 =	sld [smem:$0x0];
	_ =	sdelay $0x2  }
0xb9: {  	s31 =	sshll.u32 s1, $0xD;
	s1 =	sshrl.u32 s1, $0x2  }
0xba: {  	s3 =	sand.u32 $0x4000, s31;
	s1 =	sadd.s32 s1, s30  }
0xbb: {  	s0 =	sor.u32 s3, s0;
	s1 =	sshll.u32 s1, $0x11  }
0xbc: {  	s0 =	sor.u32 s1, s0  }
0xbd: {  	s0 =	sadd.s32 $0x8F2B, s0  }
0xbe: {  	[sflag:s0] =	ssyncadd.remote.s32 $0x1  }
0xbf: {  	_ =	sfence.sel $0xFFFF  }
0xc0: {  	[dreg:$0x0] =	wrdreg $0xFFFFFFFF;
	(pc) =	sbr.abs _section_cstart, $3  }
0xc1: {  	[dreg:$0x1] =	wrdreg $0xFFFFFFFF  }
0xc2: {  	_ =	task.clear_ibuf [dreg:s7], $0x2FFFF;
	_ =	strace $0x9FFFFFFF  }
0xc3: {  	(tm) =	ssettm $0x7FFFFFFF  }
tec
execute0_lowered:
.L_overlay_start_1:
0x0: {  	(tag) =	ssettag $0x1  }
0x1: {  	s0 =	rddreg [dreg:$0x0]  }
0x2: {  	s3 =	rddreg [dreg:$0x1]  }
0x3: {  	s1 =	rddreg [dreg:$0x2];
	s2 =	simm.s32 $0x0;
	s6 =	srdreg.scid  }
0x4: {  	s11 =	stileid.u32;
	s28 =	simm.s32 $0x1;
	s29 =	simm.s32 $0x2  }
0x5: {  	s30 =	simm.s32 $0x3;
	s31 =	simm.s32 $0x4;
	[smem:$0x7FF] =	sst s2  }
0x6: {  	s4 =	sadd.s32 $0xDE00, s0;
	s5 =	sadd.s32 $0x3E00, s0;
	s7 =	sadd.s32 $0x35E00, s0  }
0x7: {  	s23 =	sand.u32 $0x1, s6;
	s8 =	sshll.u32 s11, $0x1;
	s9 =	smul.u32 $0x50000, s11  }
0x8: {  	s0 =	sadd.s32 $0x38600, s0;
	s25 =	sshll.u32 s11, $0x6;
	s26 =	smul.u32 $0x14000, s11  }
0x9: {  	_ =	strace $0x8000004A;
	[dreg:$0x4] =	wrdreg s7;
	s6 =	ssub.s32 $0x2, s23  }
0xa: {  	s8 =	sor.u32 s23, s8;
	s7 =	smul.u32 $0x140000, s23;
	s10 =	sshrl.u32 s6, $0x1  }
0xb: {  	s24 =	sshrl.u32 s9, $0x2;
	s8 =	smul.u32 $0x2800, s8;
	s9 =	sor.u32 $0x1C05, s25  }
0xc: {  	s15 =	sadd.s32 $0x4000, s26;
	s19 =	sadd.s32 $0x8000, s26;
	s22 =	sadd.s32 $0xC000, s26  }
0xd: {  	s10 =	ssub.s32 s6, s10;
	s6 =	sadd.s32 s24, s1;
	[dreg:$0x5] =	wrdreg s9  }
0xe: {  	s14 =	sadd.s32 s26, s7;
	s17 =	sadd.s32 s7, s15;
	s20 =	sadd.s32 s15, s1  }
0xf: {  	s21 =	sadd.s32 s7, s19;
	s15 =	sadd.s32 s19, s1;
	s23 =	sadd.s32 s7, s22  }
0x10: {  	s24 =	sadd.s32 $0x10000, s26;
	s9 =	simm.s32 $0x2780;
	s8 =	sshrl.u32 s8, $0x3  }
0x11: {  	s16 =	sshrl.u32 s14, $0x3;
	s18 =	sshrl.u32 s17, $0x3;
	[dreg:$0xb] =	wrdreg s20  }
0x12: {  	s17 =	sadd.s32 s22, s1;
	s25 =	sadd.s32 s7, s24;
	s19 =	sadd.s32 s24, s1  }
0x13: {  	s22 =	simm.s32 $0x5;
	s24 =	simm.s32 $0x80;
	s7 =	simm.s32 $0x1380  }
0x14: {  	s12 =	sadd.s32 s5, s8;
	s13 =	sadd.s32 s3, s8;
	s8 =	sadd.s32 $0x280, s8  }
0x15: {  	s14 =	sadd.s32 s0, s18;
	s26 =	sshrl.u32 s25, $0x3;
	[dreg:$0x6] =	wrdreg s12  }
0x16: {  	s25 =	simm.s32 $0x2800;
	[dreg:$0x7] =	wrdreg s13;
	s5 =	sadd.s32 s5, s8  }
0x17: {  	s3 =	sadd.s32 s3, s8;
	s20 =	sadd.s32 s0, s26;
	[dreg:$0x8] =	wrdreg s5  }
0x18: {  	s26 =	simm.s32 $0x6800;
	[dreg:$0x9] =	wrdreg s3;
	s3 =	sadd.s32 s0, s16  }
0x19: {  	s8 =	simm.s32 $0x2700;
	s5 =	simm.s32 $0x1300;
	[dreg:$0xa] =	wrdreg s3  }
0x1a: {  	s3 =	sshrl.u32 s21, $0x3;
	s21 =	smax.u32 s10, $0x1;
	s10 =	simm.s32 $0x0  }
0x1b: {  	s16 =	sadd.s32 s0, s3;
	s3 =	sshrl.u32 s23, $0x3;
	s23 =	simm.s32 $0x1400  }
0x1c: {  	s18 =	sadd.s32 s0, s3;
	s0 =	simm.s32 $0x2600;
	s3 =	simm.s32 $0x2680  }
.LBB2_1:
0x1d: {  	s12 =	rddreg [dreg:$0x4]  }
0x1e: {  	s11 =	sshrl.u32 s6, $0x3;
	s13 =	rddreg [dreg:$0x5]  }
0x1f: {  	[spmem:s11], [sflag:s13] =	dma.local [hbm:s12], $0x2800  }
0x20: {  	_ =	swait.ge [sflag:s22], $0x2800  }
0x21: {  	[sflag:s22] =	ssyncset.done $0x0  }
0x22: {  	[sflag:s22] =	ssyncadd.s32 $0xFFFFD800  }
0x23: {  	[bflag:$0x0] =	sbarrier.arrive $0xFFFF  }
0x24: {  	s13 =	rddreg [dreg:$0x6]  }
0x25: {  	[tilespmem:s2], [sflag:$0x5] =	stream.linear.gather [hbm4b:s13+s2], $0x1400, $0x38;
	[tilespmem:$0x1E800] =	vst v63  }
0x26: {  	_ =	swait.ge [sflag:s22], $0x1400  }
0x27: {  	[sflag:s22] =	ssyncset.done $0x0  }
0x28: {  	s12 =	rddreg [dreg:$0x7];
	[sflag:s22] =	ssyncadd.s32 $0xFFFFEC00  }
0x29: {  	[tilespmem:s23], [sflag:$0x5] =	stream.linear.gather [hbm4b:s12+s2], $0x1400, $0x38;
	[tilespmem:$0x1E800] =	vst v63  }
0x2a: {  	_ =	swait.ge [sflag:s22], $0x1400  }
0x2b: {  	[sflag:s22] =	ssyncset.done $0x0  }
0x2c: {  	[sflag:s22] =	ssyncadd.s32 $0xFFFFEC00  }
0x2d: {  	[tilespmem:s25], [sflag:$0x1] =	stream.indirect.gather [hbm4b:s4+s24], $0x80, s2, s24, $0xb8;
	[tilespmem:$0x1E800] =	vst v63  }
0x2e: {  	_ = 	snop  }
0x2f: {  	[tilespmem:s26], [sflag:$0x2] =	stream.indirect.gather [hbm4b:s4+s24], $0x80, s24, s24, $0xb8;
	[tilespmem:$0x1E800] =	vst v63  }
0x30: {  	_ =	swait.ge [sflag:s28], $0x4000  }
0x31: {  	[sflag:s28] =	ssyncset.done $0x0  }
0x32: {  	s13 =	simm.s32 $0x1400;
	[sflag:s28] =	ssyncadd.s32 $0xFFFFC000  }
0x33: {  	[spmem:s1] =	stream.indirect.scatter.add.f32 [tilespmem:s25], [sflag:$0x3], $0x80, s13, s24, $0xb8;
	[tilespmem:$0x1E800] =	vst v63  }
0x34: {  	_ =	swait.ge [sflag:s29], $0x4000  }
0x35: {  	[sflag:s29] =	ssyncset.done $0x0  }
0x36: {  	s12 =	simm.s32 $0x1480;
	[sflag:s29] =	ssyncadd.s32 $0xFFFFC000  }
0x37: {  	[spmem:s1] =	stream.indirect.scatter.add.f32 [tilespmem:s26], [sflag:$0x4], $0x80, s12, s24, $0xb8;
	[tilespmem:$0x1E800] =	vst v63  }
0x38: {  	_ =	swait.ge [sflag:s30], $0x4000  }
0x39: {  	[sflag:s30] =	ssyncset.done $0x0  }
0x3a: {  	s13 =	simm.s32 $0x100;
	[sflag:s30] =	ssyncadd.s32 $0xFFFFC000  }
0x3b: {  	[tilespmem:s25], [sflag:$0x1] =	stream.indirect.gather [hbm4b:s4+s24], $0x80, s13, s24, $0xb8;
	[tilespmem:$0x1E800] =	vst v63  }
0x3c: {  	_ =	swait.ge [sflag:s31], $0x4000  }
0x3d: {  	[sflag:s31] =	ssyncset.done $0x0  }
0x3e: {  	s11 =	simm.s32 $0x400;
	s12 =	simm.s32 $0x180;
	[sflag:s31] =	ssyncadd.s32 $0xFFFFC000  }
.LBB2_2:
0x3f: {  	[tilespmem:s26], [sflag:$0x2] =	stream.indirect.gather [hbm4b:s4+s24], $0x80, s12, s24, $0xb8;
	[tilespmem:$0x1E800] =	vst v63  }
0x40: {  	s12 =	smov.u32 s11  }
0x41: {  	p0 =	sne.s32 s11, $0x4400;
	s11 =	sadd.s32 $0x400, s11;
	_ =	swait.ge [sflag:s28], $0x4000  }
0x42: {  	s12 =	sshra.s32 s12, $0x2;
	[sflag:s28] =	ssyncset.done $0x0  }
0x43: {  	s13 =	sadd.s32 $0x1400, s12;
	[sflag:s28] =	ssyncadd.s32 $0xFFFFC000  }
0x44: {  	[spmem:s1] =	stream.indirect.scatter.add.f32 [tilespmem:s25], [sflag:$0x3], $0x80, s13, s24, $0xb8;
	[tilespmem:$0x1E800] =	vst v63  }
0x45: {  	_ =	swait.ge [sflag:s29], $0x4000  }
0x46: {  	[sflag:s29] =	ssyncset.done $0x0  }
0x47: {  	s13 =	sadd.s32 $0x1480, s12;
	[sflag:s29] =	ssyncadd.s32 $0xFFFFC000  }
0x48: {  	[spmem:s1] =	stream.indirect.scatter.add.f32 [tilespmem:s26], [sflag:$0x4], $0x80, s13, s24, $0xb8;
	[tilespmem:$0x1E800] =	vst v63  }
0x49: {  	_ =	swait.ge [sflag:s30], $0x4000  }
0x4a: {  	[sflag:s30] =	ssyncset.done $0x0  }
.Ltmp0:
0x4b: {  	s13 =	sadd.s32 $0x100, s12;
	[sflag:s30] =	ssyncadd.s32 $0xFFFFC000;
	(pc) =	sbr.rel @p0 .LBB2_2-.Ltmp0, $4  }
0x4c: {  	[tilespmem:s25], [sflag:$0x1] =	stream.indirect.gather [hbm4b:s4+s24], $0x80, s13, s24, $0xb8;
	[tilespmem:$0x1E800] =	vst v63  }
0x4d: {  	_ =	swait.ge [sflag:s31], $0x4000  }
0x4e: {  	[sflag:s31] =	ssyncset.done $0x0  }
0x4f: {  	s12 =	sadd.s32 $0x180, s12;
	[sflag:s31] =	ssyncadd.s32 $0xFFFFC000  }
0x50: {  	[tilespmem:s26], [sflag:$0x2] =	stream.indirect.gather [hbm4b:s4+s24], $0x80, s12, s24, $0xb8;
	[tilespmem:$0x1E800] =	vst v63  }
0x51: {  	_ =	swait.ge [sflag:s28], $0x4000  }
0x52: {  	[sflag:s28] =	ssyncset.done $0x0  }
0x53: {  	[sflag:s28] =	ssyncadd.s32 $0xFFFFC000  }
0x54: {  	[spmem:s1] =	stream.indirect.scatter.add.f32 [tilespmem:s25], [sflag:$0x3], $0x80, s0, s24, $0xb8;
	[tilespmem:$0x1E800] =	vst v63  }
0x55: {  	_ =	swait.ge [sflag:s29], $0x4000  }
0x56: {  	[sflag:s29] =	ssyncset.done $0x0  }
0x57: {  	[sflag:s29] =	ssyncadd.s32 $0xFFFFC000  }
0x58: {  	[spmem:s1] =	stream.indirect.scatter.add.f32 [tilespmem:s26], [sflag:$0x4], $0x80, s3, s24, $0xb8;
	[tilespmem:$0x1E800] =	vst v63  }
0x59: {  	_ =	swait.ge [sflag:s30], $0x4000  }
0x5a: {  	[sflag:s30] =	ssyncset.done $0x0  }
0x5b: {  	[sflag:s30] =	ssyncadd.s32 $0xFFFFC000  }
0x5c: {  	[tilespmem:s25], [sflag:$0x1] =	stream.indirect.gather [hbm4b:s4+s24], $0x80, s5, s24, $0xb8;
	[tilespmem:$0x1E800] =	vst v63  }
0x5d: {  	_ =	swait.ge [sflag:s31], $0x4000  }
0x5e: {  	[sflag:s31] =	ssyncset.done $0x0  }
0x5f: {  	[sflag:s31] =	ssyncadd.s32 $0xFFFFC000  }
0x60: {  	[tilespmem:s26], [sflag:$0x2] =	stream.indirect.gather [hbm4b:s4+s24], $0x80, s7, s24, $0xb8;
	[tilespmem:$0x1E800] =	vst v63  }
0x61: {  	_ =	swait.ge [sflag:s28], $0x4000  }
0x62: {  	[sflag:s28] =	ssyncset.done $0x0  }
0x63: {  	[sflag:s28] =	ssyncadd.s32 $0xFFFFC000  }
0x64: {  	[spmem:s1] =	stream.indirect.scatter.add.f32 [tilespmem:s25], [sflag:$0x3], $0x80, s8, s24, $0xb8;
	[tilespmem:$0x1E800] =	vst v63  }
0x65: {  	_ =	swait.ge [sflag:s29], $0x4000  }
0x66: {  	[sflag:s29] =	ssyncset.done $0x0  }
0x67: {  	[sflag:s29] =	ssyncadd.s32 $0xFFFFC000  }
0x68: {  	[spmem:s1] =	stream.indirect.scatter.add.f32 [tilespmem:s26], [sflag:$0x4], $0x80, s9, s24, $0xb8;
	[tilespmem:$0x1E800] =	vst v63  }
0x69: {  	_ =	swait.ge [sflag:s30], $0x4000  }
0x6a: {  	[sflag:s30] =	ssyncset.done $0x0  }
0x6b: {  	[sflag:s30] =	ssyncadd.s32 $0xFFFFC000  }
0x6c: {  	[tilespmem:s25], [sflag:$0x1] =	stream.indirect.gather [hbm4b:s4+s24], $0x80, s7, s24, $0xb8;
	[tilespmem:$0x1E800] =	vst v63  }
0x6d: {  	_ =	swait.ge [sflag:s31], $0x4000  }
0x6e: {  	[sflag:s31] =	ssyncset.done $0x0  }
0x6f: {  	[sflag:s31] =	ssyncadd.s32 $0xFFFFC000  }
0x70: {  	[tilespmem:s26], [sflag:$0x2] =	stream.indirect.gather [hbm4b:s4+s24], $0x80, s7, s24, $0xb8;
	[tilespmem:$0x1E800] =	vst v63  }
0x71: {  	_ =	swait.ge [sflag:s28], $0x4000  }
0x72: {  	[sflag:s28] =	ssyncset.done $0x0  }
0x73: {  	[sflag:s28] =	ssyncadd.s32 $0xFFFFC000  }
0x74: {  	_ =	swait.ge [sflag:s29], $0x4000  }
0x75: {  	[sflag:s29] =	ssyncset.done $0x0  }
0x76: {  	s11 =	simm.s32 $0x0;
	s13 =	rddreg [dreg:$0x8];
	[sflag:s29] =	ssyncadd.s32 $0xFFFFC000  }
0x77: {  	[tilespmem:s11], [sflag:$0x5] =	stream.linear.gather [hbm4b:s13+s11], $0x1400, $0x38;
	[tilespmem:$0x1E800] =	vst v63  }
0x78: {  	_ =	swait.ge [sflag:s22], $0x1400  }
0x79: {  	[sflag:s22] =	ssyncset.done $0x0  }
0x7a: {  	s13 =	rddreg [dreg:$0x9];
	[sflag:s22] =	ssyncadd.s32 $0xFFFFEC00  }
0x7b: {  	[tilespmem:s23], [sflag:$0x5] =	stream.linear.gather [hbm4b:s13+s11], $0x1400, $0x38;
	[tilespmem:$0x1E800] =	vst v63  }
0x7c: {  	_ =	swait.ge [sflag:s22], $0x1400  }
0x7d: {  	[sflag:s22] =	ssyncset.done $0x0  }
0x7e: {  	[sflag:s22] =	ssyncadd.s32 $0xFFFFEC00  }
0x7f: {  	[tilespmem:s25], [sflag:$0x1] =	stream.indirect.gather [hbm4b:s4+s24], $0x80, s11, s24, $0xb8;
	[tilespmem:$0x1E800] =	vst v63  }
0x80: {  	_ = 	snop  }
0x81: {  	[tilespmem:s26], [sflag:$0x2] =	stream.indirect.gather [hbm4b:s4+s24], $0x80, s24, s24, $0xb8;
	[tilespmem:$0x1E800] =	vst v63  }
0x82: {  	_ =	swait.ge [sflag:s28], $0x4000  }
0x83: {  	[sflag:s28] =	ssyncset.done $0x0  }
0x84: {  	s13 =	simm.s32 $0x1400;
	[sflag:s28] =	ssyncadd.s32 $0xFFFFC000  }
0x85: {  	[spmem:s1] =	stream.indirect.scatter.add.f32 [tilespmem:s25], [sflag:$0x3], $0x80, s13, s24, $0xb8;
	[tilespmem:$0x1E800] =	vst v63  }
0x86: {  	_ =	swait.ge [sflag:s29], $0x4000  }
0x87: {  	[sflag:s29] =	ssyncset.done $0x0  }
0x88: {  	s12 =	simm.s32 $0x1480;
	[sflag:s29] =	ssyncadd.s32 $0xFFFFC000  }
0x89: {  	[spmem:s1] =	stream.indirect.scatter.add.f32 [tilespmem:s26], [sflag:$0x4], $0x80, s12, s24, $0xb8;
	[tilespmem:$0x1E800] =	vst v63  }
0x8a: {  	_ =	swait.ge [sflag:s30], $0x4000  }
0x8b: {  	[sflag:s30] =	ssyncset.done $0x0  }
0x8c: {  	s13 =	simm.s32 $0x100;
	[sflag:s30] =	ssyncadd.s32 $0xFFFFC000  }
0x8d: {  	[tilespmem:s25], [sflag:$0x1] =	stream.indirect.gather [hbm4b:s4+s24], $0x80, s13, s24, $0xb8;
	[tilespmem:$0x1E800] =	vst v63  }
0x8e: {  	_ =	swait.ge [sflag:s31], $0x4000  }
0x8f: {  	[sflag:s31] =	ssyncset.done $0x0  }
0x90: {  	s11 =	simm.s32 $0x400;
	s12 =	simm.s32 $0x180;
	[sflag:s31] =	ssyncadd.s32 $0xFFFFC000  }
.LBB2_4:
0x91: {  	[tilespmem:s26], [sflag:$0x2] =	stream.indirect.gather [hbm4b:s4+s24], $0x80, s12, s24, $0xb8;
	[tilespmem:$0x1E800] =	vst v63  }
0x92: {  	s12 =	smov.u32 s11  }
0x93: {  	p0 =	sne.s32 s11, $0x4400;
	s11 =	sadd.s32 $0x400, s11;
	_ =	swait.ge [sflag:s28], $0x4000  }
0x94: {  	s12 =	sshra.s32 s12, $0x2;
	[sflag:s28] =	ssyncset.done $0x0  }
0x95: {  	s13 =	sadd.s32 $0x1400, s12;
	[sflag:s28] =	ssyncadd.s32 $0xFFFFC000  }
0x96: {  	[spmem:s1] =	stream.indirect.scatter.add.f32 [tilespmem:s25], [sflag:$0x3], $0x80, s13, s24, $0xb8;
	[tilespmem:$0x1E800] =	vst v63  }
0x97: {  	_ =	swait.ge [sflag:s29], $0x4000  }
0x98: {  	[sflag:s29] =	ssyncset.done $0x0  }
0x99: {  	s13 =	sadd.s32 $0x1480, s12;
	[sflag:s29] =	ssyncadd.s32 $0xFFFFC000  }
0x9a: {  	[spmem:s1] =	stream.indirect.scatter.add.f32 [tilespmem:s26], [sflag:$0x4], $0x80, s13, s24, $0xb8;
	[tilespmem:$0x1E800] =	vst v63  }
0x9b: {  	_ =	swait.ge [sflag:s30], $0x4000  }
0x9c: {  	[sflag:s30] =	ssyncset.done $0x0  }
.Ltmp1:
0x9d: {  	s13 =	sadd.s32 $0x100, s12;
	[sflag:s30] =	ssyncadd.s32 $0xFFFFC000;
	(pc) =	sbr.rel @p0 .LBB2_4-.Ltmp1, $4  }
0x9e: {  	[tilespmem:s25], [sflag:$0x1] =	stream.indirect.gather [hbm4b:s4+s24], $0x80, s13, s24, $0xb8;
	[tilespmem:$0x1E800] =	vst v63  }
0x9f: {  	_ =	swait.ge [sflag:s31], $0x4000  }
0xa0: {  	[sflag:s31] =	ssyncset.done $0x0  }
0xa1: {  	s12 =	sadd.s32 $0x180, s12;
	[sflag:s31] =	ssyncadd.s32 $0xFFFFC000  }
0xa2: {  	[tilespmem:s26], [sflag:$0x2] =	stream.indirect.gather [hbm4b:s4+s24], $0x80, s12, s24, $0xb8;
	[tilespmem:$0x1E800] =	vst v63  }
0xa3: {  	_ =	swait.ge [sflag:s28], $0x4000  }
0xa4: {  	[sflag:s28] =	ssyncset.done $0x0  }
0xa5: {  	[sflag:s28] =	ssyncadd.s32 $0xFFFFC000  }
0xa6: {  	[spmem:s1] =	stream.indirect.scatter.add.f32 [tilespmem:s25], [sflag:$0x3], $0x80, s0, s24, $0xb8;
	[tilespmem:$0x1E800] =	vst v63  }
0xa7: {  	_ =	swait.ge [sflag:s29], $0x4000  }
0xa8: {  	[sflag:s29] =	ssyncset.done $0x0  }
0xa9: {  	[sflag:s29] =	ssyncadd.s32 $0xFFFFC000  }
0xaa: {  	[spmem:s1] =	stream.indirect.scatter.add.f32 [tilespmem:s26], [sflag:$0x4], $0x80, s3, s24, $0xb8;
	[tilespmem:$0x1E800] =	vst v63  }
0xab: {  	_ =	swait.ge [sflag:s30], $0x4000  }
0xac: {  	[sflag:s30] =	ssyncset.done $0x0  }
0xad: {  	[sflag:s30] =	ssyncadd.s32 $0xFFFFC000  }
0xae: {  	[tilespmem:s25], [sflag:$0x1] =	stream.indirect.gather [hbm4b:s4+s24], $0x80, s5, s24, $0xb8;
	[tilespmem:$0x1E800] =	vst v63  }
0xaf: {  	_ =	swait.ge [sflag:s31], $0x4000  }
0xb0: {  	[sflag:s31] =	ssyncset.done $0x0  }
0xb1: {  	[sflag:s31] =	ssyncadd.s32 $0xFFFFC000  }
0xb2: {  	[tilespmem:s26], [sflag:$0x2] =	stream.indirect.gather [hbm4b:s4+s24], $0x80, s7, s24, $0xb8;
	[tilespmem:$0x1E800] =	vst v63  }
0xb3: {  	_ =	swait.ge [sflag:s28], $0x4000  }
0xb4: {  	[sflag:s28] =	ssyncset.done $0x0  }
0xb5: {  	[sflag:s28] =	ssyncadd.s32 $0xFFFFC000  }
0xb6: {  	[spmem:s1] =	stream.indirect.scatter.add.f32 [tilespmem:s25], [sflag:$0x3], $0x80, s8, s24, $0xb8;
	[tilespmem:$0x1E800] =	vst v63  }
0xb7: {  	_ =	swait.ge [sflag:s29], $0x4000  }
0xb8: {  	[sflag:s29] =	ssyncset.done $0x0  }
0xb9: {  	[sflag:s29] =	ssyncadd.s32 $0xFFFFC000  }
0xba: {  	[spmem:s1] =	stream.indirect.scatter.add.f32 [tilespmem:s26], [sflag:$0x4], $0x80, s9, s24, $0xb8;
	[tilespmem:$0x1E800] =	vst v63  }
0xbb: {  	_ =	swait.ge [sflag:s30], $0x4000  }
0xbc: {  	[sflag:s30] =	ssyncset.done $0x0  }
0xbd: {  	[sflag:s30] =	ssyncadd.s32 $0xFFFFC000  }
0xbe: {  	[tilespmem:s25], [sflag:$0x1] =	stream.indirect.gather [hbm4b:s4+s24], $0x80, s7, s24, $0xb8;
	[tilespmem:$0x1E800] =	vst v63  }
0xbf: {  	_ =	swait.ge [sflag:s31], $0x4000  }
0xc0: {  	[sflag:s31] =	ssyncset.done $0x0  }
0xc1: {  	[sflag:s31] =	ssyncadd.s32 $0xFFFFC000  }
0xc2: {  	[tilespmem:s26], [sflag:$0x2] =	stream.indirect.gather [hbm4b:s4+s24], $0x80, s7, s24, $0xb8;
	[tilespmem:$0x1E800] =	vst v63  }
0xc3: {  	_ =	swait.ge [sflag:s28], $0x4000  }
0xc4: {  	[sflag:s28] =	ssyncset.done $0x0  }
0xc5: {  	[sflag:s28] =	ssyncadd.s32 $0xFFFFC000  }
0xc6: {  	_ =	swait.ge [sflag:s29], $0x4000  }
0xc7: {  	[sflag:s29] =	ssyncset.done $0x0  }
0xc8: {  	[sflag:s29] =	ssyncadd.s32 $0xFFFFC000  }
0xc9: {  	[bflag:$0x0] =	sbarrier.arrive $0xFFFF  }
0xca: {  	[tilespmem:s25], [sflag:$0x5] =	stream.linear.gather [spmem:s6], $0x4000, $0x38;
	[tilespmem:$0x1E800] =	vst v63  }
0xcb: {  	_ =	swait.ge [sflag:s22], $0x4000  }
0xcc: {  	[sflag:s22] =	ssyncset.done $0x0  }
0xcd: {  	s11 =	rddreg [dreg:$0xa];
	[sflag:s22] =	ssyncadd.s32 $0xFFFFC000  }
0xce: {  	[hbm4b:s11+s2] =	stream.linear.scatter [tilespmem:s25], [sflag:$0x5], $0x4000, $0x38;
	[tilespmem:$0x1E800] =	vst v63  }
0xcf: {  	_ =	swait.ge [sflag:s22], $0x4000  }
0xd0: {  	[sflag:s22] =	ssyncset.done $0x0  }
0xd1: {  	s13 =	rddreg [dreg:$0xb];
	[sflag:s22] =	ssyncadd.s32 $0xFFFFC000  }
0xd2: {  	[tilespmem:s25], [sflag:$0x5] =	stream.linear.gather [spmem:s13], $0x4000, $0x38;
	[tilespmem:$0x1E800] =	vst v63  }
0xd3: {  	_ =	swait.ge [sflag:s22], $0x4000  }
0xd4: {  	[sflag:s22] =	ssyncset.done $0x0  }
0xd5: {  	[sflag:s22] =	ssyncadd.s32 $0xFFFFC000  }
0xd6: {  	[hbm4b:s14+s2] =	stream.linear.scatter [tilespmem:s25], [sflag:$0x5], $0x4000, $0x38;
	[tilespmem:$0x1E800] =	vst v63  }
0xd7: {  	_ =	swait.ge [sflag:s22], $0x4000  }
0xd8: {  	[sflag:s22] =	ssyncset.done $0x0  }
0xd9: {  	[sflag:s22] =	ssyncadd.s32 $0xFFFFC000  }
0xda: {  	[tilespmem:s25], [sflag:$0x5] =	stream.linear.gather [spmem:s15], $0x4000, $0x38;
	[tilespmem:$0x1E800] =	vst v63  }
0xdb: {  	_ =	swait.ge [sflag:s22], $0x4000  }
0xdc: {  	[sflag:s22] =	ssyncset.done $0x0  }
0xdd: {  	[sflag:s22] =	ssyncadd.s32 $0xFFFFC000  }
0xde: {  	[hbm4b:s16+s2] =	stream.linear.scatter [tilespmem:s25], [sflag:$0x5], $0x4000, $0x38;
	[tilespmem:$0x1E800] =	vst v63  }
0xdf: {  	_ =	swait.ge [sflag:s22], $0x4000  }
0xe0: {  	[sflag:s22] =	ssyncset.done $0x0  }
0xe1: {  	[sflag:s22] =	ssyncadd.s32 $0xFFFFC000  }
0xe2: {  	[tilespmem:s25], [sflag:$0x5] =	stream.linear.gather [spmem:s17], $0x4000, $0x38;
	[tilespmem:$0x1E800] =	vst v63  }
0xe3: {  	_ =	swait.ge [sflag:s22], $0x4000  }
0xe4: {  	[sflag:s22] =	ssyncset.done $0x0  }
0xe5: {  	[sflag:s22] =	ssyncadd.s32 $0xFFFFC000  }
0xe6: {  	[hbm4b:s18+s2] =	stream.linear.scatter [tilespmem:s25], [sflag:$0x5], $0x4000, $0x38;
	[tilespmem:$0x1E800] =	vst v63  }
0xe7: {  	_ =	swait.ge [sflag:s22], $0x4000  }
0xe8: {  	[sflag:s22] =	ssyncset.done $0x0  }
0xe9: {  	[sflag:s22] =	ssyncadd.s32 $0xFFFFC000  }
0xea: {  	[tilespmem:s25], [sflag:$0x5] =	stream.linear.gather [spmem:s19], $0x4000, $0x38;
	[tilespmem:$0x1E800] =	vst v63  }
0xeb: {  	s10 =	sadd.s32 $0x1, s10;
	_ =	swait.ge [sflag:s22], $0x4000  }
0xec: {  	p0 =	sne.s32 s10, s21;
	[sflag:s22] =	ssyncset.done $0x0  }
.Ltmp2:
0xed: {  	[sflag:s22] =	ssyncadd.s32 $0xFFFFC000;
	(pc) =	sbr.rel @p0 .LBB2_1-.Ltmp2, $4  }
0xee: {  	[hbm4b:s20+s2] =	stream.linear.scatter [tilespmem:s25], [sflag:$0x5], $0x4000, $0x38;
	[tilespmem:$0x1E800] =	vst v63  }
0xef: {  	_ =	swait.ge [sflag:s22], $0x4000  }
0xf0: {  	[sflag:s22] =	ssyncset.done $0x0  }
0xf1: {  	[sflag:s22] =	ssyncadd.s32 $0xFFFFC000  }
0xf2: {  	_ =	sfence.sel $0x180000  }
0xf3: {  	[bflag:$0x0] =	sbarrier.arrive $0xFFFF  }
0xf4: {  	_ =	strace $0x9000004A  }
0xf5: {  	s0 =	stileid.u32;
	[bflag:$0x2] =	sbarrier.arrive $0xFFFF  }
0xf6: {  	p0 =	sne.s32 s0, $0x0;
	s0 =	rddreg [dreg:$0x3]  }
0xf7: {  	s0 =	sadd.s32 @!p0 $0x100000, s0  }
0xf8: {  	[sflag:s0] =	ssyncadd.tile.s32 @!p0 $0x1;
	_ =	shalt  }
.Lfunc_end2:
_tile_overlayer_lowered:
.L_overlay_start_2:
0xf9: {  	(tag) =	ssettag $0x2  }
0xfa: {  	s0 =	rddreg [dreg:$0x0];
	s2 =	stileid.u32  }
0xfb: {  	s1 =	rddreg [dreg:$0x1];
	p0 =	sne.s32 s2, $0x0  }
0xfc: {  	s3 =	rddreg [dreg:$0x2];
	[bflag:$0x3] =	sbarrier.arrive $0xFFFF;
	s2 =	simm.s32 @!p0 $0x1C05  }
0xfd: {  	[timem:s3], [sflag:s2] =	dma.local @!p0 [hbm:s0], s1  }
0xfe: {  	s0 =	simm.s32 @!p0 $0x5  }
0xff: {  	_ =	swait.ge @!p0 [sflag:s0], s1  }
0x100: {  	s1 =	ssub.s32 @!p0 $0x0, s1;
	[sflag:s0] =	ssyncset.done @!p0 $0x0  }
0x101: {  	[sflag:s0] =	ssyncadd.s32 @!p0 s1  }
0x102: {  	[bflag:$0x3] =	sbarrier.arrive $0xFFFF  }
0x103: {  	_ =	shalt  }

// kernel: kernel.16.cloned.1.call-start
scs
__scs_entry_jumppad:
0x0: {  	(pc) =	sbr.rel $0x88, $3  }
0x1: {  	(tag) =	ssettag $0x0;
	lr =	simm.s32 $0x1  }
0x2: {  	[smem:$0x3F97] =	sst lr;
	_ =	strace $0xD0000000  }
0x3: {  	_ = 	snop  }
0x4: {  	_ = 	snop  }
0x5: {  	_ = 	snop  }
0x6: {  	_ = 	snop  }
0x7: {  	_ = 	snop  }
__scs_overlays_trampoline_lowered:
0x8: {  	[smem:$0x3FA6] =	sst s0  }
0x9: {  	[smem:$0x3FA7] =	sst s1  }
0xa: {  	[smem:$0x3FA8] =	sst s2  }
0xb: {  	[smem:$0x3FA9] =	sst s3  }
0xc: {  	[smem:$0x3FAA] =	sst s4  }
0xd: {  	[smem:$0x3FAB] =	sst s5  }
0xe: {  	[smem:$0x3FAC] =	sst s6  }
0xf: {  	[smem:$0x3FAD] =	sst s7  }
0x10: {  	[smem:$0x3FAE] =	sst s8  }
0x11: {  	[smem:$0x3FAF] =	sst s9;
	s0 =	simm.s32 @!p0 $0x0  }
0x12: {  	s1 =	sld [smem:$0x3F95];
	s0 =	simm.s32 @p0 $0x1  }
0x13: {  	[smem:$0x3FB0] =	sst s0;
	s0 =	simm.s32 @!p1 $0x0  }
0x14: {  	s2 =	sld [smem:$0x3F94];
	s0 =	simm.s32 @p1 $0x1  }
0x15: {  	[smem:$0x3FB1] =	sst s0;
	s0 =	simm.s32 @!p2 $0x0  }
0x16: {  	s3 =	sld [smem:$0x3FDB];
	s0 =	simm.s32 @p2 $0x1  }
0x17: {  	s4 =	simm.s32 $0x1BF5;
	[smem:$0x3FB3] =	sst s0  }
0x18: {  	s0 =	sld [smem:$0x3F96];
	_ =	swait.ge [sflag:s4], $0x0  }
0x19: {  	s7 =	sld [smem:$0x3F97]  }
0x1a: {  	s8 =	sadd.s32 $0xFFFFE003, lr  }
0x1b: {  	s9 =	sadd.s32 $0xFFFFFEF7, lr;
	s5 =	simm.s32 $0xFFFFFFFF;
	p2 =	slt.u32 s8, $0xFFFFF086  }
0x1c: {  	p1 =	slt.u32 s9, $0xF7A;
	s5 =	simm.s32 @!p2 $0x0  }
0x1d: {  	s5 =	simm.s32 @p1 $0x1;
	p0 =	seq.s32 s7, s2  }
0x1e: {  	s7 =	smul.u32 @!p0 $0xF7A, s2;
	p2 =	seq.s32 @!p0 s5, $0x0  }
0x1f: {  	s9 =	smul.u32 $0xF7A, s1;
	s8 =	simm.s32 @!p0 $0x1BF5;
	p2 =	por !p2, p0  }
0x20: {  	[sflag:s8] =	ssyncset.s32 @!p0 $0xFFFFF086;
	s6 =	sadd.s32 @!p0 s3, s7;
	s7 =	simm.s32 @!p0 $0x108  }
0x21: {  	s3 =	sadd.s32 s3, s9;
	s6 =	sadd.s32 @!p0 $0x88, s6;
	s7 =	simm.s32 @p2 $0x1082  }
0x22: {  	[simem:s7], [sflag:s8] =	dma.local @!p0 [hbm:s6], $0xF7A  }
0x23: {  	s9 =	sor.u32 $0xD0000000, s2;
	s6 =	simm.s32 $0x108;
	_ =	swait.ge @!p0 [sflag:s8], $0x0  }
0x24: {  	s3 =	sadd.s32 $0x88, s3;
	s6 =	simm.s32 @!p1 $0x1082;
	[sflag:s4] =	ssyncset.s32 $0xFFFFF086  }
0x25: {  	[simem:s6], [sflag:s4] =	dma.local [hbm:s3], $0xF7A  }
0x26: {  	[smem:$0x3F97] =	sst s1;
	(tag) =	ssettag s2;
	_ =	strace s9  }
0x27: {  	s1 =	sld [smem:$0x3FA7]  }
0x28: {  	s2 =	sld [smem:$0x3FA8]  }
0x29: {  	s4 =	sld [smem:$0x3FAA]  }
0x2a: {  	p0 =	seq.s32 s5, $0x0;
	s5 =	sld [smem:$0x3FAB]  }
0x2b: {  	s6 =	sld [smem:$0x3FAC]  }
0x2c: {  	s7 =	sld [smem:$0x3FAD]  }
0x2d: {  	s3 =	simm.s32 $0x108;
	s8 =	sld [smem:$0x3FAE]  }
0x2e: {  	s3 =	simm.s32 @!p0 $0x1082;
	s9 =	sld [smem:$0x3FAF]  }
0x2f: {  	lr =	sadd.s32 s0, s3;
	s0 =	sld [smem:$0x3FA6]  }
0x30: {  	s3 =	sld [smem:$0x3FA9]  }
0x31: {  	[smem:$0x3FB2] =	sst s10  }
0x32: {  	s10 =	sld [smem:$0x3FB0];
	_ =	sdelay $0x3  }
0x33: {  	p0 =	seq.s32 s10, $0x1;
	s10 =	sld [smem:$0x3FB2];
	_ =	sdelay $0x3  }
0x34: {  	[smem:$0x3FB2] =	sst s10  }
0x35: {  	s10 =	sld [smem:$0x3FB1];
	_ =	sdelay $0x3  }
0x36: {  	p1 =	seq.s32 s10, $0x1;
	s10 =	sld [smem:$0x3FB2];
	_ =	sdelay $0x3  }
0x37: {  	[smem:$0x3FB2] =	sst s10  }
0x38: {  	s10 =	sld [smem:$0x3FB3]  }
0x39: {  	_ = 	snop;
	(pc) =	sbr.ind lr, $3  }
0x3a: {  	_ = 	snop  }
0x3b: {  	_ = 	snop  }
0x3c: {  	p2 =	seq.s32 s10, $0x1;
	s10 =	sld [smem:$0x3FB2]  }
0x3d: {  	_ =	shalt  }
0x3e: {  	_ =	shalt  }
0x3f: {  	_ =	shalt  }
0x40: {  	_ =	shalt  }
0x41: {  	_ =	shalt  }
0x42: {  	_ =	shalt  }
0x43: {  	_ =	shalt  }
0x44: {  	_ =	shalt  }
0x45: {  	_ =	shalt  }
0x46: {  	_ =	shalt  }
0x47: {  	_ =	shalt  }
0x48: {  	_ =	shalt  }
0x49: {  	_ =	shalt  }
0x4a: {  	_ =	shalt  }
0x4b: {  	_ =	shalt  }
0x4c: {  	_ =	shalt  }
0x4d: {  	_ =	shalt  }
0x4e: {  	_ =	shalt  }
0x4f: {  	_ =	shalt  }
0x50: {  	_ =	shalt  }
0x51: {  	_ =	shalt  }
0x52: {  	_ =	shalt  }
0x53: {  	_ =	shalt  }
0x54: {  	_ =	shalt  }
0x55: {  	_ =	shalt  }
0x56: {  	_ =	shalt  }
0x57: {  	_ =	shalt  }
0x58: {  	_ =	shalt  }
0x59: {  	_ =	shalt  }
0x5a: {  	_ =	shalt  }
0x5b: {  	_ =	shalt  }
0x5c: {  	_ =	shalt  }
0x5d: {  	_ =	shalt  }
0x5e: {  	_ =	shalt  }
0x5f: {  	_ =	shalt  }
0x60: {  	_ =	shalt  }
0x61: {  	_ =	shalt  }
0x62: {  	_ =	shalt  }
0x63: {  	_ =	shalt  }
0x64: {  	_ =	shalt  }
0x65: {  	_ =	shalt  }
0x66: {  	_ =	shalt  }
0x67: {  	_ =	shalt  }
0x68: {  	_ =	shalt  }
0x69: {  	_ =	shalt  }
0x6a: {  	_ =	shalt  }
0x6b: {  	_ =	shalt  }
0x6c: {  	_ =	shalt  }
0x6d: {  	_ =	shalt  }
0x6e: {  	_ =	shalt  }
0x6f: {  	_ =	shalt  }
0x70: {  	_ =	shalt  }
0x71: {  	_ =	shalt  }
0x72: {  	_ =	shalt  }
0x73: {  	_ =	shalt  }
0x74: {  	_ =	shalt  }
0x75: {  	_ =	shalt  }
0x76: {  	_ =	shalt  }
0x77: {  	_ =	shalt  }
0x78: {  	_ =	shalt  }
0x79: {  	_ =	shalt  }
0x7a: {  	_ =	shalt  }
0x7b: {  	_ =	shalt  }
0x7c: {  	_ =	shalt  }
0x7d: {  	_ =	shalt  }
0x7e: {  	_ =	shalt  }
0x7f: {  	_ =	shalt  }
0x80: {  	_ =	shalt  }
0x81: {  	_ =	shalt  }
0x82: {  	_ =	shalt  }
0x83: {  	_ =	shalt  }
0x84: {  	_ =	shalt  }
0x85: {  	_ =	shalt  }
0x86: {  	_ =	shalt  }
0x87: {  	_ =	shalt  }
.Lfunc_end0:
.L_simem_size_0:
called_computation.2_lowered:
.L_overlay_start_0:
0x88: {  	s2 =	sld [smem:$0x3FD9]  }
0x89: {  	s3 =	sld [smem:$0x3FFE];
	_ =	sdelay $0x1  }
0x8a: {  	s1 =	srdreg.scid  }
0x8b: {  	s0 =	sand.u32 $0x1, s1  }
0x8c: {  	s17 =	sshll.u32 s0, $0xA;
	s2 =	sadd.s32 s3, s2  }
0x8d: {  	s2 =	sadd.s32 s2, s17  }
0x8e: {  	[smem:$0x3FBE] =	sst s2  }
0x8f: {  	_ = 	snop  }
0x90: {  	s2 =	sld [smem:$0x3FD0];
	(tm) =	ssettm $0x1  }
0x91: {  	s18 =	sld [smem:$0x3FFB];
	_ =	sdelay $0x3  }
0x92: {  	_ =	strace s18  }
0x93: {  	s3 =	sld [smem:$0x3FFC];
	_ =	sdelay $0x3  }
0x94: {  	_ =	strace s3  }
0x95: {  	s3 =	sld [smem:$0x3FFD];
	_ =	sdelay $0x3  }
0x96: {  	_ =	strace s3  }
0x97: {  	_ =	strace $0x8FFFFFFF  }
0x98: {  	s19 =	sld [smem:$0x3FDB];
	_ =	sdelay $0x1  }
0x99: {  	s4 =	simm.s32 $_scs_section_size  }
0x9a: {  	s5 =	simm.s32 $_size__tile_overlayer_lowered;
	s6 =	simm.s32 $_tile_overlayer_lowered  }
0x9b: {  	s22 =	simm.s32 $0x1BFF;
	s21 =	sshll.u32 s6, $0x1;
	s3 =	sadd.s32 s4, s19  }
0x9c: {  	s7 =	simm.s32 $0x0;
	s20 =	sshll.u32 s5, $0x1;
	s5 =	sadd.s32 s21, s3  }
0x9d: {  	[timem:s7], [sflag:s22] =	dma.local [hbm:s5], s20  }
0x9e: {  	_ =	swait.ge [sflag:s22], s20  }
0x9f: {  	s4 =	ssub.s32 $0x0, s20;
	[sflag:s22] =	ssyncset.done $0x0  }
0xa0: {  	[sflag:s22] =	ssyncadd.s32 s4;
	_ =	sdelay $0x1  }
0xa1: {  	s23 =	simm.s32 $0x1B8B  }
0xa2: {  	_ =	swait.ge [sflag:s23], $0x1  }
0xa3: {  	[sflag:s23] =	ssyncset.done $0x0  }
0xa4: {  	s25 =	simm.s32 $0x1B8E;
	s24 =	sld [smem:$0x3FFE];
	[sflag:s23] =	ssyncadd.s32 $0xFFFFFFFF  }
0xa5: {  	s26 =	simm.s32 $execute0_lowered;
	[smem:$0x3FD2] =	sst s25  }
0xa6: {  	s5 =	sshll.u32 s26, $0x1;
	_ =	strace $0x8000004C;
	[dreg:$0x1] =	wrdreg $0xFFFFFFFF  }
0xa7: {  	s28 =	simm.s32 $_size_execute0_lowered;
	s3 =	sadd.s32 s3, s5;
	[dreg:$0x0] =	wrdreg $0x0  }
0xa8: {  	s5 =	sshll.u32 s28, $0x1;
	[dreg:$0x2] =	wrdreg s3  }
0xa9: {  	[dreg:$0x3] =	wrdreg s5  }
0xaa: {  	[dreg:$0x4] =	wrdreg $0xC0  }
0xab: {  	_ =	task [dreg:s7], $0x5FFFF  }
0xac: {  	[dreg:$0x1] =	wrdreg $0xFFFFFFFF  }
0xad: {  	[dreg:$0x0] =	wrdreg $0x60  }
0xae: {  	[dreg:$0x2] =	wrdreg s24  }
0xaf: {  	[dreg:$0x3] =	wrdreg s2  }
0xb0: {  	[dreg:$0x4] =	wrdreg $0xA8000  }
0xb1: {  	[dreg:$0x5] =	wrdreg $0x9  }
0xb2: {  	_ =	task.clear_ibuf [dreg:s7], $0x6FFFF;
	_ =	strace $0x9000004C  }
0xb3: {  	s29 =	simm.s32 $0x9;
	_ =	strace $0x8000004E  }
0xb4: {  	_ =	swait.ge [sflag:s29], $0x1  }
0xb5: {  	[sflag:s29] =	ssyncadd.s32 $0xFFFFFFFF  }
0xb6: {  	_ =	strace $0x9000004E  }
0xb7: {  	_ =	sfence  }
0xb8: {  	s30 =	sld [smem:$0x0];
	_ =	sdelay $0x2  }
0xb9: {  	s31 =	sshll.u32 s1, $0xD;
	s1 =	sshrl.u32 s1, $0x2  }
0xba: {  	s3 =	sand.u32 $0x4000, s31;
	s1 =	sadd.s32 s1, s30  }
0xbb: {  	s0 =	sor.u32 s3, s0;
	s1 =	sshll.u32 s1, $0x11  }
0xbc: {  	s0 =	sor.u32 s1, s0  }
0xbd: {  	s0 =	sadd.s32 $0x8F2B, s0  }
0xbe: {  	[sflag:s0] =	ssyncadd.remote.s32 $0x1  }
0xbf: {  	_ =	sfence.sel $0xFFFF  }
0xc0: {  	[dreg:$0x0] =	wrdreg $0xFFFFFFFF;
	(pc) =	sbr.abs _section_cstart, $3  }
0xc1: {  	[dreg:$0x1] =	wrdreg $0xFFFFFFFF  }
0xc2: {  	_ =	task.clear_ibuf [dreg:s7], $0x2FFFF;
	_ =	strace $0x9FFFFFFF  }
0xc3: {  	(tm) =	ssettm $0x7FFFFFFF  }
tec
execute0_lowered:
.L_overlay_start_1:
0x0: {  	(tag) =	ssettag $0x1  }
0x1: {  	s0 =	rddreg [dreg:$0x0]  }
0x2: {  	s3 =	rddreg [dreg:$0x1]  }
0x3: {  	s1 =	rddreg [dreg:$0x2];
	s2 =	simm.s32 $0x0;
	s6 =	srdreg.scid  }
0x4: {  	s11 =	stileid.u32;
	s28 =	simm.s32 $0x1;
	s29 =	simm.s32 $0x2  }
0x5: {  	s30 =	simm.s32 $0x3;
	s31 =	simm.s32 $0x4;
	[smem:$0x7FF] =	sst s2  }
0x6: {  	s4 =	sadd.s32 $0xDE00, s0;
	s5 =	sadd.s32 $0x3E00, s0;
	s7 =	sadd.s32 $0x35E00, s0  }
0x7: {  	s23 =	sand.u32 $0x1, s6;
	s8 =	sshll.u32 s11, $0x1;
	s9 =	smul.u32 $0x50000, s11  }
0x8: {  	s0 =	sadd.s32 $0x38600, s0;
	s25 =	sshll.u32 s11, $0x6;
	s26 =	smul.u32 $0x14000, s11  }
0x9: {  	_ =	strace $0x8000004D;
	[dreg:$0x4] =	wrdreg s7;
	s6 =	ssub.s32 $0x2, s23  }
0xa: {  	s8 =	sor.u32 s23, s8;
	s7 =	smul.u32 $0x140000, s23;
	s10 =	sshrl.u32 s6, $0x1  }
0xb: {  	s24 =	sshrl.u32 s9, $0x2;
	s8 =	smul.u32 $0x2800, s8;
	s9 =	sor.u32 $0x1C05, s25  }
0xc: {  	s15 =	sadd.s32 $0x4000, s26;
	s19 =	sadd.s32 $0x8000, s26;
	s22 =	sadd.s32 $0xC000, s26  }
0xd: {  	s10 =	ssub.s32 s6, s10;
	s6 =	sadd.s32 s24, s1;
	[dreg:$0x5] =	wrdreg s9  }
0xe: {  	s14 =	sadd.s32 s26, s7;
	s17 =	sadd.s32 s7, s15;
	s20 =	sadd.s32 s15, s1  }
0xf: {  	s21 =	sadd.s32 s7, s19;
	s15 =	sadd.s32 s19, s1;
	s23 =	sadd.s32 s7, s22  }
0x10: {  	s24 =	sadd.s32 $0x10000, s26;
	s9 =	simm.s32 $0x2780;
	s8 =	sshrl.u32 s8, $0x3  }
0x11: {  	s16 =	sshrl.u32 s14, $0x3;
	s18 =	sshrl.u32 s17, $0x3;
	[dreg:$0xb] =	wrdreg s20  }
0x12: {  	s17 =	sadd.s32 s22, s1;
	s25 =	sadd.s32 s7, s24;
	s19 =	sadd.s32 s24, s1  }
0x13: {  	s22 =	simm.s32 $0x5;
	s24 =	simm.s32 $0x80;
	s7 =	simm.s32 $0x1380  }
0x14: {  	s12 =	sadd.s32 s5, s8;
	s13 =	sadd.s32 s3, s8;
	s8 =	sadd.s32 $0x280, s8  }
0x15: {  	s14 =	sadd.s32 s0, s18;
	s26 =	sshrl.u32 s25, $0x3;
	[dreg:$0x6] =	wrdreg s12  }
0x16: {  	s25 =	simm.s32 $0x2800;
	[dreg:$0x7] =	wrdreg s13;
	s5 =	sadd.s32 s5, s8  }
0x17: {  	s3 =	sadd.s32 s3, s8;
	s20 =	sadd.s32 s0, s26;
	[dreg:$0x8] =	wrdreg s5  }
0x18: {  	s26 =	simm.s32 $0x6800;
	[dreg:$0x9] =	wrdreg s3;
	s3 =	sadd.s32 s0, s16  }
0x19: {  	s8 =	simm.s32 $0x2700;
	s5 =	simm.s32 $0x1300;
	[dreg:$0xa] =	wrdreg s3  }
0x1a: {  	s3 =	sshrl.u32 s21, $0x3;
	s21 =	smax.u32 s10, $0x1;
	s10 =	simm.s32 $0x0  }
0x1b: {  	s16 =	sadd.s32 s0, s3;
	s3 =	sshrl.u32 s23, $0x3;
	s23 =	simm.s32 $0x1400  }
0x1c: {  	s18 =	sadd.s32 s0, s3;
	s0 =	simm.s32 $0x2600;
	s3 =	simm.s32 $0x2680  }
.LBB2_1:
0x1d: {  	s12 =	rddreg [dreg:$0x4]  }
0x1e: {  	s11 =	sshrl.u32 s6, $0x3;
	s13 =	rddreg [dreg:$0x5]  }
0x1f: {  	[spmem:s11], [sflag:s13] =	dma.local [hbm:s12], $0x2800  }
0x20: {  	_ =	swait.ge [sflag:s22], $0x2800  }
0x21: {  	[sflag:s22] =	ssyncset.done $0x0  }
0x22: {  	[sflag:s22] =	ssyncadd.s32 $0xFFFFD800  }
0x23: {  	[bflag:$0x0] =	sbarrier.arrive $0xFFFF  }
0x24: {  	s13 =	rddreg [dreg:$0x6]  }
0x25: {  	[tilespmem:s2], [sflag:$0x5] =	stream.linear.gather [hbm4b:s13+s2], $0x1400, $0x38;
	[tilespmem:$0x1E800] =	vst v63  }
0x26: {  	_ =	swait.ge [sflag:s22], $0x1400  }
0x27: {  	[sflag:s22] =	ssyncset.done $0x0  }
0x28: {  	s12 =	rddreg [dreg:$0x7];
	[sflag:s22] =	ssyncadd.s32 $0xFFFFEC00  }
0x29: {  	[tilespmem:s23], [sflag:$0x5] =	stream.linear.gather [hbm4b:s12+s2], $0x1400, $0x38;
	[tilespmem:$0x1E800] =	vst v63  }
0x2a: {  	_ =	swait.ge [sflag:s22], $0x1400  }
0x2b: {  	[sflag:s22] =	ssyncset.done $0x0  }
0x2c: {  	[sflag:s22] =	ssyncadd.s32 $0xFFFFEC00  }
0x2d: {  	[tilespmem:s25], [sflag:$0x1] =	stream.indirect.gather [hbm4b:s4+s24], $0x80, s2, s24, $0xb8;
	[tilespmem:$0x1E800] =	vst v63  }
0x2e: {  	_ = 	snop  }
0x2f: {  	[tilespmem:s26], [sflag:$0x2] =	stream.indirect.gather [hbm4b:s4+s24], $0x80, s24, s24, $0xb8;
	[tilespmem:$0x1E800] =	vst v63  }
0x30: {  	_ =	swait.ge [sflag:s28], $0x4000  }
0x31: {  	[sflag:s28] =	ssyncset.done $0x0  }
0x32: {  	s13 =	simm.s32 $0x1400;
	[sflag:s28] =	ssyncadd.s32 $0xFFFFC000  }
0x33: {  	[spmem:s1] =	stream.indirect.scatter.add.f32 [tilespmem:s25], [sflag:$0x3], $0x80, s13, s24, $0xb8;
	[tilespmem:$0x1E800] =	vst v63  }
0x34: {  	_ =	swait.ge [sflag:s29], $0x4000  }
0x35: {  	[sflag:s29] =	ssyncset.done $0x0  }
0x36: {  	s12 =	simm.s32 $0x1480;
	[sflag:s29] =	ssyncadd.s32 $0xFFFFC000  }
0x37: {  	[spmem:s1] =	stream.indirect.scatter.add.f32 [tilespmem:s26], [sflag:$0x4], $0x80, s12, s24, $0xb8;
	[tilespmem:$0x1E800] =	vst v63  }
0x38: {  	_ =	swait.ge [sflag:s30], $0x4000  }
0x39: {  	[sflag:s30] =	ssyncset.done $0x0  }
0x3a: {  	s13 =	simm.s32 $0x100;
	[sflag:s30] =	ssyncadd.s32 $0xFFFFC000  }
0x3b: {  	[tilespmem:s25], [sflag:$0x1] =	stream.indirect.gather [hbm4b:s4+s24], $0x80, s13, s24, $0xb8;
	[tilespmem:$0x1E800] =	vst v63  }
0x3c: {  	_ =	swait.ge [sflag:s31], $0x4000  }
0x3d: {  	[sflag:s31] =	ssyncset.done $0x0  }
0x3e: {  	s11 =	simm.s32 $0x400;
	s12 =	simm.s32 $0x180;
	[sflag:s31] =	ssyncadd.s32 $0xFFFFC000  }
.LBB2_2:
0x3f: {  	[tilespmem:s26], [sflag:$0x2] =	stream.indirect.gather [hbm4b:s4+s24], $0x80, s12, s24, $0xb8;
	[tilespmem:$0x1E800] =	vst v63  }
0x40: {  	s12 =	smov.u32 s11  }
0x41: {  	p0 =	sne.s32 s11, $0x4400;
	s11 =	sadd.s32 $0x400, s11;
	_ =	swait.ge [sflag:s28], $0x4000  }
0x42: {  	s12 =	sshra.s32 s12, $0x2;
	[sflag:s28] =	ssyncset.done $0x0  }
0x43: {  	s13 =	sadd.s32 $0x1400, s12;
	[sflag:s28] =	ssyncadd.s32 $0xFFFFC000  }
0x44: {  	[spmem:s1] =	stream.indirect.scatter.add.f32 [tilespmem:s25], [sflag:$0x3], $0x80, s13, s24, $0xb8;
	[tilespmem:$0x1E800] =	vst v63  }
0x45: {  	_ =	swait.ge [sflag:s29], $0x4000  }
0x46: {  	[sflag:s29] =	ssyncset.done $0x0  }
0x47: {  	s13 =	sadd.s32 $0x1480, s12;
	[sflag:s29] =	ssyncadd.s32 $0xFFFFC000  }
0x48: {  	[spmem:s1] =	stream.indirect.scatter.add.f32 [tilespmem:s26], [sflag:$0x4], $0x80, s13, s24, $0xb8;
	[tilespmem:$0x1E800] =	vst v63  }
0x49: {  	_ =	swait.ge [sflag:s30], $0x4000  }
0x4a: {  	[sflag:s30] =	ssyncset.done $0x0  }
.Ltmp0:
0x4b: {  	s13 =	sadd.s32 $0x100, s12;
	[sflag:s30] =	ssyncadd.s32 $0xFFFFC000;
	(pc) =	sbr.rel @p0 .LBB2_2-.Ltmp0, $4  }
0x4c: {  	[tilespmem:s25], [sflag:$0x1] =	stream.indirect.gather [hbm4b:s4+s24], $0x80, s13, s24, $0xb8;
	[tilespmem:$0x1E800] =	vst v63  }
0x4d: {  	_ =	swait.ge [sflag:s31], $0x4000  }
0x4e: {  	[sflag:s31] =	ssyncset.done $0x0  }
0x4f: {  	s12 =	sadd.s32 $0x180, s12;
	[sflag:s31] =	ssyncadd.s32 $0xFFFFC000  }
0x50: {  	[tilespmem:s26], [sflag:$0x2] =	stream.indirect.gather [hbm4b:s4+s24], $0x80, s12, s24, $0xb8;
	[tilespmem:$0x1E800] =	vst v63  }
0x51: {  	_ =	swait.ge [sflag:s28], $0x4000  }
0x52: {  	[sflag:s28] =	ssyncset.done $0x0  }
0x53: {  	[sflag:s28] =	ssyncadd.s32 $0xFFFFC000  }
0x54: {  	[spmem:s1] =	stream.indirect.scatter.add.f32 [tilespmem:s25], [sflag:$0x3], $0x80, s0, s24, $0xb8;
	[tilespmem:$0x1E800] =	vst v63  }
0x55: {  	_ =	swait.ge [sflag:s29], $0x4000  }
0x56: {  	[sflag:s29] =	ssyncset.done $0x0  }
0x57: {  	[sflag:s29] =	ssyncadd.s32 $0xFFFFC000  }
0x58: {  	[spmem:s1] =	stream.indirect.scatter.add.f32 [tilespmem:s26], [sflag:$0x4], $0x80, s3, s24, $0xb8;
	[tilespmem:$0x1E800] =	vst v63  }
0x59: {  	_ =	swait.ge [sflag:s30], $0x4000  }
0x5a: {  	[sflag:s30] =	ssyncset.done $0x0  }
0x5b: {  	[sflag:s30] =	ssyncadd.s32 $0xFFFFC000  }
0x5c: {  	[tilespmem:s25], [sflag:$0x1] =	stream.indirect.gather [hbm4b:s4+s24], $0x80, s5, s24, $0xb8;
	[tilespmem:$0x1E800] =	vst v63  }
0x5d: {  	_ =	swait.ge [sflag:s31], $0x4000  }
0x5e: {  	[sflag:s31] =	ssyncset.done $0x0  }
0x5f: {  	[sflag:s31] =	ssyncadd.s32 $0xFFFFC000  }
0x60: {  	[tilespmem:s26], [sflag:$0x2] =	stream.indirect.gather [hbm4b:s4+s24], $0x80, s7, s24, $0xb8;
	[tilespmem:$0x1E800] =	vst v63  }
0x61: {  	_ =	swait.ge [sflag:s28], $0x4000  }
0x62: {  	[sflag:s28] =	ssyncset.done $0x0  }
0x63: {  	[sflag:s28] =	ssyncadd.s32 $0xFFFFC000  }
0x64: {  	[spmem:s1] =	stream.indirect.scatter.add.f32 [tilespmem:s25], [sflag:$0x3], $0x80, s8, s24, $0xb8;
	[tilespmem:$0x1E800] =	vst v63  }
0x65: {  	_ =	swait.ge [sflag:s29], $0x4000  }
0x66: {  	[sflag:s29] =	ssyncset.done $0x0  }
0x67: {  	[sflag:s29] =	ssyncadd.s32 $0xFFFFC000  }
0x68: {  	[spmem:s1] =	stream.indirect.scatter.add.f32 [tilespmem:s26], [sflag:$0x4], $0x80, s9, s24, $0xb8;
	[tilespmem:$0x1E800] =	vst v63  }
0x69: {  	_ =	swait.ge [sflag:s30], $0x4000  }
0x6a: {  	[sflag:s30] =	ssyncset.done $0x0  }
0x6b: {  	[sflag:s30] =	ssyncadd.s32 $0xFFFFC000  }
0x6c: {  	[tilespmem:s25], [sflag:$0x1] =	stream.indirect.gather [hbm4b:s4+s24], $0x80, s7, s24, $0xb8;
	[tilespmem:$0x1E800] =	vst v63  }
0x6d: {  	_ =	swait.ge [sflag:s31], $0x4000  }
0x6e: {  	[sflag:s31] =	ssyncset.done $0x0  }
0x6f: {  	[sflag:s31] =	ssyncadd.s32 $0xFFFFC000  }
0x70: {  	[tilespmem:s26], [sflag:$0x2] =	stream.indirect.gather [hbm4b:s4+s24], $0x80, s7, s24, $0xb8;
	[tilespmem:$0x1E800] =	vst v63  }
0x71: {  	_ =	swait.ge [sflag:s28], $0x4000  }
0x72: {  	[sflag:s28] =	ssyncset.done $0x0  }
0x73: {  	[sflag:s28] =	ssyncadd.s32 $0xFFFFC000  }
0x74: {  	_ =	swait.ge [sflag:s29], $0x4000  }
0x75: {  	[sflag:s29] =	ssyncset.done $0x0  }
0x76: {  	s11 =	simm.s32 $0x0;
	s13 =	rddreg [dreg:$0x8];
	[sflag:s29] =	ssyncadd.s32 $0xFFFFC000  }
0x77: {  	[tilespmem:s11], [sflag:$0x5] =	stream.linear.gather [hbm4b:s13+s11], $0x1400, $0x38;
	[tilespmem:$0x1E800] =	vst v63  }
0x78: {  	_ =	swait.ge [sflag:s22], $0x1400  }
0x79: {  	[sflag:s22] =	ssyncset.done $0x0  }
0x7a: {  	s13 =	rddreg [dreg:$0x9];
	[sflag:s22] =	ssyncadd.s32 $0xFFFFEC00  }
0x7b: {  	[tilespmem:s23], [sflag:$0x5] =	stream.linear.gather [hbm4b:s13+s11], $0x1400, $0x38;
	[tilespmem:$0x1E800] =	vst v63  }
0x7c: {  	_ =	swait.ge [sflag:s22], $0x1400  }
0x7d: {  	[sflag:s22] =	ssyncset.done $0x0  }
0x7e: {  	[sflag:s22] =	ssyncadd.s32 $0xFFFFEC00  }
0x7f: {  	[tilespmem:s25], [sflag:$0x1] =	stream.indirect.gather [hbm4b:s4+s24], $0x80, s11, s24, $0xb8;
	[tilespmem:$0x1E800] =	vst v63  }
0x80: {  	_ = 	snop  }
0x81: {  	[tilespmem:s26], [sflag:$0x2] =	stream.indirect.gather [hbm4b:s4+s24], $0x80, s24, s24, $0xb8;
	[tilespmem:$0x1E800] =	vst v63  }
0x82: {  	_ =	swait.ge [sflag:s28], $0x4000  }
0x83: {  	[sflag:s28] =	ssyncset.done $0x0  }
0x84: {  	s13 =	simm.s32 $0x1400;
	[sflag:s28] =	ssyncadd.s32 $0xFFFFC000  }
0x85: {  	[spmem:s1] =	stream.indirect.scatter.add.f32 [tilespmem:s25], [sflag:$0x3], $0x80, s13, s24, $0xb8;
	[tilespmem:$0x1E800] =	vst v63  }
0x86: {  	_ =	swait.ge [sflag:s29], $0x4000  }
0x87: {  	[sflag:s29] =	ssyncset.done $0x0  }
0x88: {  	s12 =	simm.s32 $0x1480;
	[sflag:s29] =	ssyncadd.s32 $0xFFFFC000  }
0x89: {  	[spmem:s1] =	stream.indirect.scatter.add.f32 [tilespmem:s26], [sflag:$0x4], $0x80, s12, s24, $0xb8;
	[tilespmem:$0x1E800] =	vst v63  }
0x8a: {  	_ =	swait.ge [sflag:s30], $0x4000  }
0x8b: {  	[sflag:s30] =	ssyncset.done $0x0  }
0x8c: {  	s13 =	simm.s32 $0x100;
	[sflag:s30] =	ssyncadd.s32 $0xFFFFC000  }
0x8d: {  	[tilespmem:s25], [sflag:$0x1] =	stream.indirect.gather [hbm4b:s4+s24], $0x80, s13, s24, $0xb8;
	[tilespmem:$0x1E800] =	vst v63  }
0x8e: {  	_ =	swait.ge [sflag:s31], $0x4000  }
0x8f: {  	[sflag:s31] =	ssyncset.done $0x0  }
0x90: {  	s11 =	simm.s32 $0x400;
	s12 =	simm.s32 $0x180;
	[sflag:s31] =	ssyncadd.s32 $0xFFFFC000  }
.LBB2_4:
0x91: {  	[tilespmem:s26], [sflag:$0x2] =	stream.indirect.gather [hbm4b:s4+s24], $0x80, s12, s24, $0xb8;
	[tilespmem:$0x1E800] =	vst v63  }
0x92: {  	s12 =	smov.u32 s11  }
0x93: {  	p0 =	sne.s32 s11, $0x4400;
	s11 =	sadd.s32 $0x400, s11;
	_ =	swait.ge [sflag:s28], $0x4000  }
0x94: {  	s12 =	sshra.s32 s12, $0x2;
	[sflag:s28] =	ssyncset.done $0x0  }
0x95: {  	s13 =	sadd.s32 $0x1400, s12;
	[sflag:s28] =	ssyncadd.s32 $0xFFFFC000  }
0x96: {  	[spmem:s1] =	stream.indirect.scatter.add.f32 [tilespmem:s25], [sflag:$0x3], $0x80, s13, s24, $0xb8;
	[tilespmem:$0x1E800] =	vst v63  }
0x97: {  	_ =	swait.ge [sflag:s29], $0x4000  }
0x98: {  	[sflag:s29] =	ssyncset.done $0x0  }
0x99: {  	s13 =	sadd.s32 $0x1480, s12;
	[sflag:s29] =	ssyncadd.s32 $0xFFFFC000  }
0x9a: {  	[spmem:s1] =	stream.indirect.scatter.add.f32 [tilespmem:s26], [sflag:$0x4], $0x80, s13, s24, $0xb8;
	[tilespmem:$0x1E800] =	vst v63  }
0x9b: {  	_ =	swait.ge [sflag:s30], $0x4000  }
0x9c: {  	[sflag:s30] =	ssyncset.done $0x0  }
.Ltmp1:
0x9d: {  	s13 =	sadd.s32 $0x100, s12;
	[sflag:s30] =	ssyncadd.s32 $0xFFFFC000;
	(pc) =	sbr.rel @p0 .LBB2_4-.Ltmp1, $4  }
0x9e: {  	[tilespmem:s25], [sflag:$0x1] =	stream.indirect.gather [hbm4b:s4+s24], $0x80, s13, s24, $0xb8;
	[tilespmem:$0x1E800] =	vst v63  }
0x9f: {  	_ =	swait.ge [sflag:s31], $0x4000  }
0xa0: {  	[sflag:s31] =	ssyncset.done $0x0  }
0xa1: {  	s12 =	sadd.s32 $0x180, s12;
	[sflag:s31] =	ssyncadd.s32 $0xFFFFC000  }
0xa2: {  	[tilespmem:s26], [sflag:$0x2] =	stream.indirect.gather [hbm4b:s4+s24], $0x80, s12, s24, $0xb8;
	[tilespmem:$0x1E800] =	vst v63  }
0xa3: {  	_ =	swait.ge [sflag:s28], $0x4000  }
0xa4: {  	[sflag:s28] =	ssyncset.done $0x0  }
0xa5: {  	[sflag:s28] =	ssyncadd.s32 $0xFFFFC000  }
0xa6: {  	[spmem:s1] =	stream.indirect.scatter.add.f32 [tilespmem:s25], [sflag:$0x3], $0x80, s0, s24, $0xb8;
	[tilespmem:$0x1E800] =	vst v63  }
0xa7: {  	_ =	swait.ge [sflag:s29], $0x4000  }
0xa8: {  	[sflag:s29] =	ssyncset.done $0x0  }
0xa9: {  	[sflag:s29] =	ssyncadd.s32 $0xFFFFC000  }
0xaa: {  	[spmem:s1] =	stream.indirect.scatter.add.f32 [tilespmem:s26], [sflag:$0x4], $0x80, s3, s24, $0xb8;
	[tilespmem:$0x1E800] =	vst v63  }
0xab: {  	_ =	swait.ge [sflag:s30], $0x4000  }
0xac: {  	[sflag:s30] =	ssyncset.done $0x0  }
0xad: {  	[sflag:s30] =	ssyncadd.s32 $0xFFFFC000  }
0xae: {  	[tilespmem:s25], [sflag:$0x1] =	stream.indirect.gather [hbm4b:s4+s24], $0x80, s5, s24, $0xb8;
	[tilespmem:$0x1E800] =	vst v63  }
0xaf: {  	_ =	swait.ge [sflag:s31], $0x4000  }
0xb0: {  	[sflag:s31] =	ssyncset.done $0x0  }
0xb1: {  	[sflag:s31] =	ssyncadd.s32 $0xFFFFC000  }
0xb2: {  	[tilespmem:s26], [sflag:$0x2] =	stream.indirect.gather [hbm4b:s4+s24], $0x80, s7, s24, $0xb8;
	[tilespmem:$0x1E800] =	vst v63  }
0xb3: {  	_ =	swait.ge [sflag:s28], $0x4000  }
0xb4: {  	[sflag:s28] =	ssyncset.done $0x0  }
0xb5: {  	[sflag:s28] =	ssyncadd.s32 $0xFFFFC000  }
0xb6: {  	[spmem:s1] =	stream.indirect.scatter.add.f32 [tilespmem:s25], [sflag:$0x3], $0x80, s8, s24, $0xb8;
	[tilespmem:$0x1E800] =	vst v63  }
0xb7: {  	_ =	swait.ge [sflag:s29], $0x4000  }
0xb8: {  	[sflag:s29] =	ssyncset.done $0x0  }
0xb9: {  	[sflag:s29] =	ssyncadd.s32 $0xFFFFC000  }
0xba: {  	[spmem:s1] =	stream.indirect.scatter.add.f32 [tilespmem:s26], [sflag:$0x4], $0x80, s9, s24, $0xb8;
	[tilespmem:$0x1E800] =	vst v63  }
0xbb: {  	_ =	swait.ge [sflag:s30], $0x4000  }
0xbc: {  	[sflag:s30] =	ssyncset.done $0x0  }
0xbd: {  	[sflag:s30] =	ssyncadd.s32 $0xFFFFC000  }
0xbe: {  	[tilespmem:s25], [sflag:$0x1] =	stream.indirect.gather [hbm4b:s4+s24], $0x80, s7, s24, $0xb8;
	[tilespmem:$0x1E800] =	vst v63  }
0xbf: {  	_ =	swait.ge [sflag:s31], $0x4000  }
0xc0: {  	[sflag:s31] =	ssyncset.done $0x0  }
0xc1: {  	[sflag:s31] =	ssyncadd.s32 $0xFFFFC000  }
0xc2: {  	[tilespmem:s26], [sflag:$0x2] =	stream.indirect.gather [hbm4b:s4+s24], $0x80, s7, s24, $0xb8;
	[tilespmem:$0x1E800] =	vst v63  }
0xc3: {  	_ =	swait.ge [sflag:s28], $0x4000  }
0xc4: {  	[sflag:s28] =	ssyncset.done $0x0  }
0xc5: {  	[sflag:s28] =	ssyncadd.s32 $0xFFFFC000  }
0xc6: {  	_ =	swait.ge [sflag:s29], $0x4000  }
0xc7: {  	[sflag:s29] =	ssyncset.done $0x0  }
0xc8: {  	[sflag:s29] =	ssyncadd.s32 $0xFFFFC000  }
0xc9: {  	[bflag:$0x0] =	sbarrier.arrive $0xFFFF  }
0xca: {  	[tilespmem:s25], [sflag:$0x5] =	stream.linear.gather [spmem:s6], $0x4000, $0x38;
	[tilespmem:$0x1E800] =	vst v63  }
0xcb: {  	_ =	swait.ge [sflag:s22], $0x4000  }
0xcc: {  	[sflag:s22] =	ssyncset.done $0x0  }
0xcd: {  	s11 =	rddreg [dreg:$0xa];
	[sflag:s22] =	ssyncadd.s32 $0xFFFFC000  }
0xce: {  	[hbm4b:s11+s2] =	stream.linear.scatter [tilespmem:s25], [sflag:$0x5], $0x4000, $0x38;
	[tilespmem:$0x1E800] =	vst v63  }
0xcf: {  	_ =	swait.ge [sflag:s22], $0x4000  }
0xd0: {  	[sflag:s22] =	ssyncset.done $0x0  }
0xd1: {  	s13 =	rddreg [dreg:$0xb];
	[sflag:s22] =	ssyncadd.s32 $0xFFFFC000  }
0xd2: {  	[tilespmem:s25], [sflag:$0x5] =	stream.linear.gather [spmem:s13], $0x4000, $0x38;
	[tilespmem:$0x1E800] =	vst v63  }
0xd3: {  	_ =	swait.ge [sflag:s22], $0x4000  }
0xd4: {  	[sflag:s22] =	ssyncset.done $0x0  }
0xd5: {  	[sflag:s22] =	ssyncadd.s32 $0xFFFFC000  }
0xd6: {  	[hbm4b:s14+s2] =	stream.linear.scatter [tilespmem:s25], [sflag:$0x5], $0x4000, $0x38;
	[tilespmem:$0x1E800] =	vst v63  }
0xd7: {  	_ =	swait.ge [sflag:s22], $0x4000  }
0xd8: {  	[sflag:s22] =	ssyncset.done $0x0  }
0xd9: {  	[sflag:s22] =	ssyncadd.s32 $0xFFFFC000  }
0xda: {  	[tilespmem:s25], [sflag:$0x5] =	stream.linear.gather [spmem:s15], $0x4000, $0x38;
	[tilespmem:$0x1E800] =	vst v63  }
0xdb: {  	_ =	swait.ge [sflag:s22], $0x4000  }
0xdc: {  	[sflag:s22] =	ssyncset.done $0x0  }
0xdd: {  	[sflag:s22] =	ssyncadd.s32 $0xFFFFC000  }
0xde: {  	[hbm4b:s16+s2] =	stream.linear.scatter [tilespmem:s25], [sflag:$0x5], $0x4000, $0x38;
	[tilespmem:$0x1E800] =	vst v63  }
0xdf: {  	_ =	swait.ge [sflag:s22], $0x4000  }
0xe0: {  	[sflag:s22] =	ssyncset.done $0x0  }
0xe1: {  	[sflag:s22] =	ssyncadd.s32 $0xFFFFC000  }
0xe2: {  	[tilespmem:s25], [sflag:$0x5] =	stream.linear.gather [spmem:s17], $0x4000, $0x38;
	[tilespmem:$0x1E800] =	vst v63  }
0xe3: {  	_ =	swait.ge [sflag:s22], $0x4000  }
0xe4: {  	[sflag:s22] =	ssyncset.done $0x0  }
0xe5: {  	[sflag:s22] =	ssyncadd.s32 $0xFFFFC000  }
0xe6: {  	[hbm4b:s18+s2] =	stream.linear.scatter [tilespmem:s25], [sflag:$0x5], $0x4000, $0x38;
	[tilespmem:$0x1E800] =	vst v63  }
0xe7: {  	_ =	swait.ge [sflag:s22], $0x4000  }
0xe8: {  	[sflag:s22] =	ssyncset.done $0x0  }
0xe9: {  	[sflag:s22] =	ssyncadd.s32 $0xFFFFC000  }
0xea: {  	[tilespmem:s25], [sflag:$0x5] =	stream.linear.gather [spmem:s19], $0x4000, $0x38;
	[tilespmem:$0x1E800] =	vst v63  }
0xeb: {  	s10 =	sadd.s32 $0x1, s10;
	_ =	swait.ge [sflag:s22], $0x4000  }
0xec: {  	p0 =	sne.s32 s10, s21;
	[sflag:s22] =	ssyncset.done $0x0  }
.Ltmp2:
0xed: {  	[sflag:s22] =	ssyncadd.s32 $0xFFFFC000;
	(pc) =	sbr.rel @p0 .LBB2_1-.Ltmp2, $4  }
0xee: {  	[hbm4b:s20+s2] =	stream.linear.scatter [tilespmem:s25], [sflag:$0x5], $0x4000, $0x38;
	[tilespmem:$0x1E800] =	vst v63  }
0xef: {  	_ =	swait.ge [sflag:s22], $0x4000  }
0xf0: {  	[sflag:s22] =	ssyncset.done $0x0  }
0xf1: {  	[sflag:s22] =	ssyncadd.s32 $0xFFFFC000  }
0xf2: {  	_ =	sfence.sel $0x180000  }
0xf3: {  	[bflag:$0x0] =	sbarrier.arrive $0xFFFF  }
0xf4: {  	_ =	strace $0x9000004D  }
0xf5: {  	s0 =	stileid.u32;
	[bflag:$0x2] =	sbarrier.arrive $0xFFFF  }
0xf6: {  	p0 =	sne.s32 s0, $0x0;
	s0 =	rddreg [dreg:$0x3]  }
0xf7: {  	s0 =	sadd.s32 @!p0 $0x100000, s0  }
0xf8: {  	[sflag:s0] =	ssyncadd.tile.s32 @!p0 $0x1;
	_ =	shalt  }
.Lfunc_end2:
_tile_overlayer_lowered:
.L_overlay_start_2:
0xf9: {  	(tag) =	ssettag $0x2  }
0xfa: {  	s0 =	rddreg [dreg:$0x0];
	s2 =	stileid.u32  }
0xfb: {  	s1 =	rddreg [dreg:$0x1];
	p0 =	sne.s32 s2, $0x0  }
0xfc: {  	s3 =	rddreg [dreg:$0x2];
	[bflag:$0x3] =	sbarrier.arrive $0xFFFF;
	s2 =	simm.s32 @!p0 $0x1C05  }
0xfd: {  	[timem:s3], [sflag:s2] =	dma.local @!p0 [hbm:s0], s1  }
0xfe: {  	s0 =	simm.s32 @!p0 $0x5  }
0xff: {  	_ =	swait.ge @!p0 [sflag:s0], s1  }
0x100: {  	s1 =	ssub.s32 @!p0 $0x0, s1;
	[sflag:s0] =	ssyncset.done @!p0 $0x0  }
0x101: {  	[sflag:s0] =	ssyncadd.s32 @!p0 s1  }
0x102: {  	[bflag:$0x3] =	sbarrier.arrive $0xFFFF  }
0x103: {  	_ =	shalt  }

</sc_bundles>
